<compile_context>
chip_gen: v7x
topology: tpu7x:2x2x1
jax: 0.10.2.dev20260603
libtpu: 0.0.44.dev20260713+nightly
codegen_flags: <defaults>
</compile_context>

<pallas_src>
import functools

import jax
import jax.numpy as jnp
from jax import lax
from jax.experimental import pallas as pl
from jax.experimental.pallas import tpu as pltpu
from jax.experimental.pallas import tpu_sc as plsc

B = 16384
T = 4
D = 256
V = 304
F_TC = 8192
B_SC = B - F_TC
NC, NS = 2, 16
NW = NC * NS
BPW = B_SC // NW
C = 64
NCHUNK = BPW // C


def _sc_body(idx_hbm, table_hbm, out_hbm,
             idx_v, table_v, out0, out1, sem_o0, sem_o1):
    wid = lax.axis_index("s") * NC + lax.axis_index("c")
    base = wid * BPW
    pltpu.sync_copy(table_hbm, table_v)
    pltpu.sync_copy(idx_hbm.at[pl.ds(base * T, BPW * T)], idx_v)

    outs = (out0, out1)
    sem_o = (sem_o0, sem_o1)

    def odst(c):
        return out_hbm.at[pl.ds(base + c * C, C)]

    iota = lax.iota(jnp.int32, 16)

    def pair_body(p, carry):
        for bu in range(2):
            c = 2 * p + bu
            ob = outs[bu]

            @pl.when(p >= 1)
            def _drain(ob=ob, c=c, bu=bu):
                pltpu.make_async_copy(ob, odst(c - 2), sem_o[bu]).wait()

            @plsc.parallel_loop(0, C, unroll=2)
            def row_body(r, c=c, ob=ob):
                off = (c * C + r) * T
                offv = jnp.full((16,), off, dtype=jnp.int32)
                sidx = []
                for t in range(T):
                    tok = plsc.load_gather(idx_v, [offv + t])
                    sidx.append((tok << 8) + iota)
                gl = V * D - 16 * (D // 16 - 1)
                for d in range(D // 16):
                    dof = 16 * d
                    tv = table_v.at[pl.ds(dof, gl)]
                    a = plsc.load_gather(tv, [sidx[0]])
                    b2 = plsc.load_gather(tv, [sidx[1]])
                    c2 = plsc.load_gather(tv, [sidx[2]])
                    d2 = plsc.load_gather(tv, [sidx[3]])
                    ob[r, pl.ds(dof, 16)] = (a + b2) + (c2 + d2)

            pltpu.async_copy(ob, odst(c), sem_o[bu])
        return carry

    lax.fori_loop(0, NCHUNK // 2, pair_body, 0, unroll=False)

    for c in (NCHUNK - 2, NCHUNK - 1):
        pltpu.make_async_copy(outs[c % 2], odst(c), sem_o[c % 2]).wait()


_sc_embed = functools.partial(
    pl.kernel,
    out_type=jax.ShapeDtypeStruct((B_SC, D), jnp.float32),
    mesh=plsc.VectorSubcoreMesh(core_axis_name="c", subcore_axis_name="s"),
    compiler_params=pltpu.CompilerParams(needs_layout_passes=False),
    scratch_types=[
        pltpu.VMEM((BPW * T,), jnp.int32),
        pltpu.VMEM((V * D,), jnp.float32),
        pltpu.VMEM((C, D), jnp.float32),
        pltpu.VMEM((C, D), jnp.float32),
        pltpu.SemaphoreType.DMA,
        pltpu.SemaphoreType.DMA,
    ],
)(_sc_body)


BLK = 512


def _tc_body(idx_ref, table_ref, out_ref):
    ids = idx_ref[...]
    iota_v = lax.broadcasted_iota(jnp.int32, (BLK, V), 1)
    counts = (ids[:, 0:1] == iota_v).astype(jnp.float32)
    for t in range(1, T):
        counts += (ids[:, t:t + 1] == iota_v).astype(jnp.float32)
    out_ref[...] = jnp.dot(
        counts, table_ref[...], preferred_element_type=jnp.float32
    )


_tc_embed = pl.pallas_call(
    _tc_body,
    grid=(F_TC // BLK,),
    in_specs=[
        pl.BlockSpec((BLK, T), lambda i: (i, 0)),
        pl.BlockSpec((V, D), lambda i: (0, 0)),
    ],
    out_specs=pl.BlockSpec((BLK, D), lambda i: (i, 0)),
    out_shape=jax.ShapeDtypeStruct((F_TC, D), jnp.float32),
)


def kernel(tokens_batch_indices, embedding_weight):
    idx = tokens_batch_indices.astype(jnp.int32)
    sc_out = _sc_embed(idx[F_TC:].reshape(-1), embedding_weight.reshape(-1))
    tc_out = _tc_embed(idx[:F_TC], embedding_weight)
    return jnp.concatenate([tc_out, sc_out], axis=0)

# --- scband reference (transcript-rebuilt; emitter-appended) ---
"""Pipeline reference for scband-sensorimotor-vocabulary-40862318854699 (READ-ONLY COPY).

The authoritative reference and input builder live on the scoring server;
editing this copy changes nothing except your own understanding.
"""

import jax, jax.numpy as jnp
import numpy as np

N_TOKENS = 304  # 3 side + 7 coord + 13 semantic + 6 orientation + 1 special + 55 body + 50 joint + 169 muscle
EMBED_DIM = 256
BATCH = 16384
TOKENS_PER_GROUP = 4


def _xavier_uniform(key, shape):
    fan_in, fan_out = shape[1], shape[0]
    limit = np.sqrt(6.0 / (fan_in + fan_out))
    return jax.random.uniform(key, shape, dtype=jnp.float32, minval=-limit, maxval=limit)


def setup_inputs(seed: int = 0) -> dict:
    key = jax.random.key(seed)
    k_idx, k_tab = jax.random.split(key)
    tokens_batch_indices = jax.random.randint(
        k_idx, (BATCH, TOKENS_PER_GROUP), 0, N_TOKENS, dtype=jnp.int64
    ) if jax.config.jax_enable_x64 else jax.random.randint(
        k_idx, (BATCH, TOKENS_PER_GROUP), 0, N_TOKENS, dtype=jnp.int32
    )
    # xavier_uniform init matching nn.init.xavier_uniform_ on [n_tokens, embed_dim]
    embedding_weight = _xavier_uniform(k_tab, (N_TOKENS, EMBED_DIM))
    return {
        "tokens_batch_indices": tokens_batch_indices,
        "embedding_weight": embedding_weight,
    }


def reference(tokens_batch_indices, embedding_weight):
    # Faithful translation of get_embedding_batch: for each composite tuple,
    # gather component token embeddings and sum them -> [batch, embed_dim].
    token_embeddings = jnp.take(embedding_weight, tokens_batch_indices, axis=0)  # [B, T, D]
    return token_embeddings.sum(axis=1)  # [B, D]


if False:  # reference __main__ guard neutralized (emitter)
    out = reference(**setup_inputs())
    print(out.shape, out.dtype)

if __name__ == "__main__":
    import jax
    _d = setup_inputs()
    print(jax.jit(kernel)(*tuple(_d.values())))

</pallas_src>

<mosaic_0001>
#map = affine_map<(d0, d1) -> (0)>
#map1 = affine_map<(d0, d1) -> (0, 0)>
module attributes {stable_mosaic.version = 14 : i64} {
  func.func @_sc_body(%arg0: i32, %arg1: i32, %arg2: memref<32768xi32, #tpu.memory_space<hbm>>, %arg3: memref<77824xf32, #tpu.memory_space<hbm>>, %arg4: memref<8192x256xf32, #tpu.memory_space<hbm>>, %arg5: memref<1024xi32, #tpu.memory_space<vmem>>, %arg6: memref<77824xf32, #tpu.memory_space<vmem>>, %arg7: memref<64x256xf32, #tpu.memory_space<vmem>>, %arg8: memref<64x256xf32, #tpu.memory_space<vmem>>, %arg9: memref<!tpu.dma_semaphore, #tpu.memory_space<semaphore_mem>>, %arg10: memref<!tpu.dma_semaphore, #tpu.memory_space<semaphore_mem>>) attributes {dimension_semantics = [#tpu.dimension_semantics<core_parallel>, #tpu.dimension_semantics<subcore_parallel>], iteration_bounds = array<i64: 2, 16>, scalar_prefetch = 0 : i64, scratch_operands = 6 : i64, tpu.core_type = #tpu.core_type<sc_vector_subcore>, window_params = [{transform_indices = #map}, {transform_indices = #map}, {transform_indices = #map1}]} {
    %mul3A = arith.constant 2 : i32
    %mul3A_0 = arith.muli %arg1, %mul3A : i32
    %add3A = arith.addi %mul3A_0, %arg0 : i32
    %mul3A_1 = arith.constant 256 : i32
    %mul3A_2 = arith.muli %add3A, %mul3A_1 : i32
    "tpu.region"() ({
      %run_scoped3A = tpu.sem_alloc : memref<!tpu.dma_semaphore, #tpu.memory_space<semaphore_mem>>
      tpu.enqueue_dma source(%arg3 : memref<77824xf32, #tpu.memory_space<hbm>>) target(%arg6 : memref<77824xf32, #tpu.memory_space<vmem>>) target_semaphore(%run_scoped3A : memref<!tpu.dma_semaphore, #tpu.memory_space<semaphore_mem>>)
      tpu.wait_dma2 semaphore(%run_scoped3A : memref<!tpu.dma_semaphore, #tpu.memory_space<semaphore_mem>>) src(%arg3 : memref<77824xf32, #tpu.memory_space<hbm>>) dst(%arg6 : memref<77824xf32, #tpu.memory_space<vmem>>)
      tpu.yield
    }) : () -> ()
    %mul3A_3 = arith.constant 4 : i32
    %mul3A_4 = arith.muli %mul3A_2, %mul3A_3 : i32
    "tpu.region"() ({
      %run_scoped3A = tpu.sem_alloc : memref<!tpu.dma_semaphore, #tpu.memory_space<semaphore_mem>>
      %dma_start3A = tpu.memref_slice %arg2[%mul3A_4] : memref<32768xi32, #tpu.memory_space<hbm>> -> memref<1024xi32, #tpu.memory_space<hbm>>
      %dma_start3A_21 = tpu.memref_slice %arg2[%mul3A_4] : memref<32768xi32, #tpu.memory_space<hbm>> -> memref<1024xi32, #tpu.memory_space<hbm>>
      tpu.enqueue_dma source(%dma_start3A_21 : memref<1024xi32, #tpu.memory_space<hbm>>) target(%arg5 : memref<1024xi32, #tpu.memory_space<vmem>>) target_semaphore(%run_scoped3A : memref<!tpu.dma_semaphore, #tpu.memory_space<semaphore_mem>>)
      %dma_wait3A_22 = tpu.memref_slice %arg2[%mul3A_4] : memref<32768xi32, #tpu.memory_space<hbm>> -> memref<1024xi32, #tpu.memory_space<hbm>>
      %dma_wait3A_23 = tpu.memref_slice %arg2[%mul3A_4] : memref<32768xi32, #tpu.memory_space<hbm>> -> memref<1024xi32, #tpu.memory_space<hbm>>
      tpu.wait_dma2 semaphore(%run_scoped3A : memref<!tpu.dma_semaphore, #tpu.memory_space<semaphore_mem>>) src(%dma_wait3A_23 : memref<1024xi32, #tpu.memory_space<hbm>>) dst(%arg5 : memref<1024xi32, #tpu.memory_space<vmem>>)
      tpu.yield
    }) : () -> ()
    %iota3A = tpu.iota {dimensions = array<i32: 0>} : vector<16xi32>
    %scan3A = arith.constant 0 : i32
    %scan3A_5 = arith.constant 0 : i32
    %scan3A_6 = arith.constant 2 : i32
    %scan3A_7 = arith.addi %scan3A_5, %scan3A_6 : i32
    %scan3A_8 = arith.constant 1 : i32
    scf.for %scan3A_21 = %scan3A_5 to %scan3A_7 step %scan3A_8  : i32 {
      %mul3A_22 = arith.constant 2 : i32
      %mul3A_23 = arith.muli %mul3A_22, %scan3A_21 : i32
      %add3A_24 = arith.constant 0 : i32
      %add3A_25 = arith.addi %mul3A_23, %add3A_24 : i32
      %ge3A = arith.constant 1 : i32
      %ge3A_26 = arith.cmpi sge, %scan3A_21, %ge3A : i32
      %convert_element_type3A = arith.extui %ge3A_26 : i1 to i32
      %cond3A = arith.constant 0 : i32
      %cond3A_27 = arith.cmpi ne, %convert_element_type3A, %cond3A : i32
      scf.if %cond3A_27 {
        %sub3A = arith.constant 2 : i32
        %sub3A_55 = arith.subi %add3A_25, %sub3A : i32
        %mul3A_56 = arith.constant 64 : i32
        %mul3A_57 = arith.muli %sub3A_55, %mul3A_56 : i32
        %add3A_58 = arith.addi %mul3A_2, %mul3A_57 : i32
        %dma_wait3A_59 = arith.constant 0 : i32
        %dma_wait3A_60 = tpu.memref_slice %arg4[%add3A_58, %dma_wait3A_59] : memref<8192x256xf32, #tpu.memory_space<hbm>> -> memref<64x256xf32, #tpu.memory_space<hbm>>
        %dma_wait3A_61 = arith.constant 0 : i32
        %dma_wait3A_62 = tpu.memref_slice %arg4[%add3A_58, %dma_wait3A_61] : memref<8192x256xf32, #tpu.memory_space<hbm>> -> memref<64x256xf32, #tpu.memory_space<hbm>>
        tpu.wait_dma2 semaphore(%arg9 : memref<!tpu.dma_semaphore, #tpu.memory_space<semaphore_mem>>) src(%arg7 : memref<64x256xf32, #tpu.memory_space<vmem>>) dst(%dma_wait3A_62 : memref<64x256xf32, #tpu.memory_space<hbm>>)
      } else {
      }
      %parallel_loop3A = arith.constant 0 : i32
      %parallel_loop3A_28 = arith.constant 64 : i32
      %parallel_loop3A_29 = arith.constant 1 : i32
      scf.for %parallel_loop3A_55 = %parallel_loop3A to %parallel_loop3A_28 step %parallel_loop3A_29  : i32 {
        %parallel_loop3A_56 = arith.constant 64 : i32
        %parallel_loop3A_57 = arith.muli %add3A_25, %parallel_loop3A_56 : i32
        %parallel_loop3A_58 = arith.addi %parallel_loop3A_57, %parallel_loop3A_55 : i32
        %parallel_loop3A_59 = arith.constant 4 : i32
        %parallel_loop3A_60 = arith.muli %parallel_loop3A_58, %parallel_loop3A_59 : i32
        %parallel_loop3A_61 = vector.broadcast %parallel_loop3A_60 : i32 to vector<16xi32>
        %parallel_loop3A_62 = arith.constant 0 : i32
        %parallel_loop3A_63 = vector.broadcast %parallel_loop3A_62 : i32 to vector<16xi32>
        %parallel_loop3A_64 = arith.addi %parallel_loop3A_61, %parallel_loop3A_63 : vector<16xi32>
        %parallel_loop3A_65 = tpu.vector_load_idx %arg5[%parallel_loop3A_64] : memref<1024xi32, #tpu.memory_space<vmem>>[vector<16xi32>], vector<16xi32>,
        %parallel_loop3A_66 = arith.constant 8 : i32
        %parallel_loop3A_67 = vector.broadcast %parallel_loop3A_66 : i32 to vector<16xi32>
        %parallel_loop3A_68 = arith.shli %parallel_loop3A_65, %parallel_loop3A_67 : vector<16xi32>
        %parallel_loop3A_69 = arith.addi %parallel_loop3A_68, %iota3A : vector<16xi32>
        %parallel_loop3A_70 = arith.constant 1 : i32
        %parallel_loop3A_71 = vector.broadcast %parallel_loop3A_70 : i32 to vector<16xi32>
        %parallel_loop3A_72 = arith.addi %parallel_loop3A_61, %parallel_loop3A_71 : vector<16xi32>
        %parallel_loop3A_73 = tpu.vector_load_idx %arg5[%parallel_loop3A_72] : memref<1024xi32, #tpu.memory_space<vmem>>[vector<16xi32>], vector<16xi32>,
        %parallel_loop3A_74 = arith.constant 8 : i32
        %parallel_loop3A_75 = vector.broadcast %parallel_loop3A_74 : i32 to vector<16xi32>
        %parallel_loop3A_76 = arith.shli %parallel_loop3A_73, %parallel_loop3A_75 : vector<16xi32>
        %parallel_loop3A_77 = arith.addi %parallel_loop3A_76, %iota3A : vector<16xi32>
        %parallel_loop3A_78 = arith.constant 2 : i32
        %parallel_loop3A_79 = vector.broadcast %parallel_loop3A_78 : i32 to vector<16xi32>
        %parallel_loop3A_80 = arith.addi %parallel_loop3A_61, %parallel_loop3A_79 : vector<16xi32>
        %parallel_loop3A_81 = tpu.vector_load_idx %arg5[%parallel_loop3A_80] : memref<1024xi32, #tpu.memory_space<vmem>>[vector<16xi32>], vector<16xi32>,
        %parallel_loop3A_82 = arith.constant 8 : i32
        %parallel_loop3A_83 = vector.broadcast %parallel_loop3A_82 : i32 to vector<16xi32>
        %parallel_loop3A_84 = arith.shli %parallel_loop3A_81, %parallel_loop3A_83 : vector<16xi32>
        %parallel_loop3A_85 = arith.addi %parallel_loop3A_84, %iota3A : vector<16xi32>
        %parallel_loop3A_86 = arith.constant 3 : i32
        %parallel_loop3A_87 = vector.broadcast %parallel_loop3A_86 : i32 to vector<16xi32>
        %parallel_loop3A_88 = arith.addi %parallel_loop3A_61, %parallel_loop3A_87 : vector<16xi32>
        %parallel_loop3A_89 = tpu.vector_load_idx %arg5[%parallel_loop3A_88] : memref<1024xi32, #tpu.memory_space<vmem>>[vector<16xi32>], vector<16xi32>,
        %parallel_loop3A_90 = arith.constant 8 : i32
        %parallel_loop3A_91 = vector.broadcast %parallel_loop3A_90 : i32 to vector<16xi32>
        %parallel_loop3A_92 = arith.shli %parallel_loop3A_89, %parallel_loop3A_91 : vector<16xi32>
        %parallel_loop3A_93 = arith.addi %parallel_loop3A_92, %iota3A : vector<16xi32>
        %parallel_loop3A_94 = arith.constant 0 : i32
        %parallel_loop3A_95 = tpu.memref_slice %arg6[%parallel_loop3A_94] : memref<77824xf32, #tpu.memory_space<vmem>> -> memref<77584xf32, #tpu.memory_space<vmem>>
        %parallel_loop3A_96 = tpu.vector_load_idx %parallel_loop3A_95[%parallel_loop3A_69] : memref<77584xf32, #tpu.memory_space<vmem>>[vector<16xi32>], vector<16xf32>,
        %parallel_loop3A_97 = arith.constant 0 : i32
        %parallel_loop3A_98 = tpu.memref_slice %arg6[%parallel_loop3A_97] : memref<77824xf32, #tpu.memory_space<vmem>> -> memref<77584xf32, #tpu.memory_space<vmem>>
        %parallel_loop3A_99 = tpu.vector_load_idx %parallel_loop3A_98[%parallel_loop3A_77] : memref<77584xf32, #tpu.memory_space<vmem>>[vector<16xi32>], vector<16xf32>,
        %parallel_loop3A_100 = arith.constant 0 : i32
        %parallel_loop3A_101 = tpu.memref_slice %arg6[%parallel_loop3A_100] : memref<77824xf32, #tpu.memory_space<vmem>> -> memref<77584xf32, #tpu.memory_space<vmem>>
        %parallel_loop3A_102 = tpu.vector_load_idx %parallel_loop3A_101[%parallel_loop3A_85] : memref<77584xf32, #tpu.memory_space<vmem>>[vector<16xi32>], vector<16xf32>,
        %parallel_loop3A_103 = arith.constant 0 : i32
        %parallel_loop3A_104 = tpu.memref_slice %arg6[%parallel_loop3A_103] : memref<77824xf32, #tpu.memory_space<vmem>> -> memref<77584xf32, #tpu.memory_space<vmem>>
        %parallel_loop3A_105 = tpu.vector_load_idx %parallel_loop3A_104[%parallel_loop3A_93] : memref<77584xf32, #tpu.memory_space<vmem>>[vector<16xi32>], vector<16xf32>,
        %parallel_loop3A_106 = arith.addf %parallel_loop3A_96, %parallel_loop3A_99 : vector<16xf32>
        %parallel_loop3A_107 = arith.addf %parallel_loop3A_102, %parallel_loop3A_105 : vector<16xf32>
        %parallel_loop3A_108 = arith.addf %parallel_loop3A_106, %parallel_loop3A_107 : vector<16xf32>
        %parallel_loop3A_109 = arith.index_cast %parallel_loop3A_55 : i32 to index
        %parallel_loop3A_110 = arith.constant 0 : index
        %parallel_loop3A_111 = tpu.vector_load %arg7[%parallel_loop3A_109, %parallel_loop3A_110] {strides = array<i32>} : memref<64x256xf32, #tpu.memory_space<vmem>>, vector<16xf32>,
        tpu.vector_store %arg7[%parallel_loop3A_109, %parallel_loop3A_110], %parallel_loop3A_108 {strides = array<i32>} : memref<64x256xf32, #tpu.memory_space<vmem>>, vector<16xf32>,
        %parallel_loop3A_112 = arith.constant 16 : i32
        %parallel_loop3A_113 = tpu.memref_slice %arg6[%parallel_loop3A_112] : memref<77824xf32, #tpu.memory_space<vmem>> -> memref<77584xf32, #tpu.memory_space<vmem>>
        %parallel_loop3A_114 = tpu.vector_load_idx %parallel_loop3A_113[%parallel_loop3A_69] : memref<77584xf32, #tpu.memory_space<vmem>>[vector<16xi32>], vector<16xf32>,
        %parallel_loop3A_115 = arith.constant 16 : i32
        %parallel_loop3A_116 = tpu.memref_slice %arg6[%parallel_loop3A_115] : memref<77824xf32, #tpu.memory_space<vmem>> -> memref<77584xf32, #tpu.memory_space<vmem>>
        %parallel_loop3A_117 = tpu.vector_load_idx %parallel_loop3A_116[%parallel_loop3A_77] : memref<77584xf32, #tpu.memory_space<vmem>>[vector<16xi32>], vector<16xf32>,
        %parallel_loop3A_118 = arith.constant 16 : i32
        %parallel_loop3A_119 = tpu.memref_slice %arg6[%parallel_loop3A_118] : memref<77824xf32, #tpu.memory_space<vmem>> -> memref<77584xf32, #tpu.memory_space<vmem>>
        %parallel_loop3A_120 = tpu.vector_load_idx %parallel_loop3A_119[%parallel_loop3A_85] : memref<77584xf32, #tpu.memory_space<vmem>>[vector<16xi32>], vector<16xf32>,
        %parallel_loop3A_121 = arith.constant 16 : i32
        %parallel_loop3A_122 = tpu.memref_slice %arg6[%parallel_loop3A_121] : memref<77824xf32, #tpu.memory_space<vmem>> -> memref<77584xf32, #tpu.memory_space<vmem>>
        %parallel_loop3A_123 = tpu.vector_load_idx %parallel_loop3A_122[%parallel_loop3A_93] : memref<77584xf32, #tpu.memory_space<vmem>>[vector<16xi32>], vector<16xf32>,
        %parallel_loop3A_124 = arith.addf %parallel_loop3A_114, %parallel_loop3A_117 : vector<16xf32>
        %parallel_loop3A_125 = arith.addf %parallel_loop3A_120, %parallel_loop3A_123 : vector<16xf32>
        %parallel_loop3A_126 = arith.addf %parallel_loop3A_124, %parallel_loop3A_125 : vector<16xf32>
        %parallel_loop3A_127 = arith.index_cast %parallel_loop3A_55 : i32 to index
        %parallel_loop3A_128 = arith.constant 16 : index
        %parallel_loop3A_129 = tpu.vector_load %arg7[%parallel_loop3A_127, %parallel_loop3A_128] {strides = array<i32>} : memref<64x256xf32, #tpu.memory_space<vmem>>, vector<16xf32>,
        tpu.vector_store %arg7[%parallel_loop3A_127, %parallel_loop3A_128], %parallel_loop3A_126 {strides = array<i32>} : memref<64x256xf32, #tpu.memory_space<vmem>>, vector<16xf32>,
        %parallel_loop3A_130 = arith.constant 32 : i32
        %parallel_loop3A_131 = tpu.memref_slice %arg6[%parallel_loop3A_130] : memref<77824xf32, #tpu.memory_space<vmem>> -> memref<77584xf32, #tpu.memory_space<vmem>>
        %parallel_loop3A_132 = tpu.vector_load_idx %parallel_loop3A_131[%parallel_loop3A_69] : memref<77584xf32, #tpu.memory_space<vmem>>[vector<16xi32>], vector<16xf32>,
        %parallel_loop3A_133 = arith.constant 32 : i32
        %parallel_loop3A_134 = tpu.memref_slice %arg6[%parallel_loop3A_133] : memref<77824xf32, #tpu.memory_space<vmem>> -> memref<77584xf32, #tpu.memory_space<vmem>>
        %parallel_loop3A_135 = tpu.vector_load_idx %parallel_loop3A_134[%parallel_loop3A_77] : memref<77584xf32, #tpu.memory_space<vmem>>[vector<16xi32>], vector<16xf32>,
        %parallel_loop3A_136 = arith.constant 32 : i32
        %parallel_loop3A_137 = tpu.memref_slice %arg6[%parallel_loop3A_136] : memref<77824xf32, #tpu.memory_space<vmem>> -> memref<77584xf32, #tpu.memory_space<vmem>>
        %parallel_loop3A_138 = tpu.vector_load_idx %parallel_loop3A_137[%parallel_loop3A_85] : memref<77584xf32, #tpu.memory_space<vmem>>[vector<16xi32>], vector<16xf32>,
        %parallel_loop3A_139 = arith.constant 32 : i32
        %parallel_loop3A_140 = tpu.memref_slice %arg6[%parallel_loop3A_139] : memref<77824xf32, #tpu.memory_space<vmem>> -> memref<77584xf32, #tpu.memory_space<vmem>>
        %parallel_loop3A_141 = tpu.vector_load_idx %parallel_loop3A_140[%parallel_loop3A_93] : memref<77584xf32, #tpu.memory_space<vmem>>[vector<16xi32>], vector<16xf32>,
        %parallel_loop3A_142 = arith.addf %parallel_loop3A_132, %parallel_loop3A_135 : vector<16xf32>
        %parallel_loop3A_143 = arith.addf %parallel_loop3A_138, %parallel_loop3A_141 : vector<16xf32>
        %parallel_loop3A_144 = arith.addf %parallel_loop3A_142, %parallel_loop3A_143 : vector<16xf32>
        %parallel_loop3A_145 = arith.index_cast %parallel_loop3A_55 : i32 to index
        %parallel_loop3A_146 = arith.constant 32 : index
        %parallel_loop3A_147 = tpu.vector_load %arg7[%parallel_loop3A_145, %parallel_loop3A_146] {strides = array<i32>} : memref<64x256xf32, #tpu.memory_space<vmem>>, vector<16xf32>,
        tpu.vector_store %arg7[%parallel_loop3A_145, %parallel_loop3A_146], %parallel_loop3A_144 {strides = array<i32>} : memref<64x256xf32, #tpu.memory_space<vmem>>, vector<16xf32>,
        %parallel_loop3A_148 = arith.constant 48 : i32
        %parallel_loop3A_149 = tpu.memref_slice %arg6[%parallel_loop3A_148] : memref<77824xf32, #tpu.memory_space<vmem>> -> memref<77584xf32, #tpu.memory_space<vmem>>
        %parallel_loop3A_150 = tpu.vector_load_idx %parallel_loop3A_149[%parallel_loop3A_69] : memref<77584xf32, #tpu.memory_space<vmem>>[vector<16xi32>], vector<16xf32>,
        %parallel_loop3A_151 = arith.constant 48 : i32
        %parallel_loop3A_152 = tpu.memref_slice %arg6[%parallel_loop3A_151] : memref<77824xf32, #tpu.memory_space<vmem>> -> memref<77584xf32, #tpu.memory_space<vmem>>
        %parallel_loop3A_153 = tpu.vector_load_idx %parallel_loop3A_152[%parallel_loop3A_77] : memref<77584xf32, #tpu.memory_space<vmem>>[vector<16xi32>], vector<16xf32>,
        %parallel_loop3A_154 = arith.constant 48 : i32
        %parallel_loop3A_155 = tpu.memref_slice %arg6[%parallel_loop3A_154] : memref<77824xf32, #tpu.memory_space<vmem>> -> memref<77584xf32, #tpu.memory_space<vmem>>
        %parallel_loop3A_156 = tpu.vector_load_idx %parallel_loop3A_155[%parallel_loop3A_85] : memref<77584xf32, #tpu.memory_space<vmem>>[vector<16xi32>], vector<16xf32>,
        %parallel_loop3A_157 = arith.constant 48 : i32
        %parallel_loop3A_158 = tpu.memref_slice %arg6[%parallel_loop3A_157] : memref<77824xf32, #tpu.memory_space<vmem>> -> memref<77584xf32, #tpu.memory_space<vmem>>
        %parallel_loop3A_159 = tpu.vector_load_idx %parallel_loop3A_158[%parallel_loop3A_93] : memref<77584xf32, #tpu.memory_space<vmem>>[vector<16xi32>], vector<16xf32>,
        %parallel_loop3A_160 = arith.addf %parallel_loop3A_150, %parallel_loop3A_153 : vector<16xf32>
        %parallel_loop3A_161 = arith.addf %parallel_loop3A_156, %parallel_loop3A_159 : vector<16xf32>
        %parallel_loop3A_162 = arith.addf %parallel_loop3A_160, %parallel_loop3A_161 : vector<16xf32>
        %parallel_loop3A_163 = arith.index_cast %parallel_loop3A_55 : i32 to index
        %parallel_loop3A_164 = arith.constant 48 : index
        %parallel_loop3A_165 = tpu.vector_load %arg7[%parallel_loop3A_163, %parallel_loop3A_164] {strides = array<i32>} : memref<64x256xf32, #tpu.memory_space<vmem>>, vector<16xf32>,
        tpu.vector_store %arg7[%parallel_loop3A_163, %parallel_loop3A_164], %parallel_loop3A_162 {strides = array<i32>} : memref<64x256xf32, #tpu.memory_space<vmem>>, vector<16xf32>,
        %parallel_loop3A_166 = arith.constant 64 : i32
        %parallel_loop3A_167 = tpu.memref_slice %arg6[%parallel_loop3A_166] : memref<77824xf32, #tpu.memory_space<vmem>> -> memref<77584xf32, #tpu.memory_space<vmem>>
        %parallel_loop3A_168 = tpu.vector_load_idx %parallel_loop3A_167[%parallel_loop3A_69] : memref<77584xf32, #tpu.memory_space<vmem>>[vector<16xi32>], vector<16xf32>,
        %parallel_loop3A_169 = arith.constant 64 : i32
        %parallel_loop3A_170 = tpu.memref_slice %arg6[%parallel_loop3A_169] : memref<77824xf32, #tpu.memory_space<vmem>> -> memref<77584xf32, #tpu.memory_space<vmem>>
        %parallel_loop3A_171 = tpu.vector_load_idx %parallel_loop3A_170[%parallel_loop3A_77] : memref<77584xf32, #tpu.memory_space<vmem>>[vector<16xi32>], vector<16xf32>,
        %parallel_loop3A_172 = arith.constant 64 : i32
        %parallel_loop3A_173 = tpu.memref_slice %arg6[%parallel_loop3A_172] : memref<77824xf32, #tpu.memory_space<vmem>> -> memref<77584xf32, #tpu.memory_space<vmem>>
        %parallel_loop3A_174 = tpu.vector_load_idx %parallel_loop3A_173[%parallel_loop3A_85] : memref<77584xf32, #tpu.memory_space<vmem>>[vector<16xi32>], vector<16xf32>,
        %parallel_loop3A_175 = arith.constant 64 : i32
        %parallel_loop3A_176 = tpu.memref_slice %arg6[%parallel_loop3A_175] : memref<77824xf32, #tpu.memory_space<vmem>> -> memref<77584xf32, #tpu.memory_space<vmem>>
        %parallel_loop3A_177 = tpu.vector_load_idx %parallel_loop3A_176[%parallel_loop3A_93] : memref<77584xf32, #tpu.memory_space<vmem>>[vector<16xi32>], vector<16xf32>,
        %parallel_loop3A_178 = arith.addf %parallel_loop3A_168, %parallel_loop3A_171 : vector<16xf32>
        %parallel_loop3A_179 = arith.addf %parallel_loop3A_174, %parallel_loop3A_177 : vector<16xf32>
        %parallel_loop3A_180 = arith.addf %parallel_loop3A_178, %parallel_loop3A_179 : vector<16xf32>
        %parallel_loop3A_181 = arith.index_cast %parallel_loop3A_55 : i32 to index
        %parallel_loop3A_182 = arith.constant 64 : index
        %parallel_loop3A_183 = tpu.vector_load %arg7[%parallel_loop3A_181, %parallel_loop3A_182] {strides = array<i32>} : memref<64x256xf32, #tpu.memory_space<vmem>>, vector<16xf32>,
        tpu.vector_store %arg7[%parallel_loop3A_181, %parallel_loop3A_182], %parallel_loop3A_180 {strides = array<i32>} : memref<64x256xf32, #tpu.memory_space<vmem>>, vector<16xf32>,
        %parallel_loop3A_184 = arith.constant 80 : i32
        %parallel_loop3A_185 = tpu.memref_slice %arg6[%parallel_loop3A_184] : memref<77824xf32, #tpu.memory_space<vmem>> -> memref<77584xf32, #tpu.memory_space<vmem>>
        %parallel_loop3A_186 = tpu.vector_load_idx %parallel_loop3A_185[%parallel_loop3A_69] : memref<77584xf32, #tpu.memory_space<vmem>>[vector<16xi32>], vector<16xf32>,
        %parallel_loop3A_187 = arith.constant 80 : i32
        %parallel_loop3A_188 = tpu.memref_slice %arg6[%parallel_loop3A_187] : memref<77824xf32, #tpu.memory_space<vmem>> -> memref<77584xf32, #tpu.memory_space<vmem>>
        %parallel_loop3A_189 = tpu.vector_load_idx %parallel_loop3A_188[%parallel_loop3A_77] : memref<77584xf32, #tpu.memory_space<vmem>>[vector<16xi32>], vector<16xf32>,
        %parallel_loop3A_190 = arith.constant 80 : i32
        %parallel_loop3A_191 = tpu.memref_slice %arg6[%parallel_loop3A_190] : memref<77824xf32, #tpu.memory_space<vmem>> -> memref<77584xf32, #tpu.memory_space<vmem>>
        %parallel_loop3A_192 = tpu.vector_load_idx %parallel_loop3A_191[%parallel_loop3A_85] : memref<77584xf32, #tpu.memory_space<vmem>>[vector<16xi32>], vector<16xf32>,
        %parallel_loop3A_193 = arith.constant 80 : i32
        %parallel_loop3A_194 = tpu.memref_slice %arg6[%parallel_loop3A_193] : memref<77824xf32, #tpu.memory_space<vmem>> -> memref<77584xf32, #tpu.memory_space<vmem>>
        %parallel_loop3A_195 = tpu.vector_load_idx %parallel_loop3A_194[%parallel_loop3A_93] : memref<77584xf32, #tpu.memory_space<vmem>>[vector<16xi32>], vector<16xf32>,
        %parallel_loop3A_196 = arith.addf %parallel_loop3A_186, %parallel_loop3A_189 : vector<16xf32>
        %parallel_loop3A_197 = arith.addf %parallel_loop3A_192, %parallel_loop3A_195 : vector<16xf32>
        %parallel_loop3A_198 = arith.addf %parallel_loop3A_196, %parallel_loop3A_197 : vector<16xf32>
        %parallel_loop3A_199 = arith.index_cast %parallel_loop3A_55 : i32 to index
        %parallel_loop3A_200 = arith.constant 80 : index
        %parallel_loop3A_201 = tpu.vector_load %arg7[%parallel_loop3A_199, %parallel_loop3A_200] {strides = array<i32>} : memref<64x256xf32, #tpu.memory_space<vmem>>, vector<16xf32>,
        tpu.vector_store %arg7[%parallel_loop3A_199, %parallel_loop3A_200], %parallel_loop3A_198 {strides = array<i32>} : memref<64x256xf32, #tpu.memory_space<vmem>>, vector<16xf32>,
        %parallel_loop3A_202 = arith.constant 96 : i32
        %parallel_loop3A_203 = tpu.memref_slice %arg6[%parallel_loop3A_202] : memref<77824xf32, #tpu.memory_space<vmem>> -> memref<77584xf32, #tpu.memory_space<vmem>>
        %parallel_loop3A_204 = tpu.vector_load_idx %parallel_loop3A_203[%parallel_loop3A_69] : memref<77584xf32, #tpu.memory_space<vmem>>[vector<16xi32>], vector<16xf32>,
        %parallel_loop3A_205 = arith.constant 96 : i32
        %parallel_loop3A_206 = tpu.memref_slice %arg6[%parallel_loop3A_205] : memref<77824xf32, #tpu.memory_space<vmem>> -> memref<77584xf32, #tpu.memory_space<vmem>>
        %parallel_loop3A_207 = tpu.vector_load_idx %parallel_loop3A_206[%parallel_loop3A_77] : memref<77584xf32, #tpu.memory_space<vmem>>[vector<16xi32>], vector<16xf32>,
        %parallel_loop3A_208 = arith.constant 96 : i32
        %parallel_loop3A_209 = tpu.memref_slice %arg6[%parallel_loop3A_208] : memref<77824xf32, #tpu.memory_space<vmem>> -> memref<77584xf32, #tpu.memory_space<vmem>>
        %parallel_loop3A_210 = tpu.vector_load_idx %parallel_loop3A_209[%parallel_loop3A_85] : memref<77584xf32, #tpu.memory_space<vmem>>[vector<16xi32>], vector<16xf32>,
        %parallel_loop3A_211 = arith.constant 96 : i32
        %parallel_loop3A_212 = tpu.memref_slice %arg6[%parallel_loop3A_211] : memref<77824xf32, #tpu.memory_space<vmem>> -> memref<77584xf32, #tpu.memory_space<vmem>>
        %parallel_loop3A_213 = tpu.vector_load_idx %parallel_loop3A_212[%parallel_loop3A_93] : memref<77584xf32, #tpu.memory_space<vmem>>[vector<16xi32>], vector<16xf32>,
        %parallel_loop3A_214 = arith.addf %parallel_loop3A_204, %parallel_loop3A_207 : vector<16xf32>
        %parallel_loop3A_215 = arith.addf %parallel_loop3A_210, %parallel_loop3A_213 : vector<16xf32>
        %parallel_loop3A_216 = arith.addf %parallel_loop3A_214, %parallel_loop3A_215 : vector<16xf32>
        %parallel_loop3A_217 = arith.index_cast %parallel_loop3A_55 : i32 to index
        %parallel_loop3A_218 = arith.constant 96 : index
        %parallel_loop3A_219 = tpu.vector_load %arg7[%parallel_loop3A_217, %parallel_loop3A_218] {strides = array<i32>} : memref<64x256xf32, #tpu.memory_space<vmem>>, vector<16xf32>,
        tpu.vector_store %arg7[%parallel_loop3A_217, %parallel_loop3A_218], %parallel_loop3A_216 {strides = array<i32>} : memref<64x256xf32, #tpu.memory_space<vmem>>, vector<16xf32>,
        %parallel_loop3A_220 = arith.constant 112 : i32
        %parallel_loop3A_221 = tpu.memref_slice %arg6[%parallel_loop3A_220] : memref<77824xf32, #tpu.memory_space<vmem>> -> memref<77584xf32, #tpu.memory_space<vmem>>
        %parallel_loop3A_222 = tpu.vector_load_idx %parallel_loop3A_221[%parallel_loop3A_69] : memref<77584xf32, #tpu.memory_space<vmem>>[vector<16xi32>], vector<16xf32>,
        %parallel_loop3A_223 = arith.constant 112 : i32
        %parallel_loop3A_224 = tpu.memref_slice %arg6[%parallel_loop3A_223] : memref<77824xf32, #tpu.memory_space<vmem>> -> memref<77584xf32, #tpu.memory_space<vmem>>
        %parallel_loop3A_225 = tpu.vector_load_idx %parallel_loop3A_224[%parallel_loop3A_77] : memref<77584xf32, #tpu.memory_space<vmem>>[vector<16xi32>], vector<16xf32>,
        %parallel_loop3A_226 = arith.constant 112 : i32
        %parallel_loop3A_227 = tpu.memref_slice %arg6[%parallel_loop3A_226] : memref<77824xf32, #tpu.memory_space<vmem>> -> memref<77584xf32, #tpu.memory_space<vmem>>
        %parallel_loop3A_228 = tpu.vector_load_idx %parallel_loop3A_227[%parallel_loop3A_85] : memref<77584xf32, #tpu.memory_space<vmem>>[vector<16xi32>], vector<16xf32>,
        %parallel_loop3A_229 = arith.constant 112 : i32
        %parallel_loop3A_230 = tpu.memref_slice %arg6[%parallel_loop3A_229] : memref<77824xf32, #tpu.memory_space<vmem>> -> memref<77584xf32, #tpu.memory_space<vmem>>
        %parallel_loop3A_231 = tpu.vector_load_idx %parallel_loop3A_230[%parallel_loop3A_93] : memref<77584xf32, #tpu.memory_space<vmem>>[vector<16xi32>], vector<16xf32>,
        %parallel_loop3A_232 = arith.addf %parallel_loop3A_222, %parallel_loop3A_225 : vector<16xf32>
        %parallel_loop3A_233 = arith.addf %parallel_loop3A_228, %parallel_loop3A_231 : vector<16xf32>
        %parallel_loop3A_234 = arith.addf %parallel_loop3A_232, %parallel_loop3A_233 : vector<16xf32>
        %parallel_loop3A_235 = arith.index_cast %parallel_loop3A_55 : i32 to index
        %parallel_loop3A_236 = arith.constant 112 : index
        %parallel_loop3A_237 = tpu.vector_load %arg7[%parallel_loop3A_235, %parallel_loop3A_236] {strides = array<i32>} : memref<64x256xf32, #tpu.memory_space<vmem>>, vector<16xf32>,
        tpu.vector_store %arg7[%parallel_loop3A_235, %parallel_loop3A_236], %parallel_loop3A_234 {strides = array<i32>} : memref<64x256xf32, #tpu.memory_space<vmem>>, vector<16xf32>,
        %parallel_loop3A_238 = arith.constant 128 : i32
        %parallel_loop3A_239 = tpu.memref_slice %arg6[%parallel_loop3A_238] : memref<77824xf32, #tpu.memory_space<vmem>> -> memref<77584xf32, #tpu.memory_space<vmem>>
        %parallel_loop3A_240 = tpu.vector_load_idx %parallel_loop3A_239[%parallel_loop3A_69] : memref<77584xf32, #tpu.memory_space<vmem>>[vector<16xi32>], vector<16xf32>,
        %parallel_loop3A_241 = arith.constant 128 : i32
        %parallel_loop3A_242 = tpu.memref_slice %arg6[%parallel_loop3A_241] : memref<77824xf32, #tpu.memory_space<vmem>> -> memref<77584xf32, #tpu.memory_space<vmem>>
        %parallel_loop3A_243 = tpu.vector_load_idx %parallel_loop3A_242[%parallel_loop3A_77] : memref<77584xf32, #tpu.memory_space<vmem>>[vector<16xi32>], vector<16xf32>,
        %parallel_loop3A_244 = arith.constant 128 : i32
        %parallel_loop3A_245 = tpu.memref_slice %arg6[%parallel_loop3A_244] : memref<77824xf32, #tpu.memory_space<vmem>> -> memref<77584xf32, #tpu.memory_space<vmem>>
        %parallel_loop3A_246 = tpu.vector_load_idx %parallel_loop3A_245[%parallel_loop3A_85] : memref<77584xf32, #tpu.memory_space<vmem>>[vector<16xi32>], vector<16xf32>,
        %parallel_loop3A_247 = arith.constant 128 : i32
        %parallel_loop3A_248 = tpu.memref_slice %arg6[%parallel_loop3A_247] : memref<77824xf32, #tpu.memory_space<vmem>> -> memref<77584xf32, #tpu.memory_space<vmem>>
        %parallel_loop3A_249 = tpu.vector_load_idx %parallel_loop3A_248[%parallel_loop3A_93] : memref<77584xf32, #tpu.memory_space<vmem>>[vector<16xi32>], vector<16xf32>,
        %parallel_loop3A_250 = arith.addf %parallel_loop3A_240, %parallel_loop3A_243 : vector<16xf32>
        %parallel_loop3A_251 = arith.addf %parallel_loop3A_246, %parallel_loop3A_249 : vector<16xf32>
        %parallel_loop3A_252 = arith.addf %parallel_loop3A_250, %parallel_loop3A_251 : vector<16xf32>
        %parallel_loop3A_253 = arith.index_cast %parallel_loop3A_55 : i32 to index
        %parallel_loop3A_254 = arith.constant 128 : index
        %parallel_loop3A_255 = tpu.vector_load %arg7[%parallel_loop3A_253, %parallel_loop3A_254] {strides = array<i32>} : memref<64x256xf32, #tpu.memory_space<vmem>>, vector<16xf32>,
        tpu.vector_store %arg7[%parallel_loop3A_253, %parallel_loop3A_254], %parallel_loop3A_252 {strides = array<i32>} : memref<64x256xf32, #tpu.memory_space<vmem>>, vector<16xf32>,
        %parallel_loop3A_256 = arith.constant 144 : i32
        %parallel_loop3A_257 = tpu.memref_slice %arg6[%parallel_loop3A_256] : memref<77824xf32, #tpu.memory_space<vmem>> -> memref<77584xf32, #tpu.memory_space<vmem>>
        %parallel_loop3A_258 = tpu.vector_load_idx %parallel_loop3A_257[%parallel_loop3A_69] : memref<77584xf32, #tpu.memory_space<vmem>>[vector<16xi32>], vector<16xf32>,
        %parallel_loop3A_259 = arith.constant 144 : i32
        %parallel_loop3A_260 = tpu.memref_slice %arg6[%parallel_loop3A_259] : memref<77824xf32, #tpu.memory_space<vmem>> -> memref<77584xf32, #tpu.memory_space<vmem>>
        %parallel_loop3A_261 = tpu.vector_load_idx %parallel_loop3A_260[%parallel_loop3A_77] : memref<77584xf32, #tpu.memory_space<vmem>>[vector<16xi32>], vector<16xf32>,
        %parallel_loop3A_262 = arith.constant 144 : i32
        %parallel_loop3A_263 = tpu.memref_slice %arg6[%parallel_loop3A_262] : memref<77824xf32, #tpu.memory_space<vmem>> -> memref<77584xf32, #tpu.memory_space<vmem>>
        %parallel_loop3A_264 = tpu.vector_load_idx %parallel_loop3A_263[%parallel_loop3A_85] : memref<77584xf32, #tpu.memory_space<vmem>>[vector<16xi32>], vector<16xf32>,
        %parallel_loop3A_265 = arith.constant 144 : i32
        %parallel_loop3A_266 = tpu.memref_slice %arg6[%parallel_loop3A_265] : memref<77824xf32, #tpu.memory_space<vmem>> -> memref<77584xf32, #tpu.memory_space<vmem>>
        %parallel_loop3A_267 = tpu.vector_load_idx %parallel_loop3A_266[%parallel_loop3A_93] : memref<77584xf32, #tpu.memory_space<vmem>>[vector<16xi32>], vector<16xf32>,
        %parallel_loop3A_268 = arith.addf %parallel_loop3A_258, %parallel_loop3A_261 : vector<16xf32>
        %parallel_loop3A_269 = arith.addf %parallel_loop3A_264, %parallel_loop3A_267 : vector<16xf32>
        %parallel_loop3A_270 = arith.addf %parallel_loop3A_268, %parallel_loop3A_269 : vector<16xf32>
        %parallel_loop3A_271 = arith.index_cast %parallel_loop3A_55 : i32 to index
        %parallel_loop3A_272 = arith.constant 144 : index
        %parallel_loop3A_273 = tpu.vector_load %arg7[%parallel_loop3A_271, %parallel_loop3A_272] {strides = array<i32>} : memref<64x256xf32, #tpu.memory_space<vmem>>, vector<16xf32>,
        tpu.vector_store %arg7[%parallel_loop3A_271, %parallel_loop3A_272], %parallel_loop3A_270 {strides = array<i32>} : memref<64x256xf32, #tpu.memory_space<vmem>>, vector<16xf32>,
        %parallel_loop3A_274 = arith.constant 160 : i32
        %parallel_loop3A_275 = tpu.memref_slice %arg6[%parallel_loop3A_274] : memref<77824xf32, #tpu.memory_space<vmem>> -> memref<77584xf32, #tpu.memory_space<vmem>>
        %parallel_loop3A_276 = tpu.vector_load_idx %parallel_loop3A_275[%parallel_loop3A_69] : memref<77584xf32, #tpu.memory_space<vmem>>[vector<16xi32>], vector<16xf32>,
        %parallel_loop3A_277 = arith.constant 160 : i32
        %parallel_loop3A_278 = tpu.memref_slice %arg6[%parallel_loop3A_277] : memref<77824xf32, #tpu.memory_space<vmem>> -> memref<77584xf32, #tpu.memory_space<vmem>>
        %parallel_loop3A_279 = tpu.vector_load_idx %parallel_loop3A_278[%parallel_loop3A_77] : memref<77584xf32, #tpu.memory_space<vmem>>[vector<16xi32>], vector<16xf32>,
        %parallel_loop3A_280 = arith.constant 160 : i32
        %parallel_loop3A_281 = tpu.memref_slice %arg6[%parallel_loop3A_280] : memref<77824xf32, #tpu.memory_space<vmem>> -> memref<77584xf32, #tpu.memory_space<vmem>>
        %parallel_loop3A_282 = tpu.vector_load_idx %parallel_loop3A_281[%parallel_loop3A_85] : memref<77584xf32, #tpu.memory_space<vmem>>[vector<16xi32>], vector<16xf32>,
        %parallel_loop3A_283 = arith.constant 160 : i32
        %parallel_loop3A_284 = tpu.memref_slice %arg6[%parallel_loop3A_283] : memref<77824xf32, #tpu.memory_space<vmem>> -> memref<77584xf32, #tpu.memory_space<vmem>>
        %parallel_loop3A_285 = tpu.vector_load_idx %parallel_loop3A_284[%parallel_loop3A_93] : memref<77584xf32, #tpu.memory_space<vmem>>[vector<16xi32>], vector<16xf32>,
        %parallel_loop3A_286 = arith.addf %parallel_loop3A_276, %parallel_loop3A_279 : vector<16xf32>
        %parallel_loop3A_287 = arith.addf %parallel_loop3A_282, %parallel_loop3A_285 : vector<16xf32>
        %parallel_loop3A_288 = arith.addf %parallel_loop3A_286, %parallel_loop3A_287 : vector<16xf32>
        %parallel_loop3A_289 = arith.index_cast %parallel_loop3A_55 : i32 to index
        %parallel_loop3A_290 = arith.constant 160 : index
        %parallel_loop3A_291 = tpu.vector_load %arg7[%parallel_loop3A_289, %parallel_loop3A_290] {strides = array<i32>} : memref<64x256xf32, #tpu.memory_space<vmem>>, vector<16xf32>,
        tpu.vector_store %arg7[%parallel_loop3A_289, %parallel_loop3A_290], %parallel_loop3A_288 {strides = array<i32>} : memref<64x256xf32, #tpu.memory_space<vmem>>, vector<16xf32>,
        %parallel_loop3A_292 = arith.constant 176 : i32
        %parallel_loop3A_293 = tpu.memref_slice %arg6[%parallel_loop3A_292] : memref<77824xf32, #tpu.memory_space<vmem>> -> memref<77584xf32, #tpu.memory_space<vmem>>
        %parallel_loop3A_294 = tpu.vector_load_idx %parallel_loop3A_293[%parallel_loop3A_69] : memref<77584xf32, #tpu.memory_space<vmem>>[vector<16xi32>], vector<16xf32>,
        %parallel_loop3A_295 = arith.constant 176 : i32
        %parallel_loop3A_296 = tpu.memref_slice %arg6[%parallel_loop3A_295] : memref<77824xf32, #tpu.memory_space<vmem>> -> memref<77584xf32, #tpu.memory_space<vmem>>
        %parallel_loop3A_297 = tpu.vector_load_idx %parallel_loop3A_296[%parallel_loop3A_77] : memref<77584xf32, #tpu.memory_space<vmem>>[vector<16xi32>], vector<16xf32>,
        %parallel_loop3A_298 = arith.constant 176 : i32
        %parallel_loop3A_299 = tpu.memref_slice %arg6[%parallel_loop3A_298] : memref<77824xf32, #tpu.memory_space<vmem>> -> memref<77584xf32, #tpu.memory_space<vmem>>
        %parallel_loop3A_300 = tpu.vector_load_idx %parallel_loop3A_299[%parallel_loop3A_85] : memref<77584xf32, #tpu.memory_space<vmem>>[vector<16xi32>], vector<16xf32>,
        %parallel_loop3A_301 = arith.constant 176 : i32
        %parallel_loop3A_302 = tpu.memref_slice %arg6[%parallel_loop3A_301] : memref<77824xf32, #tpu.memory_space<vmem>> -> memref<77584xf32, #tpu.memory_space<vmem>>
        %parallel_loop3A_303 = tpu.vector_load_idx %parallel_loop3A_302[%parallel_loop3A_93] : memref<77584xf32, #tpu.memory_space<vmem>>[vector<16xi32>], vector<16xf32>,
        %parallel_loop3A_304 = arith.addf %parallel_loop3A_294, %parallel_loop3A_297 : vector<16xf32>
        %parallel_loop3A_305 = arith.addf %parallel_loop3A_300, %parallel_loop3A_303 : vector<16xf32>
        %parallel_loop3A_306 = arith.addf %parallel_loop3A_304, %parallel_loop3A_305 : vector<16xf32>
        %parallel_loop3A_307 = arith.index_cast %parallel_loop3A_55 : i32 to index
        %parallel_loop3A_308 = arith.constant 176 : index
        %parallel_loop3A_309 = tpu.vector_load %arg7[%parallel_loop3A_307, %parallel_loop3A_308] {strides = array<i32>} : memref<64x256xf32, #tpu.memory_space<vmem>>, vector<16xf32>,
        tpu.vector_store %arg7[%parallel_loop3A_307, %parallel_loop3A_308], %parallel_loop3A_306 {strides = array<i32>} : memref<64x256xf32, #tpu.memory_space<vmem>>, vector<16xf32>,
        %parallel_loop3A_310 = arith.constant 192 : i32
        %parallel_loop3A_311 = tpu.memref_slice %arg6[%parallel_loop3A_310] : memref<77824xf32, #tpu.memory_space<vmem>> -> memref<77584xf32, #tpu.memory_space<vmem>>
        %parallel_loop3A_312 = tpu.vector_load_idx %parallel_loop3A_311[%parallel_loop3A_69] : memref<77584xf32, #tpu.memory_space<vmem>>[vector<16xi32>], vector<16xf32>,
        %parallel_loop3A_313 = arith.constant 192 : i32
        %parallel_loop3A_314 = tpu.memref_slice %arg6[%parallel_loop3A_313] : memref<77824xf32, #tpu.memory_space<vmem>> -> memref<77584xf32, #tpu.memory_space<vmem>>
        %parallel_loop3A_315 = tpu.vector_load_idx %parallel_loop3A_314[%parallel_loop3A_77] : memref<77584xf32, #tpu.memory_space<vmem>>[vector<16xi32>], vector<16xf32>,
        %parallel_loop3A_316 = arith.constant 192 : i32
        %parallel_loop3A_317 = tpu.memref_slice %arg6[%parallel_loop3A_316] : memref<77824xf32, #tpu.memory_space<vmem>> -> memref<77584xf32, #tpu.memory_space<vmem>>
        %parallel_loop3A_318 = tpu.vector_load_idx %parallel_loop3A_317[%parallel_loop3A_85] : memref<77584xf32, #tpu.memory_space<vmem>>[vector<16xi32>], vector<16xf32>,
        %parallel_loop3A_319 = arith.constant 192 : i32
        %parallel_loop3A_320 = tpu.memref_slice %arg6[%parallel_loop3A_319] : memref<77824xf32, #tpu.memory_space<vmem>> -> memref<77584xf32, #tpu.memory_space<vmem>>
        %parallel_loop3A_321 = tpu.vector_load_idx %parallel_loop3A_320[%parallel_loop3A_93] : memref<77584xf32, #tpu.memory_space<vmem>>[vector<16xi32>], vector<16xf32>,
        %parallel_loop3A_322 = arith.addf %parallel_loop3A_312, %parallel_loop3A_315 : vector<16xf32>
        %parallel_loop3A_323 = arith.addf %parallel_loop3A_318, %parallel_loop3A_321 : vector<16xf32>
        %parallel_loop3A_324 = arith.addf %parallel_loop3A_322, %parallel_loop3A_323 : vector<16xf32>
        %parallel_loop3A_325 = arith.index_cast %parallel_loop3A_55 : i32 to index
        %parallel_loop3A_326 = arith.constant 192 : index
        %parallel_loop3A_327 = tpu.vector_load %arg7[%parallel_loop3A_325, %parallel_loop3A_326] {strides = array<i32>} : memref<64x256xf32, #tpu.memory_space<vmem>>, vector<16xf32>,
        tpu.vector_store %arg7[%parallel_loop3A_325, %parallel_loop3A_326], %parallel_loop3A_324 {strides = array<i32>} : memref<64x256xf32, #tpu.memory_space<vmem>>, vector<16xf32>,
        %parallel_loop3A_328 = arith.constant 208 : i32
        %parallel_loop3A_329 = tpu.memref_slice %arg6[%parallel_loop3A_328] : memref<77824xf32, #tpu.memory_space<vmem>> -> memref<77584xf32, #tpu.memory_space<vmem>>
        %parallel_loop3A_330 = tpu.vector_load_idx %parallel_loop3A_329[%parallel_loop3A_69] : memref<77584xf32, #tpu.memory_space<vmem>>[vector<16xi32>], vector<16xf32>,
        %parallel_loop3A_331 = arith.constant 208 : i32
        %parallel_loop3A_332 = tpu.memref_slice %arg6[%parallel_loop3A_331] : memref<77824xf32, #tpu.memory_space<vmem>> -> memref<77584xf32, #tpu.memory_space<vmem>>
        %parallel_loop3A_333 = tpu.vector_load_idx %parallel_loop3A_332[%parallel_loop3A_77] : memref<77584xf32, #tpu.memory_space<vmem>>[vector<16xi32>], vector<16xf32>,
        %parallel_loop3A_334 = arith.constant 208 : i32
        %parallel_loop3A_335 = tpu.memref_slice %arg6[%parallel_loop3A_334] : memref<77824xf32, #tpu.memory_space<vmem>> -> memref<77584xf32, #tpu.memory_space<vmem>>
        %parallel_loop3A_336 = tpu.vector_load_idx %parallel_loop3A_335[%parallel_loop3A_85] : memref<77584xf32, #tpu.memory_space<vmem>>[vector<16xi32>], vector<16xf32>,
        %parallel_loop3A_337 = arith.constant 208 : i32
        %parallel_loop3A_338 = tpu.memref_slice %arg6[%parallel_loop3A_337] : memref<77824xf32, #tpu.memory_space<vmem>> -> memref<77584xf32, #tpu.memory_space<vmem>>
        %parallel_loop3A_339 = tpu.vector_load_idx %parallel_loop3A_338[%parallel_loop3A_93] : memref<77584xf32, #tpu.memory_space<vmem>>[vector<16xi32>], vector<16xf32>,
        %parallel_loop3A_340 = arith.addf %parallel_loop3A_330, %parallel_loop3A_333 : vector<16xf32>
        %parallel_loop3A_341 = arith.addf %parallel_loop3A_336, %parallel_loop3A_339 : vector<16xf32>
        %parallel_loop3A_342 = arith.addf %parallel_loop3A_340, %parallel_loop3A_341 : vector<16xf32>
        %parallel_loop3A_343 = arith.index_cast %parallel_loop3A_55 : i32 to index
        %parallel_loop3A_344 = arith.constant 208 : index
        %parallel_loop3A_345 = tpu.vector_load %arg7[%parallel_loop3A_343, %parallel_loop3A_344] {strides = array<i32>} : memref<64x256xf32, #tpu.memory_space<vmem>>, vector<16xf32>,
        tpu.vector_store %arg7[%parallel_loop3A_343, %parallel_loop3A_344], %parallel_loop3A_342 {strides = array<i32>} : memref<64x256xf32, #tpu.memory_space<vmem>>, vector<16xf32>,
        %parallel_loop3A_346 = arith.constant 224 : i32
        %parallel_loop3A_347 = tpu.memref_slice %arg6[%parallel_loop3A_346] : memref<77824xf32, #tpu.memory_space<vmem>> -> memref<77584xf32, #tpu.memory_space<vmem>>
        %parallel_loop3A_348 = tpu.vector_load_idx %parallel_loop3A_347[%parallel_loop3A_69] : memref<77584xf32, #tpu.memory_space<vmem>>[vector<16xi32>], vector<16xf32>,
        %parallel_loop3A_349 = arith.constant 224 : i32
        %parallel_loop3A_350 = tpu.memref_slice %arg6[%parallel_loop3A_349] : memref<77824xf32, #tpu.memory_space<vmem>> -> memref<77584xf32, #tpu.memory_space<vmem>>
        %parallel_loop3A_351 = tpu.vector_load_idx %parallel_loop3A_350[%parallel_loop3A_77] : memref<77584xf32, #tpu.memory_space<vmem>>[vector<16xi32>], vector<16xf32>,
        %parallel_loop3A_352 = arith.constant 224 : i32
        %parallel_loop3A_353 = tpu.memref_slice %arg6[%parallel_loop3A_352] : memref<77824xf32, #tpu.memory_space<vmem>> -> memref<77584xf32, #tpu.memory_space<vmem>>
        %parallel_loop3A_354 = tpu.vector_load_idx %parallel_loop3A_353[%parallel_loop3A_85] : memref<77584xf32, #tpu.memory_space<vmem>>[vector<16xi32>], vector<16xf32>,
        %parallel_loop3A_355 = arith.constant 224 : i32
        %parallel_loop3A_356 = tpu.memref_slice %arg6[%parallel_loop3A_355] : memref<77824xf32, #tpu.memory_space<vmem>> -> memref<77584xf32, #tpu.memory_space<vmem>>
        %parallel_loop3A_357 = tpu.vector_load_idx %parallel_loop3A_356[%parallel_loop3A_93] : memref<77584xf32, #tpu.memory_space<vmem>>[vector<16xi32>], vector<16xf32>,
        %parallel_loop3A_358 = arith.addf %parallel_loop3A_348, %parallel_loop3A_351 : vector<16xf32>
        %parallel_loop3A_359 = arith.addf %parallel_loop3A_354, %parallel_loop3A_357 : vector<16xf32>
        %parallel_loop3A_360 = arith.addf %parallel_loop3A_358, %parallel_loop3A_359 : vector<16xf32>
        %parallel_loop3A_361 = arith.index_cast %parallel_loop3A_55 : i32 to index
        %parallel_loop3A_362 = arith.constant 224 : index
        %parallel_loop3A_363 = tpu.vector_load %arg7[%parallel_loop3A_361, %parallel_loop3A_362] {strides = array<i32>} : memref<64x256xf32, #tpu.memory_space<vmem>>, vector<16xf32>,
        tpu.vector_store %arg7[%parallel_loop3A_361, %parallel_loop3A_362], %parallel_loop3A_360 {strides = array<i32>} : memref<64x256xf32, #tpu.memory_space<vmem>>, vector<16xf32>,
        %parallel_loop3A_364 = arith.constant 240 : i32
        %parallel_loop3A_365 = tpu.memref_slice %arg6[%parallel_loop3A_364] : memref<77824xf32, #tpu.memory_space<vmem>> -> memref<77584xf32, #tpu.memory_space<vmem>>
        %parallel_loop3A_366 = tpu.vector_load_idx %parallel_loop3A_365[%parallel_loop3A_69] : memref<77584xf32, #tpu.memory_space<vmem>>[vector<16xi32>], vector<16xf32>,
        %parallel_loop3A_367 = arith.constant 240 : i32
        %parallel_loop3A_368 = tpu.memref_slice %arg6[%parallel_loop3A_367] : memref<77824xf32, #tpu.memory_space<vmem>> -> memref<77584xf32, #tpu.memory_space<vmem>>
        %parallel_loop3A_369 = tpu.vector_load_idx %parallel_loop3A_368[%parallel_loop3A_77] : memref<77584xf32, #tpu.memory_space<vmem>>[vector<16xi32>], vector<16xf32>,
        %parallel_loop3A_370 = arith.constant 240 : i32
        %parallel_loop3A_371 = tpu.memref_slice %arg6[%parallel_loop3A_370] : memref<77824xf32, #tpu.memory_space<vmem>> -> memref<77584xf32, #tpu.memory_space<vmem>>
        %parallel_loop3A_372 = tpu.vector_load_idx %parallel_loop3A_371[%parallel_loop3A_85] : memref<77584xf32, #tpu.memory_space<vmem>>[vector<16xi32>], vector<16xf32>,
        %parallel_loop3A_373 = arith.constant 240 : i32
        %parallel_loop3A_374 = tpu.memref_slice %arg6[%parallel_loop3A_373] : memref<77824xf32, #tpu.memory_space<vmem>> -> memref<77584xf32, #tpu.memory_space<vmem>>
        %parallel_loop3A_375 = tpu.vector_load_idx %parallel_loop3A_374[%parallel_loop3A_93] : memref<77584xf32, #tpu.memory_space<vmem>>[vector<16xi32>], vector<16xf32>,
        %parallel_loop3A_376 = arith.addf %parallel_loop3A_366, %parallel_loop3A_369 : vector<16xf32>
        %parallel_loop3A_377 = arith.addf %parallel_loop3A_372, %parallel_loop3A_375 : vector<16xf32>
        %parallel_loop3A_378 = arith.addf %parallel_loop3A_376, %parallel_loop3A_377 : vector<16xf32>
        %parallel_loop3A_379 = arith.index_cast %parallel_loop3A_55 : i32 to index
        %parallel_loop3A_380 = arith.constant 240 : index
        %parallel_loop3A_381 = tpu.vector_load %arg7[%parallel_loop3A_379, %parallel_loop3A_380] {strides = array<i32>} : memref<64x256xf32, #tpu.memory_space<vmem>>, vector<16xf32>,
        tpu.vector_store %arg7[%parallel_loop3A_379, %parallel_loop3A_380], %parallel_loop3A_378 {strides = array<i32>} : memref<64x256xf32, #tpu.memory_space<vmem>>, vector<16xf32>,
      } {sc.loop_unroll_factor = 2 : i64, sc.parallel_access}
      %mul3A_30 = arith.constant 64 : i32
      %mul3A_31 = arith.muli %add3A_25, %mul3A_30 : i32
      %add3A_32 = arith.addi %mul3A_2, %mul3A_31 : i32
      %dma_start3A = arith.constant 0 : i32
      %dma_start3A_33 = tpu.memref_slice %arg4[%add3A_32, %dma_start3A] : memref<8192x256xf32, #tpu.memory_space<hbm>> -> memref<64x256xf32, #tpu.memory_space<hbm>>
      %dma_start3A_34 = arith.constant 0 : i32
      %dma_start3A_35 = tpu.memref_slice %arg4[%add3A_32, %dma_start3A_34] : memref<8192x256xf32, #tpu.memory_space<hbm>> -> memref<64x256xf32, #tpu.memory_space<hbm>>
      tpu.enqueue_dma source(%arg7 : memref<64x256xf32, #tpu.memory_space<vmem>>) target(%dma_start3A_35 : memref<64x256xf32, #tpu.memory_space<hbm>>) target_semaphore(%arg9 : memref<!tpu.dma_semaphore, #tpu.memory_space<semaphore_mem>>)
      %mul3A_36 = arith.constant 2 : i32
      %mul3A_37 = arith.muli %mul3A_36, %scan3A_21 : i32
      %add3A_38 = arith.constant 1 : i32
      %add3A_39 = arith.addi %mul3A_37, %add3A_38 : i32
      %ge3A_40 = arith.constant 1 : i32
      %ge3A_41 = arith.cmpi sge, %scan3A_21, %ge3A_40 : i32
      %convert_element_type3A_42 = arith.extui %ge3A_41 : i1 to i32
      %cond3A_43 = arith.constant 0 : i32
      %cond3A_44 = arith.cmpi ne, %convert_element_type3A_42, %cond3A_43 : i32
      scf.if %cond3A_44 {
        %sub3A = arith.constant 2 : i32
        %sub3A_55 = arith.subi %add3A_39, %sub3A : i32
        %mul3A_56 = arith.constant 64 : i32
        %mul3A_57 = arith.muli %sub3A_55, %mul3A_56 : i32
        %add3A_58 = arith.addi %mul3A_2, %mul3A_57 : i32
        %dma_wait3A_59 = arith.constant 0 : i32
        %dma_wait3A_60 = tpu.memref_slice %arg4[%add3A_58, %dma_wait3A_59] : memref<8192x256xf32, #tpu.memory_space<hbm>> -> memref<64x256xf32, #tpu.memory_space<hbm>>
        %dma_wait3A_61 = arith.constant 0 : i32
        %dma_wait3A_62 = tpu.memref_slice %arg4[%add3A_58, %dma_wait3A_61] : memref<8192x256xf32, #tpu.memory_space<hbm>> -> memref<64x256xf32, #tpu.memory_space<hbm>>
        tpu.wait_dma2 semaphore(%arg10 : memref<!tpu.dma_semaphore, #tpu.memory_space<semaphore_mem>>) src(%arg8 : memref<64x256xf32, #tpu.memory_space<vmem>>) dst(%dma_wait3A_62 : memref<64x256xf32, #tpu.memory_space<hbm>>)
      } else {
      }
      %parallel_loop3A_45 = arith.constant 0 : i32
      %parallel_loop3A_46 = arith.constant 64 : i32
      %parallel_loop3A_47 = arith.constant 1 : i32
      scf.for %parallel_loop3A_55 = %parallel_loop3A_45 to %parallel_loop3A_46 step %parallel_loop3A_47  : i32 {
        %parallel_loop3A_56 = arith.constant 64 : i32
        %parallel_loop3A_57 = arith.muli %add3A_39, %parallel_loop3A_56 : i32
        %parallel_loop3A_58 = arith.addi %parallel_loop3A_57, %parallel_loop3A_55 : i32
        %parallel_loop3A_59 = arith.constant 4 : i32
        %parallel_loop3A_60 = arith.muli %parallel_loop3A_58, %parallel_loop3A_59 : i32
        %parallel_loop3A_61 = vector.broadcast %parallel_loop3A_60 : i32 to vector<16xi32>
        %parallel_loop3A_62 = arith.constant 0 : i32
        %parallel_loop3A_63 = vector.broadcast %parallel_loop3A_62 : i32 to vector<16xi32>
        %parallel_loop3A_64 = arith.addi %parallel_loop3A_61, %parallel_loop3A_63 : vector<16xi32>
        %parallel_loop3A_65 = tpu.vector_load_idx %arg5[%parallel_loop3A_64] : memref<1024xi32, #tpu.memory_space<vmem>>[vector<16xi32>], vector<16xi32>,
        %parallel_loop3A_66 = arith.constant 8 : i32
        %parallel_loop3A_67 = vector.broadcast %parallel_loop3A_66 : i32 to vector<16xi32>
        %parallel_loop3A_68 = arith.shli %parallel_loop3A_65, %parallel_loop3A_67 : vector<16xi32>
        %parallel_loop3A_69 = arith.addi %parallel_loop3A_68, %iota3A : vector<16xi32>
        %parallel_loop3A_70 = arith.constant 1 : i32
        %parallel_loop3A_71 = vector.broadcast %parallel_loop3A_70 : i32 to vector<16xi32>
        %parallel_loop3A_72 = arith.addi %parallel_loop3A_61, %parallel_loop3A_71 : vector<16xi32>
        %parallel_loop3A_73 = tpu.vector_load_idx %arg5[%parallel_loop3A_72] : memref<1024xi32, #tpu.memory_space<vmem>>[vector<16xi32>], vector<16xi32>,
        %parallel_loop3A_74 = arith.constant 8 : i32
        %parallel_loop3A_75 = vector.broadcast %parallel_loop3A_74 : i32 to vector<16xi32>
        %parallel_loop3A_76 = arith.shli %parallel_loop3A_73, %parallel_loop3A_75 : vector<16xi32>
        %parallel_loop3A_77 = arith.addi %parallel_loop3A_76, %iota3A : vector<16xi32>
        %parallel_loop3A_78 = arith.constant 2 : i32
        %parallel_loop3A_79 = vector.broadcast %parallel_loop3A_78 : i32 to vector<16xi32>
        %parallel_loop3A_80 = arith.addi %parallel_loop3A_61, %parallel_loop3A_79 : vector<16xi32>
        %parallel_loop3A_81 = tpu.vector_load_idx %arg5[%parallel_loop3A_80] : memref<1024xi32, #tpu.memory_space<vmem>>[vector<16xi32>], vector<16xi32>,
        %parallel_loop3A_82 = arith.constant 8 : i32
        %parallel_loop3A_83 = vector.broadcast %parallel_loop3A_82 : i32 to vector<16xi32>
        %parallel_loop3A_84 = arith.shli %parallel_loop3A_81, %parallel_loop3A_83 : vector<16xi32>
        %parallel_loop3A_85 = arith.addi %parallel_loop3A_84, %iota3A : vector<16xi32>
        %parallel_loop3A_86 = arith.constant 3 : i32
        %parallel_loop3A_87 = vector.broadcast %parallel_loop3A_86 : i32 to vector<16xi32>
        %parallel_loop3A_88 = arith.addi %parallel_loop3A_61, %parallel_loop3A_87 : vector<16xi32>
        %parallel_loop3A_89 = tpu.vector_load_idx %arg5[%parallel_loop3A_88] : memref<1024xi32, #tpu.memory_space<vmem>>[vector<16xi32>], vector<16xi32>,
        %parallel_loop3A_90 = arith.constant 8 : i32
        %parallel_loop3A_91 = vector.broadcast %parallel_loop3A_90 : i32 to vector<16xi32>
        %parallel_loop3A_92 = arith.shli %parallel_loop3A_89, %parallel_loop3A_91 : vector<16xi32>
        %parallel_loop3A_93 = arith.addi %parallel_loop3A_92, %iota3A : vector<16xi32>
        %parallel_loop3A_94 = arith.constant 0 : i32
        %parallel_loop3A_95 = tpu.memref_slice %arg6[%parallel_loop3A_94] : memref<77824xf32, #tpu.memory_space<vmem>> -> memref<77584xf32, #tpu.memory_space<vmem>>
        %parallel_loop3A_96 = tpu.vector_load_idx %parallel_loop3A_95[%parallel_loop3A_69] : memref<77584xf32, #tpu.memory_space<vmem>>[vector<16xi32>], vector<16xf32>,
        %parallel_loop3A_97 = arith.constant 0 : i32
        %parallel_loop3A_98 = tpu.memref_slice %arg6[%parallel_loop3A_97] : memref<77824xf32, #tpu.memory_space<vmem>> -> memref<77584xf32, #tpu.memory_space<vmem>>
        %parallel_loop3A_99 = tpu.vector_load_idx %parallel_loop3A_98[%parallel_loop3A_77] : memref<77584xf32, #tpu.memory_space<vmem>>[vector<16xi32>], vector<16xf32>,
        %parallel_loop3A_100 = arith.constant 0 : i32
        %parallel_loop3A_101 = tpu.memref_slice %arg6[%parallel_loop3A_100] : memref<77824xf32, #tpu.memory_space<vmem>> -> memref<77584xf32, #tpu.memory_space<vmem>>
        %parallel_loop3A_102 = tpu.vector_load_idx %parallel_loop3A_101[%parallel_loop3A_85] : memref<77584xf32, #tpu.memory_space<vmem>>[vector<16xi32>], vector<16xf32>,
        %parallel_loop3A_103 = arith.constant 0 : i32
        %parallel_loop3A_104 = tpu.memref_slice %arg6[%parallel_loop3A_103] : memref<77824xf32, #tpu.memory_space<vmem>> -> memref<77584xf32, #tpu.memory_space<vmem>>
        %parallel_loop3A_105 = tpu.vector_load_idx %parallel_loop3A_104[%parallel_loop3A_93] : memref<77584xf32, #tpu.memory_space<vmem>>[vector<16xi32>], vector<16xf32>,
        %parallel_loop3A_106 = arith.addf %parallel_loop3A_96, %parallel_loop3A_99 : vector<16xf32>
        %parallel_loop3A_107 = arith.addf %parallel_loop3A_102, %parallel_loop3A_105 : vector<16xf32>
        %parallel_loop3A_108 = arith.addf %parallel_loop3A_106, %parallel_loop3A_107 : vector<16xf32>
        %parallel_loop3A_109 = arith.index_cast %parallel_loop3A_55 : i32 to index
        %parallel_loop3A_110 = arith.constant 0 : index
        %parallel_loop3A_111 = tpu.vector_load %arg8[%parallel_loop3A_109, %parallel_loop3A_110] {strides = array<i32>} : memref<64x256xf32, #tpu.memory_space<vmem>>, vector<16xf32>,
        tpu.vector_store %arg8[%parallel_loop3A_109, %parallel_loop3A_110], %parallel_loop3A_108 {strides = array<i32>} : memref<64x256xf32, #tpu.memory_space<vmem>>, vector<16xf32>,
        %parallel_loop3A_112 = arith.constant 16 : i32
        %parallel_loop3A_113 = tpu.memref_slice %arg6[%parallel_loop3A_112] : memref<77824xf32, #tpu.memory_space<vmem>> -> memref<77584xf32, #tpu.memory_space<vmem>>
        %parallel_loop3A_114 = tpu.vector_load_idx %parallel_loop3A_113[%parallel_loop3A_69] : memref<77584xf32, #tpu.memory_space<vmem>>[vector<16xi32>], vector<16xf32>,
        %parallel_loop3A_115 = arith.constant 16 : i32
        %parallel_loop3A_116 = tpu.memref_slice %arg6[%parallel_loop3A_115] : memref<77824xf32, #tpu.memory_space<vmem>> -> memref<77584xf32, #tpu.memory_space<vmem>>
        %parallel_loop3A_117 = tpu.vector_load_idx %parallel_loop3A_116[%parallel_loop3A_77] : memref<77584xf32, #tpu.memory_space<vmem>>[vector<16xi32>], vector<16xf32>,
        %parallel_loop3A_118 = arith.constant 16 : i32
        %parallel_loop3A_119 = tpu.memref_slice %arg6[%parallel_loop3A_118] : memref<77824xf32, #tpu.memory_space<vmem>> -> memref<77584xf32, #tpu.memory_space<vmem>>
        %parallel_loop3A_120 = tpu.vector_load_idx %parallel_loop3A_119[%parallel_loop3A_85] : memref<77584xf32, #tpu.memory_space<vmem>>[vector<16xi32>], vector<16xf32>,
        %parallel_loop3A_121 = arith.constant 16 : i32
        %parallel_loop3A_122 = tpu.memref_slice %arg6[%parallel_loop3A_121] : memref<77824xf32, #tpu.memory_space<vmem>> -> memref<77584xf32, #tpu.memory_space<vmem>>
        %parallel_loop3A_123 = tpu.vector_load_idx %parallel_loop3A_122[%parallel_loop3A_93] : memref<77584xf32, #tpu.memory_space<vmem>>[vector<16xi32>], vector<16xf32>,
        %parallel_loop3A_124 = arith.addf %parallel_loop3A_114, %parallel_loop3A_117 : vector<16xf32>
        %parallel_loop3A_125 = arith.addf %parallel_loop3A_120, %parallel_loop3A_123 : vector<16xf32>
        %parallel_loop3A_126 = arith.addf %parallel_loop3A_124, %parallel_loop3A_125 : vector<16xf32>
        %parallel_loop3A_127 = arith.index_cast %parallel_loop3A_55 : i32 to index
        %parallel_loop3A_128 = arith.constant 16 : index
        %parallel_loop3A_129 = tpu.vector_load %arg8[%parallel_loop3A_127, %parallel_loop3A_128] {strides = array<i32>} : memref<64x256xf32, #tpu.memory_space<vmem>>, vector<16xf32>,
        tpu.vector_store %arg8[%parallel_loop3A_127, %parallel_loop3A_128], %parallel_loop3A_126 {strides = array<i32>} : memref<64x256xf32, #tpu.memory_space<vmem>>, vector<16xf32>,
        %parallel_loop3A_130 = arith.constant 32 : i32
        %parallel_loop3A_131 = tpu.memref_slice %arg6[%parallel_loop3A_130] : memref<77824xf32, #tpu.memory_space<vmem>> -> memref<77584xf32, #tpu.memory_space<vmem>>
        %parallel_loop3A_132 = tpu.vector_load_idx %parallel_loop3A_131[%parallel_loop3A_69] : memref<77584xf32, #tpu.memory_space<vmem>>[vector<16xi32>], vector<16xf32>,
        %parallel_loop3A_133 = arith.constant 32 : i32
        %parallel_loop3A_134 = tpu.memref_slice %arg6[%parallel_loop3A_133] : memref<77824xf32, #tpu.memory_space<vmem>> -> memref<77584xf32, #tpu.memory_space<vmem>>
        %parallel_loop3A_135 = tpu.vector_load_idx %parallel_loop3A_134[%parallel_loop3A_77] : memref<77584xf32, #tpu.memory_space<vmem>>[vector<16xi32>], vector<16xf32>,
        %parallel_loop3A_136 = arith.constant 32 : i32
        %parallel_loop3A_137 = tpu.memref_slice %arg6[%parallel_loop3A_136] : memref<77824xf32, #tpu.memory_space<vmem>> -> memref<77584xf32, #tpu.memory_space<vmem>>
        %parallel_loop3A_138 = tpu.vector_load_idx %parallel_loop3A_137[%parallel_loop3A_85] : memref<77584xf32, #tpu.memory_space<vmem>>[vector<16xi32>], vector<16xf32>,
        %parallel_loop3A_139 = arith.constant 32 : i32
        %parallel_loop3A_140 = tpu.memref_slice %arg6[%parallel_loop3A_139] : memref<77824xf32, #tpu.memory_space<vmem>> -> memref<77584xf32, #tpu.memory_space<vmem>>
        %parallel_loop3A_141 = tpu.vector_load_idx %parallel_loop3A_140[%parallel_loop3A_93] : memref<77584xf32, #tpu.memory_space<vmem>>[vector<16xi32>], vector<16xf32>,
        %parallel_loop3A_142 = arith.addf %parallel_loop3A_132, %parallel_loop3A_135 : vector<16xf32>
        %parallel_loop3A_143 = arith.addf %parallel_loop3A_138, %parallel_loop3A_141 : vector<16xf32>
        %parallel_loop3A_144 = arith.addf %parallel_loop3A_142, %parallel_loop3A_143 : vector<16xf32>
        %parallel_loop3A_145 = arith.index_cast %parallel_loop3A_55 : i32 to index
        %parallel_loop3A_146 = arith.constant 32 : index
        %parallel_loop3A_147 = tpu.vector_load %arg8[%parallel_loop3A_145, %parallel_loop3A_146] {strides = array<i32>} : memref<64x256xf32, #tpu.memory_space<vmem>>, vector<16xf32>,
        tpu.vector_store %arg8[%parallel_loop3A_145, %parallel_loop3A_146], %parallel_loop3A_144 {strides = array<i32>} : memref<64x256xf32, #tpu.memory_space<vmem>>, vector<16xf32>,
        %parallel_loop3A_148 = arith.constant 48 : i32
        %parallel_loop3A_149 = tpu.memref_slice %arg6[%parallel_loop3A_148] : memref<77824xf32, #tpu.memory_space<vmem>> -> memref<77584xf32, #tpu.memory_space<vmem>>
        %parallel_loop3A_150 = tpu.vector_load_idx %parallel_loop3A_149[%parallel_loop3A_69] : memref<77584xf32, #tpu.memory_space<vmem>>[vector<16xi32>], vector<16xf32>,
        %parallel_loop3A_151 = arith.constant 48 : i32
        %parallel_loop3A_152 = tpu.memref_slice %arg6[%parallel_loop3A_151] : memref<77824xf32, #tpu.memory_space<vmem>> -> memref<77584xf32, #tpu.memory_space<vmem>>
        %parallel_loop3A_153 = tpu.vector_load_idx %parallel_loop3A_152[%parallel_loop3A_77] : memref<77584xf32, #tpu.memory_space<vmem>>[vector<16xi32>], vector<16xf32>,
        %parallel_loop3A_154 = arith.constant 48 : i32
        %parallel_loop3A_155 = tpu.memref_slice %arg6[%parallel_loop3A_154] : memref<77824xf32, #tpu.memory_space<vmem>> -> memref<77584xf32, #tpu.memory_space<vmem>>
        %parallel_loop3A_156 = tpu.vector_load_idx %parallel_loop3A_155[%parallel_loop3A_85] : memref<77584xf32, #tpu.memory_space<vmem>>[vector<16xi32>], vector<16xf32>,
        %parallel_loop3A_157 = arith.constant 48 : i32
        %parallel_loop3A_158 = tpu.memref_slice %arg6[%parallel_loop3A_157] : memref<77824xf32, #tpu.memory_space<vmem>> -> memref<77584xf32, #tpu.memory_space<vmem>>
        %parallel_loop3A_159 = tpu.vector_load_idx %parallel_loop3A_158[%parallel_loop3A_93] : memref<77584xf32, #tpu.memory_space<vmem>>[vector<16xi32>], vector<16xf32>,
        %parallel_loop3A_160 = arith.addf %parallel_loop3A_150, %parallel_loop3A_153 : vector<16xf32>
        %parallel_loop3A_161 = arith.addf %parallel_loop3A_156, %parallel_loop3A_159 : vector<16xf32>
        %parallel_loop3A_162 = arith.addf %parallel_loop3A_160, %parallel_loop3A_161 : vector<16xf32>
        %parallel_loop3A_163 = arith.index_cast %parallel_loop3A_55 : i32 to index
        %parallel_loop3A_164 = arith.constant 48 : index
        %parallel_loop3A_165 = tpu.vector_load %arg8[%parallel_loop3A_163, %parallel_loop3A_164] {strides = array<i32>} : memref<64x256xf32, #tpu.memory_space<vmem>>, vector<16xf32>,
        tpu.vector_store %arg8[%parallel_loop3A_163, %parallel_loop3A_164], %parallel_loop3A_162 {strides = array<i32>} : memref<64x256xf32, #tpu.memory_space<vmem>>, vector<16xf32>,
        %parallel_loop3A_166 = arith.constant 64 : i32
        %parallel_loop3A_167 = tpu.memref_slice %arg6[%parallel_loop3A_166] : memref<77824xf32, #tpu.memory_space<vmem>> -> memref<77584xf32, #tpu.memory_space<vmem>>
        %parallel_loop3A_168 = tpu.vector_load_idx %parallel_loop3A_167[%parallel_loop3A_69] : memref<77584xf32, #tpu.memory_space<vmem>>[vector<16xi32>], vector<16xf32>,
        %parallel_loop3A_169 = arith.constant 64 : i32
        %parallel_loop3A_170 = tpu.memref_slice %arg6[%parallel_loop3A_169] : memref<77824xf32, #tpu.memory_space<vmem>> -> memref<77584xf32, #tpu.memory_space<vmem>>
        %parallel_loop3A_171 = tpu.vector_load_idx %parallel_loop3A_170[%parallel_loop3A_77] : memref<77584xf32, #tpu.memory_space<vmem>>[vector<16xi32>], vector<16xf32>,
        %parallel_loop3A_172 = arith.constant 64 : i32
        %parallel_loop3A_173 = tpu.memref_slice %arg6[%parallel_loop3A_172] : memref<77824xf32, #tpu.memory_space<vmem>> -> memref<77584xf32, #tpu.memory_space<vmem>>
        %parallel_loop3A_174 = tpu.vector_load_idx %parallel_loop3A_173[%parallel_loop3A_85] : memref<77584xf32, #tpu.memory_space<vmem>>[vector<16xi32>], vector<16xf32>,
        %parallel_loop3A_175 = arith.constant 64 : i32
        %parallel_loop3A_176 = tpu.memref_slice %arg6[%parallel_loop3A_175] : memref<77824xf32, #tpu.memory_space<vmem>> -> memref<77584xf32, #tpu.memory_space<vmem>>
        %parallel_loop3A_177 = tpu.vector_load_idx %parallel_loop3A_176[%parallel_loop3A_93] : memref<77584xf32, #tpu.memory_space<vmem>>[vector<16xi32>], vector<16xf32>,
        %parallel_loop3A_178 = arith.addf %parallel_loop3A_168, %parallel_loop3A_171 : vector<16xf32>
        %parallel_loop3A_179 = arith.addf %parallel_loop3A_174, %parallel_loop3A_177 : vector<16xf32>
        %parallel_loop3A_180 = arith.addf %parallel_loop3A_178, %parallel_loop3A_179 : vector<16xf32>
        %parallel_loop3A_181 = arith.index_cast %parallel_loop3A_55 : i32 to index
        %parallel_loop3A_182 = arith.constant 64 : index
        %parallel_loop3A_183 = tpu.vector_load %arg8[%parallel_loop3A_181, %parallel_loop3A_182] {strides = array<i32>} : memref<64x256xf32, #tpu.memory_space<vmem>>, vector<16xf32>,
        tpu.vector_store %arg8[%parallel_loop3A_181, %parallel_loop3A_182], %parallel_loop3A_180 {strides = array<i32>} : memref<64x256xf32, #tpu.memory_space<vmem>>, vector<16xf32>,
        %parallel_loop3A_184 = arith.constant 80 : i32
        %parallel_loop3A_185 = tpu.memref_slice %arg6[%parallel_loop3A_184] : memref<77824xf32, #tpu.memory_space<vmem>> -> memref<77584xf32, #tpu.memory_space<vmem>>
        %parallel_loop3A_186 = tpu.vector_load_idx %parallel_loop3A_185[%parallel_loop3A_69] : memref<77584xf32, #tpu.memory_space<vmem>>[vector<16xi32>], vector<16xf32>,
        %parallel_loop3A_187 = arith.constant 80 : i32
        %parallel_loop3A_188 = tpu.memref_slice %arg6[%parallel_loop3A_187] : memref<77824xf32, #tpu.memory_space<vmem>> -> memref<77584xf32, #tpu.memory_space<vmem>>
        %parallel_loop3A_189 = tpu.vector_load_idx %parallel_loop3A_188[%parallel_loop3A_77] : memref<77584xf32, #tpu.memory_space<vmem>>[vector<16xi32>], vector<16xf32>,
        %parallel_loop3A_190 = arith.constant 80 : i32
        %parallel_loop3A_191 = tpu.memref_slice %arg6[%parallel_loop3A_190] : memref<77824xf32, #tpu.memory_space<vmem>> -> memref<77584xf32, #tpu.memory_space<vmem>>
        %parallel_loop3A_192 = tpu.vector_load_idx %parallel_loop3A_191[%parallel_loop3A_85] : memref<77584xf32, #tpu.memory_space<vmem>>[vector<16xi32>], vector<16xf32>,
        %parallel_loop3A_193 = arith.constant 80 : i32
        %parallel_loop3A_194 = tpu.memref_slice %arg6[%parallel_loop3A_193] : memref<77824xf32, #tpu.memory_space<vmem>> -> memref<77584xf32, #tpu.memory_space<vmem>>
        %parallel_loop3A_195 = tpu.vector_load_idx %parallel_loop3A_194[%parallel_loop3A_93] : memref<77584xf32, #tpu.memory_space<vmem>>[vector<16xi32>], vector<16xf32>,
        %parallel_loop3A_196 = arith.addf %parallel_loop3A_186, %parallel_loop3A_189 : vector<16xf32>
        %parallel_loop3A_197 = arith.addf %parallel_loop3A_192, %parallel_loop3A_195 : vector<16xf32>
        %parallel_loop3A_198 = arith.addf %parallel_loop3A_196, %parallel_loop3A_197 : vector<16xf32>
        %parallel_loop3A_199 = arith.index_cast %parallel_loop3A_55 : i32 to index
        %parallel_loop3A_200 = arith.constant 80 : index
        %parallel_loop3A_201 = tpu.vector_load %arg8[%parallel_loop3A_199, %parallel_loop3A_200] {strides = array<i32>} : memref<64x256xf32, #tpu.memory_space<vmem>>, vector<16xf32>,
        tpu.vector_store %arg8[%parallel_loop3A_199, %parallel_loop3A_200], %parallel_loop3A_198 {strides = array<i32>} : memref<64x256xf32, #tpu.memory_space<vmem>>, vector<16xf32>,
        %parallel_loop3A_202 = arith.constant 96 : i32
        %parallel_loop3A_203 = tpu.memref_slice %arg6[%parallel_loop3A_202] : memref<77824xf32, #tpu.memory_space<vmem>> -> memref<77584xf32, #tpu.memory_space<vmem>>
        %parallel_loop3A_204 = tpu.vector_load_idx %parallel_loop3A_203[%parallel_loop3A_69] : memref<77584xf32, #tpu.memory_space<vmem>>[vector<16xi32>], vector<16xf32>,
        %parallel_loop3A_205 = arith.constant 96 : i32
        %parallel_loop3A_206 = tpu.memref_slice %arg6[%parallel_loop3A_205] : memref<77824xf32, #tpu.memory_space<vmem>> -> memref<77584xf32, #tpu.memory_space<vmem>>
        %parallel_loop3A_207 = tpu.vector_load_idx %parallel_loop3A_206[%parallel_loop3A_77] : memref<77584xf32, #tpu.memory_space<vmem>>[vector<16xi32>], vector<16xf32>,
        %parallel_loop3A_208 = arith.constant 96 : i32
        %parallel_loop3A_209 = tpu.memref_slice %arg6[%parallel_loop3A_208] : memref<77824xf32, #tpu.memory_space<vmem>> -> memref<77584xf32, #tpu.memory_space<vmem>>
        %parallel_loop3A_210 = tpu.vector_load_idx %parallel_loop3A_209[%parallel_loop3A_85] : memref<77584xf32, #tpu.memory_space<vmem>>[vector<16xi32>], vector<16xf32>,
        %parallel_loop3A_211 = arith.constant 96 : i32
        %parallel_loop3A_212 = tpu.memref_slice %arg6[%parallel_loop3A_211] : memref<77824xf32, #tpu.memory_space<vmem>> -> memref<77584xf32, #tpu.memory_space<vmem>>
        %parallel_loop3A_213 = tpu.vector_load_idx %parallel_loop3A_212[%parallel_loop3A_93] : memref<77584xf32, #tpu.memory_space<vmem>>[vector<16xi32>], vector<16xf32>,
        %parallel_loop3A_214 = arith.addf %parallel_loop3A_204, %parallel_loop3A_207 : vector<16xf32>
        %parallel_loop3A_215 = arith.addf %parallel_loop3A_210, %parallel_loop3A_213 : vector<16xf32>
        %parallel_loop3A_216 = arith.addf %parallel_loop3A_214, %parallel_loop3A_215 : vector<16xf32>
        %parallel_loop3A_217 = arith.index_cast %parallel_loop3A_55 : i32 to index
        %parallel_loop3A_218 = arith.constant 96 : index
        %parallel_loop3A_219 = tpu.vector_load %arg8[%parallel_loop3A_217, %parallel_loop3A_218] {strides = array<i32>} : memref<64x256xf32, #tpu.memory_space<vmem>>, vector<16xf32>,
        tpu.vector_store %arg8[%parallel_loop3A_217, %parallel_loop3A_218], %parallel_loop3A_216 {strides = array<i32>} : memref<64x256xf32, #tpu.memory_space<vmem>>, vector<16xf32>,
        %parallel_loop3A_220 = arith.constant 112 : i32
        %parallel_loop3A_221 = tpu.memref_slice %arg6[%parallel_loop3A_220] : memref<77824xf32, #tpu.memory_space<vmem>> -> memref<77584xf32, #tpu.memory_space<vmem>>
        %parallel_loop3A_222 = tpu.vector_load_idx %parallel_loop3A_221[%parallel_loop3A_69] : memref<77584xf32, #tpu.memory_space<vmem>>[vector<16xi32>], vector<16xf32>,
        %parallel_loop3A_223 = arith.constant 112 : i32
        %parallel_loop3A_224 = tpu.memref_slice %arg6[%parallel_loop3A_223] : memref<77824xf32, #tpu.memory_space<vmem>> -> memref<77584xf32, #tpu.memory_space<vmem>>
        %parallel_loop3A_225 = tpu.vector_load_idx %parallel_loop3A_224[%parallel_loop3A_77] : memref<77584xf32, #tpu.memory_space<vmem>>[vector<16xi32>], vector<16xf32>,
        %parallel_loop3A_226 = arith.constant 112 : i32
        %parallel_loop3A_227 = tpu.memref_slice %arg6[%parallel_loop3A_226] : memref<77824xf32, #tpu.memory_space<vmem>> -> memref<77584xf32, #tpu.memory_space<vmem>>
        %parallel_loop3A_228 = tpu.vector_load_idx %parallel_loop3A_227[%parallel_loop3A_85] : memref<77584xf32, #tpu.memory_space<vmem>>[vector<16xi32>], vector<16xf32>,
        %parallel_loop3A_229 = arith.constant 112 : i32
        %parallel_loop3A_230 = tpu.memref_slice %arg6[%parallel_loop3A_229] : memref<77824xf32, #tpu.memory_space<vmem>> -> memref<77584xf32, #tpu.memory_space<vmem>>
        %parallel_loop3A_231 = tpu.vector_load_idx %parallel_loop3A_230[%parallel_loop3A_93] : memref<77584xf32, #tpu.memory_space<vmem>>[vector<16xi32>], vector<16xf32>,
        %parallel_loop3A_232 = arith.addf %parallel_loop3A_222, %parallel_loop3A_225 : vector<16xf32>
        %parallel_loop3A_233 = arith.addf %parallel_loop3A_228, %parallel_loop3A_231 : vector<16xf32>
        %parallel_loop3A_234 = arith.addf %parallel_loop3A_232, %parallel_loop3A_233 : vector<16xf32>
        %parallel_loop3A_235 = arith.index_cast %parallel_loop3A_55 : i32 to index
        %parallel_loop3A_236 = arith.constant 112 : index
        %parallel_loop3A_237 = tpu.vector_load %arg8[%parallel_loop3A_235, %parallel_loop3A_236] {strides = array<i32>} : memref<64x256xf32, #tpu.memory_space<vmem>>, vector<16xf32>,
        tpu.vector_store %arg8[%parallel_loop3A_235, %parallel_loop3A_236], %parallel_loop3A_234 {strides = array<i32>} : memref<64x256xf32, #tpu.memory_space<vmem>>, vector<16xf32>,
        %parallel_loop3A_238 = arith.constant 128 : i32
        %parallel_loop3A_239 = tpu.memref_slice %arg6[%parallel_loop3A_238] : memref<77824xf32, #tpu.memory_space<vmem>> -> memref<77584xf32, #tpu.memory_space<vmem>>
        %parallel_loop3A_240 = tpu.vector_load_idx %parallel_loop3A_239[%parallel_loop3A_69] : memref<77584xf32, #tpu.memory_space<vmem>>[vector<16xi32>], vector<16xf32>,
        %parallel_loop3A_241 = arith.constant 128 : i32
        %parallel_loop3A_242 = tpu.memref_slice %arg6[%parallel_loop3A_241] : memref<77824xf32, #tpu.memory_space<vmem>> -> memref<77584xf32, #tpu.memory_space<vmem>>
        %parallel_loop3A_243 = tpu.vector_load_idx %parallel_loop3A_242[%parallel_loop3A_77] : memref<77584xf32, #tpu.memory_space<vmem>>[vector<16xi32>], vector<16xf32>,
        %parallel_loop3A_244 = arith.constant 128 : i32
        %parallel_loop3A_245 = tpu.memref_slice %arg6[%parallel_loop3A_244] : memref<77824xf32, #tpu.memory_space<vmem>> -> memref<77584xf32, #tpu.memory_space<vmem>>
        %parallel_loop3A_246 = tpu.vector_load_idx %parallel_loop3A_245[%parallel_loop3A_85] : memref<77584xf32, #tpu.memory_space<vmem>>[vector<16xi32>], vector<16xf32>,
        %parallel_loop3A_247 = arith.constant 128 : i32
        %parallel_loop3A_248 = tpu.memref_slice %arg6[%parallel_loop3A_247] : memref<77824xf32, #tpu.memory_space<vmem>> -> memref<77584xf32, #tpu.memory_space<vmem>>
        %parallel_loop3A_249 = tpu.vector_load_idx %parallel_loop3A_248[%parallel_loop3A_93] : memref<77584xf32, #tpu.memory_space<vmem>>[vector<16xi32>], vector<16xf32>,
        %parallel_loop3A_250 = arith.addf %parallel_loop3A_240, %parallel_loop3A_243 : vector<16xf32>
        %parallel_loop3A_251 = arith.addf %parallel_loop3A_246, %parallel_loop3A_249 : vector<16xf32>
        %parallel_loop3A_252 = arith.addf %parallel_loop3A_250, %parallel_loop3A_251 : vector<16xf32>
        %parallel_loop3A_253 = arith.index_cast %parallel_loop3A_55 : i32 to index
        %parallel_loop3A_254 = arith.constant 128 : index
        %parallel_loop3A_255 = tpu.vector_load %arg8[%parallel_loop3A_253, %parallel_loop3A_254] {strides = array<i32>} : memref<64x256xf32, #tpu.memory_space<vmem>>, vector<16xf32>,
        tpu.vector_store %arg8[%parallel_loop3A_253, %parallel_loop3A_254], %parallel_loop3A_252 {strides = array<i32>} : memref<64x256xf32, #tpu.memory_space<vmem>>, vector<16xf32>,
        %parallel_loop3A_256 = arith.constant 144 : i32
        %parallel_loop3A_257 = tpu.memref_slice %arg6[%parallel_loop3A_256] : memref<77824xf32, #tpu.memory_space<vmem>> -> memref<77584xf32, #tpu.memory_space<vmem>>
        %parallel_loop3A_258 = tpu.vector_load_idx %parallel_loop3A_257[%parallel_loop3A_69] : memref<77584xf32, #tpu.memory_space<vmem>>[vector<16xi32>], vector<16xf32>,
        %parallel_loop3A_259 = arith.constant 144 : i32
        %parallel_loop3A_260 = tpu.memref_slice %arg6[%parallel_loop3A_259] : memref<77824xf32, #tpu.memory_space<vmem>> -> memref<77584xf32, #tpu.memory_space<vmem>>
        %parallel_loop3A_261 = tpu.vector_load_idx %parallel_loop3A_260[%parallel_loop3A_77] : memref<77584xf32, #tpu.memory_space<vmem>>[vector<16xi32>], vector<16xf32>,
        %parallel_loop3A_262 = arith.constant 144 : i32
        %parallel_loop3A_263 = tpu.memref_slice %arg6[%parallel_loop3A_262] : memref<77824xf32, #tpu.memory_space<vmem>> -> memref<77584xf32, #tpu.memory_space<vmem>>
        %parallel_loop3A_264 = tpu.vector_load_idx %parallel_loop3A_263[%parallel_loop3A_85] : memref<77584xf32, #tpu.memory_space<vmem>>[vector<16xi32>], vector<16xf32>,
        %parallel_loop3A_265 = arith.constant 144 : i32
        %parallel_loop3A_266 = tpu.memref_slice %arg6[%parallel_loop3A_265] : memref<77824xf32, #tpu.memory_space<vmem>> -> memref<77584xf32, #tpu.memory_space<vmem>>
        %parallel_loop3A_267 = tpu.vector_load_idx %parallel_loop3A_266[%parallel_loop3A_93] : memref<77584xf32, #tpu.memory_space<vmem>>[vector<16xi32>], vector<16xf32>,
        %parallel_loop3A_268 = arith.addf %parallel_loop3A_258, %parallel_loop3A_261 : vector<16xf32>
        %parallel_loop3A_269 = arith.addf %parallel_loop3A_264, %parallel_loop3A_267 : vector<16xf32>
        %parallel_loop3A_270 = arith.addf %parallel_loop3A_268, %parallel_loop3A_269 : vector<16xf32>
        %parallel_loop3A_271 = arith.index_cast %parallel_loop3A_55 : i32 to index
        %parallel_loop3A_272 = arith.constant 144 : index
        %parallel_loop3A_273 = tpu.vector_load %arg8[%parallel_loop3A_271, %parallel_loop3A_272] {strides = array<i32>} : memref<64x256xf32, #tpu.memory_space<vmem>>, vector<16xf32>,
        tpu.vector_store %arg8[%parallel_loop3A_271, %parallel_loop3A_272], %parallel_loop3A_270 {strides = array<i32>} : memref<64x256xf32, #tpu.memory_space<vmem>>, vector<16xf32>,
        %parallel_loop3A_274 = arith.constant 160 : i32
        %parallel_loop3A_275 = tpu.memref_slice %arg6[%parallel_loop3A_274] : memref<77824xf32, #tpu.memory_space<vmem>> -> memref<77584xf32, #tpu.memory_space<vmem>>
        %parallel_loop3A_276 = tpu.vector_load_idx %parallel_loop3A_275[%parallel_loop3A_69] : memref<77584xf32, #tpu.memory_space<vmem>>[vector<16xi32>], vector<16xf32>,
        %parallel_loop3A_277 = arith.constant 160 : i32
        %parallel_loop3A_278 = tpu.memref_slice %arg6[%parallel_loop3A_277] : memref<77824xf32, #tpu.memory_space<vmem>> -> memref<77584xf32, #tpu.memory_space<vmem>>
        %parallel_loop3A_279 = tpu.vector_load_idx %parallel_loop3A_278[%parallel_loop3A_77] : memref<77584xf32, #tpu.memory_space<vmem>>[vector<16xi32>], vector<16xf32>,
        %parallel_loop3A_280 = arith.constant 160 : i32
        %parallel_loop3A_281 = tpu.memref_slice %arg6[%parallel_loop3A_280] : memref<77824xf32, #tpu.memory_space<vmem>> -> memref<77584xf32, #tpu.memory_space<vmem>>
        %parallel_loop3A_282 = tpu.vector_load_idx %parallel_loop3A_281[%parallel_loop3A_85] : memref<77584xf32, #tpu.memory_space<vmem>>[vector<16xi32>], vector<16xf32>,
        %parallel_loop3A_283 = arith.constant 160 : i32
        %parallel_loop3A_284 = tpu.memref_slice %arg6[%parallel_loop3A_283] : memref<77824xf32, #tpu.memory_space<vmem>> -> memref<77584xf32, #tpu.memory_space<vmem>>
        %parallel_loop3A_285 = tpu.vector_load_idx %parallel_loop3A_284[%parallel_loop3A_93] : memref<77584xf32, #tpu.memory_space<vmem>>[vector<16xi32>], vector<16xf32>,
        %parallel_loop3A_286 = arith.addf %parallel_loop3A_276, %parallel_loop3A_279 : vector<16xf32>
        %parallel_loop3A_287 = arith.addf %parallel_loop3A_282, %parallel_loop3A_285 : vector<16xf32>
        %parallel_loop3A_288 = arith.addf %parallel_loop3A_286, %parallel_loop3A_287 : vector<16xf32>
        %parallel_loop3A_289 = arith.index_cast %parallel_loop3A_55 : i32 to index
        %parallel_loop3A_290 = arith.constant 160 : index
        %parallel_loop3A_291 = tpu.vector_load %arg8[%parallel_loop3A_289, %parallel_loop3A_290] {strides = array<i32>} : memref<64x256xf32, #tpu.memory_space<vmem>>, vector<16xf32>,
        tpu.vector_store %arg8[%parallel_loop3A_289, %parallel_loop3A_290], %parallel_loop3A_288 {strides = array<i32>} : memref<64x256xf32, #tpu.memory_space<vmem>>, vector<16xf32>,
        %parallel_loop3A_292 = arith.constant 176 : i32
        %parallel_loop3A_293 = tpu.memref_slice %arg6[%parallel_loop3A_292] : memref<77824xf32, #tpu.memory_space<vmem>> -> memref<77584xf32, #tpu.memory_space<vmem>>
        %parallel_loop3A_294 = tpu.vector_load_idx %parallel_loop3A_293[%parallel_loop3A_69] : memref<77584xf32, #tpu.memory_space<vmem>>[vector<16xi32>], vector<16xf32>,
        %parallel_loop3A_295 = arith.constant 176 : i32
        %parallel_loop3A_296 = tpu.memref_slice %arg6[%parallel_loop3A_295] : memref<77824xf32, #tpu.memory_space<vmem>> -> memref<77584xf32, #tpu.memory_space<vmem>>
        %parallel_loop3A_297 = tpu.vector_load_idx %parallel_loop3A_296[%parallel_loop3A_77] : memref<77584xf32, #tpu.memory_space<vmem>>[vector<16xi32>], vector<16xf32>,
        %parallel_loop3A_298 = arith.constant 176 : i32
        %parallel_loop3A_299 = tpu.memref_slice %arg6[%parallel_loop3A_298] : memref<77824xf32, #tpu.memory_space<vmem>> -> memref<77584xf32, #tpu.memory_space<vmem>>
        %parallel_loop3A_300 = tpu.vector_load_idx %parallel_loop3A_299[%parallel_loop3A_85] : memref<77584xf32, #tpu.memory_space<vmem>>[vector<16xi32>], vector<16xf32>,
        %parallel_loop3A_301 = arith.constant 176 : i32
        %parallel_loop3A_302 = tpu.memref_slice %arg6[%parallel_loop3A_301] : memref<77824xf32, #tpu.memory_space<vmem>> -> memref<77584xf32, #tpu.memory_space<vmem>>
        %parallel_loop3A_303 = tpu.vector_load_idx %parallel_loop3A_302[%parallel_loop3A_93] : memref<77584xf32, #tpu.memory_space<vmem>>[vector<16xi32>], vector<16xf32>,
        %parallel_loop3A_304 = arith.addf %parallel_loop3A_294, %parallel_loop3A_297 : vector<16xf32>
        %parallel_loop3A_305 = arith.addf %parallel_loop3A_300, %parallel_loop3A_303 : vector<16xf32>
        %parallel_loop3A_306 = arith.addf %parallel_loop3A_304, %parallel_loop3A_305 : vector<16xf32>
        %parallel_loop3A_307 = arith.index_cast %parallel_loop3A_55 : i32 to index
        %parallel_loop3A_308 = arith.constant 176 : index
        %parallel_loop3A_309 = tpu.vector_load %arg8[%parallel_loop3A_307, %parallel_loop3A_308] {strides = array<i32>} : memref<64x256xf32, #tpu.memory_space<vmem>>, vector<16xf32>,
        tpu.vector_store %arg8[%parallel_loop3A_307, %parallel_loop3A_308], %parallel_loop3A_306 {strides = array<i32>} : memref<64x256xf32, #tpu.memory_space<vmem>>, vector<16xf32>,
        %parallel_loop3A_310 = arith.constant 192 : i32
        %parallel_loop3A_311 = tpu.memref_slice %arg6[%parallel_loop3A_310] : memref<77824xf32, #tpu.memory_space<vmem>> -> memref<77584xf32, #tpu.memory_space<vmem>>
        %parallel_loop3A_312 = tpu.vector_load_idx %parallel_loop3A_311[%parallel_loop3A_69] : memref<77584xf32, #tpu.memory_space<vmem>>[vector<16xi32>], vector<16xf32>,
        %parallel_loop3A_313 = arith.constant 192 : i32
        %parallel_loop3A_314 = tpu.memref_slice %arg6[%parallel_loop3A_313] : memref<77824xf32, #tpu.memory_space<vmem>> -> memref<77584xf32, #tpu.memory_space<vmem>>
        %parallel_loop3A_315 = tpu.vector_load_idx %parallel_loop3A_314[%parallel_loop3A_77] : memref<77584xf32, #tpu.memory_space<vmem>>[vector<16xi32>], vector<16xf32>,
        %parallel_loop3A_316 = arith.constant 192 : i32
        %parallel_loop3A_317 = tpu.memref_slice %arg6[%parallel_loop3A_316] : memref<77824xf32, #tpu.memory_space<vmem>> -> memref<77584xf32, #tpu.memory_space<vmem>>
        %parallel_loop3A_318 = tpu.vector_load_idx %parallel_loop3A_317[%parallel_loop3A_85] : memref<77584xf32, #tpu.memory_space<vmem>>[vector<16xi32>], vector<16xf32>,
        %parallel_loop3A_319 = arith.constant 192 : i32
        %parallel_loop3A_320 = tpu.memref_slice %arg6[%parallel_loop3A_319] : memref<77824xf32, #tpu.memory_space<vmem>> -> memref<77584xf32, #tpu.memory_space<vmem>>
        %parallel_loop3A_321 = tpu.vector_load_idx %parallel_loop3A_320[%parallel_loop3A_93] : memref<77584xf32, #tpu.memory_space<vmem>>[vector<16xi32>], vector<16xf32>,
        %parallel_loop3A_322 = arith.addf %parallel_loop3A_312, %parallel_loop3A_315 : vector<16xf32>
        %parallel_loop3A_323 = arith.addf %parallel_loop3A_318, %parallel_loop3A_321 : vector<16xf32>
        %parallel_loop3A_324 = arith.addf %parallel_loop3A_322, %parallel_loop3A_323 : vector<16xf32>
        %parallel_loop3A_325 = arith.index_cast %parallel_loop3A_55 : i32 to index
        %parallel_loop3A_326 = arith.constant 192 : index
        %parallel_loop3A_327 = tpu.vector_load %arg8[%parallel_loop3A_325, %parallel_loop3A_326] {strides = array<i32>} : memref<64x256xf32, #tpu.memory_space<vmem>>, vector<16xf32>,
        tpu.vector_store %arg8[%parallel_loop3A_325, %parallel_loop3A_326], %parallel_loop3A_324 {strides = array<i32>} : memref<64x256xf32, #tpu.memory_space<vmem>>, vector<16xf32>,
        %parallel_loop3A_328 = arith.constant 208 : i32
        %parallel_loop3A_329 = tpu.memref_slice %arg6[%parallel_loop3A_328] : memref<77824xf32, #tpu.memory_space<vmem>> -> memref<77584xf32, #tpu.memory_space<vmem>>
        %parallel_loop3A_330 = tpu.vector_load_idx %parallel_loop3A_329[%parallel_loop3A_69] : memref<77584xf32, #tpu.memory_space<vmem>>[vector<16xi32>], vector<16xf32>,
        %parallel_loop3A_331 = arith.constant 208 : i32
        %parallel_loop3A_332 = tpu.memref_slice %arg6[%parallel_loop3A_331] : memref<77824xf32, #tpu.memory_space<vmem>> -> memref<77584xf32, #tpu.memory_space<vmem>>
        %parallel_loop3A_333 = tpu.vector_load_idx %parallel_loop3A_332[%parallel_loop3A_77] : memref<77584xf32, #tpu.memory_space<vmem>>[vector<16xi32>], vector<16xf32>,
        %parallel_loop3A_334 = arith.constant 208 : i32
        %parallel_loop3A_335 = tpu.memref_slice %arg6[%parallel_loop3A_334] : memref<77824xf32, #tpu.memory_space<vmem>> -> memref<77584xf32, #tpu.memory_space<vmem>>
        %parallel_loop3A_336 = tpu.vector_load_idx %parallel_loop3A_335[%parallel_loop3A_85] : memref<77584xf32, #tpu.memory_space<vmem>>[vector<16xi32>], vector<16xf32>,
        %parallel_loop3A_337 = arith.constant 208 : i32
        %parallel_loop3A_338 = tpu.memref_slice %arg6[%parallel_loop3A_337] : memref<77824xf32, #tpu.memory_space<vmem>> -> memref<77584xf32, #tpu.memory_space<vmem>>
        %parallel_loop3A_339 = tpu.vector_load_idx %parallel_loop3A_338[%parallel_loop3A_93] : memref<77584xf32, #tpu.memory_space<vmem>>[vector<16xi32>], vector<16xf32>,
        %parallel_loop3A_340 = arith.addf %parallel_loop3A_330, %parallel_loop3A_333 : vector<16xf32>
        %parallel_loop3A_341 = arith.addf %parallel_loop3A_336, %parallel_loop3A_339 : vector<16xf32>
        %parallel_loop3A_342 = arith.addf %parallel_loop3A_340, %parallel_loop3A_341 : vector<16xf32>
        %parallel_loop3A_343 = arith.index_cast %parallel_loop3A_55 : i32 to index
        %parallel_loop3A_344 = arith.constant 208 : index
        %parallel_loop3A_345 = tpu.vector_load %arg8[%parallel_loop3A_343, %parallel_loop3A_344] {strides = array<i32>} : memref<64x256xf32, #tpu.memory_space<vmem>>, vector<16xf32>,
        tpu.vector_store %arg8[%parallel_loop3A_343, %parallel_loop3A_344], %parallel_loop3A_342 {strides = array<i32>} : memref<64x256xf32, #tpu.memory_space<vmem>>, vector<16xf32>,
        %parallel_loop3A_346 = arith.constant 224 : i32
        %parallel_loop3A_347 = tpu.memref_slice %arg6[%parallel_loop3A_346] : memref<77824xf32, #tpu.memory_space<vmem>> -> memref<77584xf32, #tpu.memory_space<vmem>>
        %parallel_loop3A_348 = tpu.vector_load_idx %parallel_loop3A_347[%parallel_loop3A_69] : memref<77584xf32, #tpu.memory_space<vmem>>[vector<16xi32>], vector<16xf32>,
        %parallel_loop3A_349 = arith.constant 224 : i32
        %parallel_loop3A_350 = tpu.memref_slice %arg6[%parallel_loop3A_349] : memref<77824xf32, #tpu.memory_space<vmem>> -> memref<77584xf32, #tpu.memory_space<vmem>>
        %parallel_loop3A_351 = tpu.vector_load_idx %parallel_loop3A_350[%parallel_loop3A_77] : memref<77584xf32, #tpu.memory_space<vmem>>[vector<16xi32>], vector<16xf32>,
        %parallel_loop3A_352 = arith.constant 224 : i32
        %parallel_loop3A_353 = tpu.memref_slice %arg6[%parallel_loop3A_352] : memref<77824xf32, #tpu.memory_space<vmem>> -> memref<77584xf32, #tpu.memory_space<vmem>>
        %parallel_loop3A_354 = tpu.vector_load_idx %parallel_loop3A_353[%parallel_loop3A_85] : memref<77584xf32, #tpu.memory_space<vmem>>[vector<16xi32>], vector<16xf32>,
        %parallel_loop3A_355 = arith.constant 224 : i32
        %parallel_loop3A_356 = tpu.memref_slice %arg6[%parallel_loop3A_355] : memref<77824xf32, #tpu.memory_space<vmem>> -> memref<77584xf32, #tpu.memory_space<vmem>>
        %parallel_loop3A_357 = tpu.vector_load_idx %parallel_loop3A_356[%parallel_loop3A_93] : memref<77584xf32, #tpu.memory_space<vmem>>[vector<16xi32>], vector<16xf32>,
        %parallel_loop3A_358 = arith.addf %parallel_loop3A_348, %parallel_loop3A_351 : vector<16xf32>
        %parallel_loop3A_359 = arith.addf %parallel_loop3A_354, %parallel_loop3A_357 : vector<16xf32>
        %parallel_loop3A_360 = arith.addf %parallel_loop3A_358, %parallel_loop3A_359 : vector<16xf32>
        %parallel_loop3A_361 = arith.index_cast %parallel_loop3A_55 : i32 to index
        %parallel_loop3A_362 = arith.constant 224 : index
        %parallel_loop3A_363 = tpu.vector_load %arg8[%parallel_loop3A_361, %parallel_loop3A_362] {strides = array<i32>} : memref<64x256xf32, #tpu.memory_space<vmem>>, vector<16xf32>,
        tpu.vector_store %arg8[%parallel_loop3A_361, %parallel_loop3A_362], %parallel_loop3A_360 {strides = array<i32>} : memref<64x256xf32, #tpu.memory_space<vmem>>, vector<16xf32>,
        %parallel_loop3A_364 = arith.constant 240 : i32
        %parallel_loop3A_365 = tpu.memref_slice %arg6[%parallel_loop3A_364] : memref<77824xf32, #tpu.memory_space<vmem>> -> memref<77584xf32, #tpu.memory_space<vmem>>
        %parallel_loop3A_366 = tpu.vector_load_idx %parallel_loop3A_365[%parallel_loop3A_69] : memref<77584xf32, #tpu.memory_space<vmem>>[vector<16xi32>], vector<16xf32>,
        %parallel_loop3A_367 = arith.constant 240 : i32
        %parallel_loop3A_368 = tpu.memref_slice %arg6[%parallel_loop3A_367] : memref<77824xf32, #tpu.memory_space<vmem>> -> memref<77584xf32, #tpu.memory_space<vmem>>
        %parallel_loop3A_369 = tpu.vector_load_idx %parallel_loop3A_368[%parallel_loop3A_77] : memref<77584xf32, #tpu.memory_space<vmem>>[vector<16xi32>], vector<16xf32>,
        %parallel_loop3A_370 = arith.constant 240 : i32
        %parallel_loop3A_371 = tpu.memref_slice %arg6[%parallel_loop3A_370] : memref<77824xf32, #tpu.memory_space<vmem>> -> memref<77584xf32, #tpu.memory_space<vmem>>
        %parallel_loop3A_372 = tpu.vector_load_idx %parallel_loop3A_371[%parallel_loop3A_85] : memref<77584xf32, #tpu.memory_space<vmem>>[vector<16xi32>], vector<16xf32>,
        %parallel_loop3A_373 = arith.constant 240 : i32
        %parallel_loop3A_374 = tpu.memref_slice %arg6[%parallel_loop3A_373] : memref<77824xf32, #tpu.memory_space<vmem>> -> memref<77584xf32, #tpu.memory_space<vmem>>
        %parallel_loop3A_375 = tpu.vector_load_idx %parallel_loop3A_374[%parallel_loop3A_93] : memref<77584xf32, #tpu.memory_space<vmem>>[vector<16xi32>], vector<16xf32>,
        %parallel_loop3A_376 = arith.addf %parallel_loop3A_366, %parallel_loop3A_369 : vector<16xf32>
        %parallel_loop3A_377 = arith.addf %parallel_loop3A_372, %parallel_loop3A_375 : vector<16xf32>
        %parallel_loop3A_378 = arith.addf %parallel_loop3A_376, %parallel_loop3A_377 : vector<16xf32>
        %parallel_loop3A_379 = arith.index_cast %parallel_loop3A_55 : i32 to index
        %parallel_loop3A_380 = arith.constant 240 : index
        %parallel_loop3A_381 = tpu.vector_load %arg8[%parallel_loop3A_379, %parallel_loop3A_380] {strides = array<i32>} : memref<64x256xf32, #tpu.memory_space<vmem>>, vector<16xf32>,
        tpu.vector_store %arg8[%parallel_loop3A_379, %parallel_loop3A_380], %parallel_loop3A_378 {strides = array<i32>} : memref<64x256xf32, #tpu.memory_space<vmem>>, vector<16xf32>,
      } {sc.loop_unroll_factor = 2 : i64, sc.parallel_access}
      %mul3A_48 = arith.constant 64 : i32
      %mul3A_49 = arith.muli %add3A_39, %mul3A_48 : i32
      %add3A_50 = arith.addi %mul3A_2, %mul3A_49 : i32
      %dma_start3A_51 = arith.constant 0 : i32
      %dma_start3A_52 = tpu.memref_slice %arg4[%add3A_50, %dma_start3A_51] : memref<8192x256xf32, #tpu.memory_space<hbm>> -> memref<64x256xf32, #tpu.memory_space<hbm>>
      %dma_start3A_53 = arith.constant 0 : i32
      %dma_start3A_54 = tpu.memref_slice %arg4[%add3A_50, %dma_start3A_53] : memref<8192x256xf32, #tpu.memory_space<hbm>> -> memref<64x256xf32, #tpu.memory_space<hbm>>
      tpu.enqueue_dma source(%arg8 : memref<64x256xf32, #tpu.memory_space<vmem>>) target(%dma_start3A_54 : memref<64x256xf32, #tpu.memory_space<hbm>>) target_semaphore(%arg10 : memref<!tpu.dma_semaphore, #tpu.memory_space<semaphore_mem>>)
    }
    %scan3A_9 = arith.constant 2 : i32
    %add3A_10 = arith.constant 128 : i32
    %add3A_11 = arith.addi %mul3A_2, %add3A_10 : i32
    %dma_wait3A = arith.constant 0 : i32
    %dma_wait3A_12 = tpu.memref_slice %arg4[%add3A_11, %dma_wait3A] : memref<8192x256xf32, #tpu.memory_space<hbm>> -> memref<64x256xf32, #tpu.memory_space<hbm>>
    %dma_wait3A_13 = arith.constant 0 : i32
    %dma_wait3A_14 = tpu.memref_slice %arg4[%add3A_11, %dma_wait3A_13] : memref<8192x256xf32, #tpu.memory_space<hbm>> -> memref<64x256xf32, #tpu.memory_space<hbm>>
    tpu.wait_dma2 semaphore(%arg9 : memref<!tpu.dma_semaphore, #tpu.memory_space<semaphore_mem>>) src(%arg7 : memref<64x256xf32, #tpu.memory_space<vmem>>) dst(%dma_wait3A_14 : memref<64x256xf32, #tpu.memory_space<hbm>>)
    %add3A_15 = arith.constant 192 : i32
    %add3A_16 = arith.addi %mul3A_2, %add3A_15 : i32
    %dma_wait3A_17 = arith.constant 0 : i32
    %dma_wait3A_18 = tpu.memref_slice %arg4[%add3A_16, %dma_wait3A_17] : memref<8192x256xf32, #tpu.memory_space<hbm>> -> memref<64x256xf32, #tpu.memory_space<hbm>>
    %dma_wait3A_19 = arith.constant 0 : i32
    %dma_wait3A_20 = tpu.memref_slice %arg4[%add3A_16, %dma_wait3A_19] : memref<8192x256xf32, #tpu.memory_space<hbm>> -> memref<64x256xf32, #tpu.memory_space<hbm>>
    tpu.wait_dma2 semaphore(%arg10 : memref<!tpu.dma_semaphore, #tpu.memory_space<semaphore_mem>>) src(%arg8 : memref<64x256xf32, #tpu.memory_space<vmem>>) dst(%dma_wait3A_20 : memref<64x256xf32, #tpu.memory_space<hbm>>)
    return
  }
}

module attributes {stable_mosaic.version = 14 : i64} {
  func.func @_tc_body(%arg0: i32, %arg1: memref<512x4xi32, #tpu.memory_space<vmem>>, %arg2: memref<304x256xf32, #tpu.memory_space<vmem>>, %arg3: memref<512x256xf32, #tpu.memory_space<vmem>>) attributes {dimension_semantics = [#tpu.dimension_semantics<arbitrary>], iteration_bounds = array<i64: 16>, scalar_prefetch = 0 : i64, scratch_operands = 0 : i64, tpu.core_type = #tpu.core_type<tc>, window_params = [{transform_indices = @transform_0, window_bounds = array<i64: 512, 4>}, {pipeline_mode = #tpu.pipeline_mode<synchronous>, transform_indices = @transform_1, window_bounds = array<i64: 304, 256>}, {transform_indices = @transform_2, window_bounds = array<i64: 512, 256>}]} {
    %get3A = arith.constant 0 : index
    %get3A_0 = arith.constant 0 : index
    %get3A_1 = vector.load %arg1[%get3A, %get3A_0] : memref<512x4xi32, #tpu.memory_space<vmem>>, vector<512x4xi32>
    %iota3A = tpu.iota {dimensions = array<i32: 1>} : vector<512x304xi32>
    %slice3A = vector.extract_strided_slice %get3A_1 {offsets = [0, 0], sizes = [512, 1], strides = [1, 1]} : vector<512x4xi32> to vector<512x1xi32>
    %eq3A = vector.broadcast %slice3A : vector<512x1xi32> to vector<512x304xi32>
    %eq3A_2 = arith.cmpi eq, %eq3A, %iota3A : vector<512x304xi32>
    %convert_element_type3A = arith.extui %eq3A_2 : vector<512x304xi1> to vector<512x304xi32>
    %convert_element_type3A_3 = arith.sitofp %convert_element_type3A : vector<512x304xi32> to vector<512x304xf32>
    %slice3A_4 = vector.extract_strided_slice %get3A_1 {offsets = [0, 1], sizes = [512, 1], strides = [1, 1]} : vector<512x4xi32> to vector<512x1xi32>
    %eq3A_5 = vector.broadcast %slice3A_4 : vector<512x1xi32> to vector<512x304xi32>
    %eq3A_6 = arith.cmpi eq, %eq3A_5, %iota3A : vector<512x304xi32>
    %convert_element_type3A_7 = arith.extui %eq3A_6 : vector<512x304xi1> to vector<512x304xi32>
    %convert_element_type3A_8 = arith.sitofp %convert_element_type3A_7 : vector<512x304xi32> to vector<512x304xf32>
    %add3A = arith.addf %convert_element_type3A_3, %convert_element_type3A_8 : vector<512x304xf32>
    %slice3A_9 = vector.extract_strided_slice %get3A_1 {offsets = [0, 2], sizes = [512, 1], strides = [1, 1]} : vector<512x4xi32> to vector<512x1xi32>
    %eq3A_10 = vector.broadcast %slice3A_9 : vector<512x1xi32> to vector<512x304xi32>
    %eq3A_11 = arith.cmpi eq, %eq3A_10, %iota3A : vector<512x304xi32>
    %convert_element_type3A_12 = arith.extui %eq3A_11 : vector<512x304xi1> to vector<512x304xi32>
    %convert_element_type3A_13 = arith.sitofp %convert_element_type3A_12 : vector<512x304xi32> to vector<512x304xf32>
    %add3A_14 = arith.addf %add3A, %convert_element_type3A_13 : vector<512x304xf32>
    %slice3A_15 = vector.extract_strided_slice %get3A_1 {offsets = [0, 3], sizes = [512, 1], strides = [1, 1]} : vector<512x4xi32> to vector<512x1xi32>
    %eq3A_16 = vector.broadcast %slice3A_15 : vector<512x1xi32> to vector<512x304xi32>
    %eq3A_17 = arith.cmpi eq, %eq3A_16, %iota3A : vector<512x304xi32>
    %convert_element_type3A_18 = arith.extui %eq3A_17 : vector<512x304xi1> to vector<512x304xi32>
    %convert_element_type3A_19 = arith.sitofp %convert_element_type3A_18 : vector<512x304xi32> to vector<512x304xf32>
    %add3A_20 = arith.addf %add3A_14, %convert_element_type3A_19 : vector<512x304xf32>
    %get3A_21 = arith.constant 0 : index
    %get3A_22 = arith.constant 0 : index
    %get3A_23 = vector.load %arg2[%get3A_21, %get3A_22] : memref<304x256xf32, #tpu.memory_space<vmem>>, vector<304x256xf32>
    %dot_general3A = arith.constant dense<0.000000e+00> : vector<512x256xf32>
    %dot_general3A_24 = tpu.matmul %add3A_20, %get3A_23, %dot_general3A {dimension_numbers = #tpu.dot_dimension_numbers<[1], [0], [0], [1], [0, 0, 1, 1], [], []>, transpose_lhs_hint = false} : vector<512x304xf32>, vector<304x256xf32>, vector<512x256xf32> -> vector<512x256xf32>
    %swap3A = arith.constant 0 : index
    %swap3A_25 = arith.constant 0 : index
    %swap3A_26 = vector.load %arg3[%swap3A, %swap3A_25] : memref<512x256xf32, #tpu.memory_space<vmem>>, vector<512x256xf32>
    tpu.vector_store %arg3[%swap3A, %swap3A_25], %dot_general3A_24 {strides = array<i32>} : memref<512x256xf32, #tpu.memory_space<vmem>>, vector<512x256xf32>,
    return
  }
  func.func @transform_0(%arg0: i32) -> (i32, i32) {
    %c0_i32 = arith.constant 0 : i32
    %c0_i32_0 = arith.constant 0 : i32
    return %arg0, %c0_i32 : i32, i32
  }
  func.func @transform_1(%arg0: i32) -> (i32, i32) {
    %c0_i32 = arith.constant 0 : i32
    %c0_i32_0 = arith.constant 0 : i32
    %c0_i32_1 = arith.constant 0 : i32
    return %c0_i32, %c0_i32_0 : i32, i32
  }
  func.func @transform_2(%arg0: i32) -> (i32, i32) {
    %c0_i32 = arith.constant 0 : i32
    %c0_i32_0 = arith.constant 0 : i32
    return %arg0, %c0_i32 : i32, i32
  }
}

</mosaic_0001>

<sc_bundles>
// kernel: kernel.4.cloned.1.call-start
scs
__scs_entry_jumppad:
0x0: {  	(pc) =	sbr.rel $0x88, $3  }
0x1: {  	(tag) =	ssettag $0x0;
	lr =	simm.s32 $0x1  }
0x2: {  	[smem:$0x3F9F] =	sst lr;
	_ =	strace $0xD0000000  }
0x3: {  	_ = 	snop  }
0x4: {  	_ = 	snop  }
0x5: {  	_ = 	snop  }
0x6: {  	_ = 	snop  }
0x7: {  	_ = 	snop  }
__scs_overlays_trampoline_lowered:
0x8: {  	[smem:$0x3FAE] =	sst s0  }
0x9: {  	[smem:$0x3FAF] =	sst s1  }
0xa: {  	[smem:$0x3FB0] =	sst s2  }
0xb: {  	[smem:$0x3FB1] =	sst s3  }
0xc: {  	[smem:$0x3FB2] =	sst s4  }
0xd: {  	[smem:$0x3FB3] =	sst s5  }
0xe: {  	[smem:$0x3FB4] =	sst s6  }
0xf: {  	[smem:$0x3FB5] =	sst s7  }
0x10: {  	[smem:$0x3FB6] =	sst s8  }
0x11: {  	[smem:$0x3FB7] =	sst s9;
	s0 =	simm.s32 @!p0 $0x0  }
0x12: {  	s1 =	sld [smem:$0x3F9D];
	s0 =	simm.s32 @p0 $0x1  }
0x13: {  	[smem:$0x3FB8] =	sst s0;
	s0 =	simm.s32 @!p1 $0x0  }
0x14: {  	s2 =	sld [smem:$0x3F9C];
	s0 =	simm.s32 @p1 $0x1  }
0x15: {  	[smem:$0x3FB9] =	sst s0;
	s0 =	simm.s32 @!p2 $0x0  }
0x16: {  	s3 =	sld [smem:$0x3FDB];
	s0 =	simm.s32 @p2 $0x1  }
0x17: {  	s4 =	simm.s32 $0x1BF5;
	[smem:$0x3FBB] =	sst s0  }
0x18: {  	s0 =	sld [smem:$0x3F9E];
	_ =	swait.ge [sflag:s4], $0x0  }
0x19: {  	s7 =	sld [smem:$0x3F9F]  }
0x1a: {  	s8 =	sadd.s32 $0xFFFFE003, lr  }
0x1b: {  	s9 =	sadd.s32 $0xFFFFFEF7, lr;
	s5 =	simm.s32 $0xFFFFFFFF;
	p2 =	slt.u32 s8, $0xFFFFF086  }
0x1c: {  	p1 =	slt.u32 s9, $0xF7A;
	s5 =	simm.s32 @!p2 $0x0  }
0x1d: {  	s5 =	simm.s32 @p1 $0x1;
	p0 =	seq.s32 s7, s2  }
0x1e: {  	s7 =	smul.u32 @!p0 $0xF7A, s2;
	p2 =	seq.s32 @!p0 s5, $0x0  }
0x1f: {  	s9 =	smul.u32 $0xF7A, s1;
	s8 =	simm.s32 @!p0 $0x1BF5;
	p2 =	por !p2, p0  }
0x20: {  	[sflag:s8] =	ssyncset.s32 @!p0 $0xFFFFF086;
	s6 =	sadd.s32 @!p0 s3, s7;
	s7 =	simm.s32 @!p0 $0x108  }
0x21: {  	s3 =	sadd.s32 s3, s9;
	s6 =	sadd.s32 @!p0 $0x88, s6;
	s7 =	simm.s32 @p2 $0x1082  }
0x22: {  	[simem:s7], [sflag:s8] =	dma.local @!p0 [hbm:s6], $0xF7A  }
0x23: {  	s9 =	sor.u32 $0xD0000000, s2;
	s6 =	simm.s32 $0x108;
	_ =	swait.ge @!p0 [sflag:s8], $0x0  }
0x24: {  	s3 =	sadd.s32 $0x88, s3;
	s6 =	simm.s32 @!p1 $0x1082;
	[sflag:s4] =	ssyncset.s32 $0xFFFFF086  }
0x25: {  	[simem:s6], [sflag:s4] =	dma.local [hbm:s3], $0xF7A  }
0x26: {  	[smem:$0x3F9F] =	sst s1;
	(tag) =	ssettag s2;
	_ =	strace s9  }
0x27: {  	s1 =	sld [smem:$0x3FAF]  }
0x28: {  	s2 =	sld [smem:$0x3FB0]  }
0x29: {  	s4 =	sld [smem:$0x3FB2]  }
0x2a: {  	p0 =	seq.s32 s5, $0x0;
	s5 =	sld [smem:$0x3FB3]  }
0x2b: {  	s6 =	sld [smem:$0x3FB4]  }
0x2c: {  	s7 =	sld [smem:$0x3FB5]  }
0x2d: {  	s3 =	simm.s32 $0x108;
	s8 =	sld [smem:$0x3FB6]  }
0x2e: {  	s3 =	simm.s32 @!p0 $0x1082;
	s9 =	sld [smem:$0x3FB7]  }
0x2f: {  	lr =	sadd.s32 s0, s3;
	s0 =	sld [smem:$0x3FAE]  }
0x30: {  	s3 =	sld [smem:$0x3FB1]  }
0x31: {  	[smem:$0x3FBA] =	sst s10  }
0x32: {  	s10 =	sld [smem:$0x3FB8];
	_ =	sdelay $0x3  }
0x33: {  	p0 =	seq.s32 s10, $0x1;
	s10 =	sld [smem:$0x3FBA];
	_ =	sdelay $0x3  }
0x34: {  	[smem:$0x3FBA] =	sst s10  }
0x35: {  	s10 =	sld [smem:$0x3FB9];
	_ =	sdelay $0x3  }
0x36: {  	p1 =	seq.s32 s10, $0x1;
	s10 =	sld [smem:$0x3FBA];
	_ =	sdelay $0x3  }
0x37: {  	[smem:$0x3FBA] =	sst s10  }
0x38: {  	s10 =	sld [smem:$0x3FBB]  }
0x39: {  	_ = 	snop;
	(pc) =	sbr.ind lr, $3  }
0x3a: {  	_ = 	snop  }
0x3b: {  	_ = 	snop  }
0x3c: {  	p2 =	seq.s32 s10, $0x1;
	s10 =	sld [smem:$0x3FBA]  }
0x3d: {  	_ =	shalt  }
0x3e: {  	_ =	shalt  }
0x3f: {  	_ =	shalt  }
0x40: {  	_ =	shalt  }
0x41: {  	_ =	shalt  }
0x42: {  	_ =	shalt  }
0x43: {  	_ =	shalt  }
0x44: {  	_ =	shalt  }
0x45: {  	_ =	shalt  }
0x46: {  	_ =	shalt  }
0x47: {  	_ =	shalt  }
0x48: {  	_ =	shalt  }
0x49: {  	_ =	shalt  }
0x4a: {  	_ =	shalt  }
0x4b: {  	_ =	shalt  }
0x4c: {  	_ =	shalt  }
0x4d: {  	_ =	shalt  }
0x4e: {  	_ =	shalt  }
0x4f: {  	_ =	shalt  }
0x50: {  	_ =	shalt  }
0x51: {  	_ =	shalt  }
0x52: {  	_ =	shalt  }
0x53: {  	_ =	shalt  }
0x54: {  	_ =	shalt  }
0x55: {  	_ =	shalt  }
0x56: {  	_ =	shalt  }
0x57: {  	_ =	shalt  }
0x58: {  	_ =	shalt  }
0x59: {  	_ =	shalt  }
0x5a: {  	_ =	shalt  }
0x5b: {  	_ =	shalt  }
0x5c: {  	_ =	shalt  }
0x5d: {  	_ =	shalt  }
0x5e: {  	_ =	shalt  }
0x5f: {  	_ =	shalt  }
0x60: {  	_ =	shalt  }
0x61: {  	_ =	shalt  }
0x62: {  	_ =	shalt  }
0x63: {  	_ =	shalt  }
0x64: {  	_ =	shalt  }
0x65: {  	_ =	shalt  }
0x66: {  	_ =	shalt  }
0x67: {  	_ =	shalt  }
0x68: {  	_ =	shalt  }
0x69: {  	_ =	shalt  }
0x6a: {  	_ =	shalt  }
0x6b: {  	_ =	shalt  }
0x6c: {  	_ =	shalt  }
0x6d: {  	_ =	shalt  }
0x6e: {  	_ =	shalt  }
0x6f: {  	_ =	shalt  }
0x70: {  	_ =	shalt  }
0x71: {  	_ =	shalt  }
0x72: {  	_ =	shalt  }
0x73: {  	_ =	shalt  }
0x74: {  	_ =	shalt  }
0x75: {  	_ =	shalt  }
0x76: {  	_ =	shalt  }
0x77: {  	_ =	shalt  }
0x78: {  	_ =	shalt  }
0x79: {  	_ =	shalt  }
0x7a: {  	_ =	shalt  }
0x7b: {  	_ =	shalt  }
0x7c: {  	_ =	shalt  }
0x7d: {  	_ =	shalt  }
0x7e: {  	_ =	shalt  }
0x7f: {  	_ =	shalt  }
0x80: {  	_ =	shalt  }
0x81: {  	_ =	shalt  }
0x82: {  	_ =	shalt  }
0x83: {  	_ =	shalt  }
0x84: {  	_ =	shalt  }
0x85: {  	_ =	shalt  }
0x86: {  	_ =	shalt  }
0x87: {  	_ =	shalt  }
.Lfunc_end0:
.L_simem_size_0:
called_computation_lowered:
.L_overlay_start_0:
0x88: {  	s2 =	sld [smem:$0x3FD9]  }
0x89: {  	s3 =	sld [smem:$0x3FFE];
	_ =	sdelay $0x1  }
0x8a: {  	s1 =	srdreg.scid  }
0x8b: {  	s0 =	sand.u32 $0x1, s1  }
0x8c: {  	s17 =	sshll.u32 s0, $0xA;
	s2 =	sadd.s32 s3, s2  }
0x8d: {  	s2 =	sadd.s32 s2, s17  }
0x8e: {  	[smem:$0x3FC6] =	sst s2  }
0x8f: {  	_ = 	snop  }
0x90: {  	s2 =	sld [smem:$0x3FD0];
	(tm) =	ssettm $0x1  }
0x91: {  	s18 =	sld [smem:$0x3FFB];
	_ =	sdelay $0x3  }
0x92: {  	_ =	strace s18  }
0x93: {  	s3 =	sld [smem:$0x3FFC];
	_ =	sdelay $0x3  }
0x94: {  	_ =	strace s3  }
0x95: {  	s3 =	sld [smem:$0x3FFD];
	_ =	sdelay $0x3  }
0x96: {  	_ =	strace s3  }
0x97: {  	_ =	strace $0x8FFFFFFF  }
0x98: {  	s19 =	sld [smem:$0x3FDB];
	_ =	sdelay $0x1  }
0x99: {  	s4 =	simm.s32 $_scs_section_size  }
0x9a: {  	s5 =	simm.s32 $_size__tile_overlayer_lowered;
	s6 =	simm.s32 $_tile_overlayer_lowered  }
0x9b: {  	s22 =	simm.s32 $0x1BFF;
	s21 =	sshll.u32 s6, $0x1;
	s3 =	sadd.s32 s4, s19  }
0x9c: {  	s7 =	simm.s32 $0x0;
	s20 =	sshll.u32 s5, $0x1;
	s5 =	sadd.s32 s21, s3  }
0x9d: {  	[timem:s7], [sflag:s22] =	dma.local [hbm:s5], s20  }
0x9e: {  	_ =	swait.ge [sflag:s22], s20  }
0x9f: {  	s4 =	ssub.s32 $0x0, s20;
	[sflag:s22] =	ssyncset.done $0x0  }
0xa0: {  	[sflag:s22] =	ssyncadd.s32 s4;
	_ =	sdelay $0x1  }
0xa1: {  	s23 =	simm.s32 $0x1B8B  }
0xa2: {  	_ =	swait.ge [sflag:s23], $0x1  }
0xa3: {  	[sflag:s23] =	ssyncset.done $0x0  }
0xa4: {  	s25 =	simm.s32 $0x1B8E;
	s24 =	sld [smem:$0x3FFE];
	[sflag:s23] =	ssyncadd.s32 $0xFFFFFFFF  }
0xa5: {  	s26 =	simm.s32 $execute0_lowered;
	[smem:$0x3FD2] =	sst s25  }
0xa6: {  	s5 =	sshll.u32 s26, $0x1;
	_ =	strace $0x80000046;
	[dreg:$0x1] =	wrdreg $0xFFFFFFFF  }
0xa7: {  	s28 =	simm.s32 $_size_execute0_lowered;
	s3 =	sadd.s32 s3, s5;
	[dreg:$0x0] =	wrdreg $0x0  }
0xa8: {  	s5 =	sshll.u32 s28, $0x1;
	[dreg:$0x2] =	wrdreg s3  }
0xa9: {  	[dreg:$0x3] =	wrdreg s5  }
0xaa: {  	[dreg:$0x4] =	wrdreg $0xC0  }
0xab: {  	_ =	task [dreg:s7], $0x5FFFF  }
0xac: {  	[dreg:$0x1] =	wrdreg $0xFFFFFFFF  }
0xad: {  	[dreg:$0x0] =	wrdreg $0x60  }
0xae: {  	[dreg:$0x2] =	wrdreg s24  }
0xaf: {  	[dreg:$0x3] =	wrdreg s2  }
0xb0: {  	[dreg:$0x4] =	wrdreg $0x9  }
0xb1: {  	_ =	task.clear_ibuf [dreg:s7], $0x5FFFF;
	_ =	strace $0x90000046  }
0xb2: {  	s29 =	simm.s32 $0x9;
	_ =	strace $0x80000048  }
0xb3: {  	_ =	swait.ge [sflag:s29], $0x1  }
0xb4: {  	[sflag:s29] =	ssyncadd.s32 $0xFFFFFFFF  }
0xb5: {  	_ =	strace $0x90000048  }
0xb6: {  	_ =	sfence  }
0xb7: {  	s30 =	sld [smem:$0x0];
	_ =	sdelay $0x2  }
0xb8: {  	s31 =	sshll.u32 s1, $0xD;
	s1 =	sshrl.u32 s1, $0x2  }
0xb9: {  	s3 =	sand.u32 $0x4000, s31;
	s1 =	sadd.s32 s1, s30  }
0xba: {  	s0 =	sor.u32 s3, s0;
	s1 =	sshll.u32 s1, $0x11  }
0xbb: {  	s0 =	sor.u32 s1, s0  }
0xbc: {  	s0 =	sadd.s32 $0x8F2B, s0  }
0xbd: {  	[sflag:s0] =	ssyncadd.remote.s32 $0x1  }
0xbe: {  	_ =	sfence.sel $0xFFFF  }
0xbf: {  	[dreg:$0x0] =	wrdreg $0xFFFFFFFF;
	(pc) =	sbr.abs _section_cstart, $3  }
0xc0: {  	[dreg:$0x1] =	wrdreg $0xFFFFFFFF  }
0xc1: {  	_ =	task.clear_ibuf [dreg:s7], $0x2FFFF;
	_ =	strace $0x9FFFFFFF  }
0xc2: {  	(tm) =	ssettm $0x7FFFFFFF  }
0xc3: {  	_ =	shalt  }
tec
execute0_lowered:
.L_overlay_start_1:
0x0: {  	(tag) =	ssettag $0x1  }
0x1: {  	s0 =	rddreg [dreg:$0x0]  }
0x2: {  	s1 =	srdreg.scid;
	s2 =	stileid.u32  }
0x3: {  	s3 =	simm.s32 $0x0;
	s7 =	simm.s32 $0x400;
	s9 =	simm.s32 $0x410  }
0x4: {  	s10 =	simm.s32 $0x420;
	s11 =	simm.s32 $0x430;
	s12 =	simm.s32 $0x440  }
0x5: {  	s13 =	simm.s32 $0x450;
	s14 =	simm.s32 $0x460;
	s15 =	simm.s32 $0x470  }
0x6: {  	s16 =	simm.s32 $0x480;
	s17 =	simm.s32 $0x490;
	s18 =	simm.s32 $0x4A0  }
0x7: {  	s19 =	simm.s32 $0x4B0;
	s1 =	sand.u32 $0x1, s1;
	s2 =	sshll.u32 s2, $0x1  }
0x8: {  	s20 =	simm.s32 $0x4C0;
	[smem:$0x7FF] =	sst s3;
	s2 =	sor.u32 s1, s2  }
0x9: {  	s21 =	simm.s32 $0x4D0;
	_ =	strace $0x80000047;
	s4 =	sshll.u32 s2, $0x7  }
0xa: {  	s1 =	ssub.s32 $0x2, s1;
	s2 =	sshll.u32 s2, $0xD;
	s4 =	sadd.s32 s4, s0  }
0xb: {  	s5 =	sshrl.u32 s1, $0x1;
	s0 =	sadd.s32 s2, s0;
	s30 =	sadd.s32 $0x800, s4  }
0xc: {  	s1 =	ssub.s32 s1, s5;
	s0 =	sadd.s32 $0x1800, s0;
	[dreg:$0x3] =	wrdreg s30  }
0xd: {  	s22 =	simm.s32 $0x4E0;
	s31 =	smax.u32 s1, $0x1;
	[dreg:$0x4] =	wrdreg s0  }
0xe: {  	s23 =	simm.s32 $0x4F0;
	v0 =	vlaneseq.u32;
	s2 =	simm.s32 $0x0;
	[dreg:$0x5] =	wrdreg s31  }
.LBB2_1:
0xf: {  	[dreg:$0x6] =	wrdreg s2  }
0x10: {  	s0 =	rddreg [dreg:$0x1];
	s1 =	simm.s32 $0x3  }
0x11: {  	[tilespmem:s7], [sflag:$0x3] =	stream.linear.gather [hbm4b:s0+s3], $0x13000, $0x38;
	[tilespmem:$0x1B400] =	vst v63  }
0x12: {  	_ =	swait.ge [sflag:s1], $0x13000  }
0x13: {  	[sflag:s1] =	ssyncset.done $0x0  }
0x14: {  	s31 =	rddreg [dreg:$0x3];
	[sflag:s1] =	ssyncadd.s32 $0xFFFED000  }
0x15: {  	[tilespmem:s3], [sflag:$0x3] =	stream.linear.gather [hbm4b:s31+s3], $0x400, $0x38;
	[tilespmem:$0x1B400] =	vst v63  }
0x16: {  	_ =	swait.ge [sflag:s1], $0x400  }
0x17: {  	p2 =	por $0x1, $0x1;
	[sflag:s1] =	ssyncset.done $0x0  }
0x18: {  	p1 =	por $0x0, $0x0;
	s30 =	simm.s32 $0x0;
	[sflag:s1] =	ssyncadd.s32 $0xFFFFFC00  }
.LBB2_2:
0x19: {  	s0 =	sshll.u32 s30, $0x9  }
0x1a: {  	s2 =	sor.u32 $0x4, s0  }
0x1b: {  	s1 =	sadd.s32 $0xFFFFFFFC, s2  }
0x1c: {  	v1 =	vmov s1  }
0x1d: {  	s1 =	simm.s32 @p1 $0x1;
	v2 =	vor.u32 $0x1, v1  }
0x1e: {  	_ =	swait.ge @p1 [sflag:s1], $0x4000;
	v3 =	vor.u32 $0x2, v1  }
0x1f: {  	v4 =	vor.u32 $0x3, v1;
	[sflag:s1] =	ssyncset.done @p1 $0x0  }
0x20: {  	[sflag:s1] =	ssyncadd.s32 @p1 $0xFFFFC000  }
0x21: {  	v1 =	vld.idx.msk [tilespmem:v1+s3+$0x0], $0xffff  }
0x22: {  	v2 =	vld.idx.msk [tilespmem:v2+s3+$0x0], $0xffff  }
0x23: {  	v3 =	vld.idx.msk [tilespmem:v3+s3+$0x0], $0xffff  }
0x24: {  	v4 =	vld.idx.msk [tilespmem:v4+s3+$0x0], $0xffff;
	_ =	sdelay $0x1  }
0x25: {  	v1 =	vshll.u32 v1, $0x8  }
0x26: {  	v9 =	vor.u32 v0, v1;
	v1 =	vshll.u32 v2, $0x8  }
0x27: {  	v10 =	vor.u32 v0, v1;
	v1 =	vshll.u32 v3, $0x8  }
0x28: {  	v8 =	vor.u32 v0, v1;
	v1 =	vshll.u32 v4, $0x8  }
0x29: {  	v7 =	vor.u32 v0, v1;
	_ =	sdelay $0x1  }
0x2a: {  	v1 =	vld.idx.msk [tilespmem:v9+s7+$0x0], $0xffff  }
0x2b: {  	v2 =	vmov s2;
	v3 =	vld.idx.msk [tilespmem:v10+s7+$0x0], $0xffff  }
0x2c: {  	v4 =	vor.u32 $0x1, v2;
	v5 =	vld.idx.msk [tilespmem:v8+s7+$0x0], $0xffff  }
0x2d: {  	v6 =	vor.u32 $0x2, v2;
	v11 =	vld.idx.msk [tilespmem:v7+s7+$0x0], $0xffff  }
0x2e: {  	v12 =	vor.u32 $0x3, v2;
	_ =	sdelay $0x1  }
0x2f: {  	v2 =	vld.idx.msk [tilespmem:v2+s3+$0x0], $0xffff  }
0x30: {  	v4 =	vld.idx.msk [tilespmem:v4+s3+$0x0], $0xffff  }
0x31: {  	s6 =	simm.s32 $0x0;
	v6 =	vld.idx.msk [tilespmem:v6+s3+$0x0], $0xffff;
	v1 =	vadd.f32 v3, v1;
	v3 =	vadd.f32 v11, v5  }
0x32: {  	s4 =	simm.s32 $0x0;
	s1 =	sand.u32 $0x3800, s6;
	v5 =	vld.idx.msk [tilespmem:v12+s3+$0x0], $0xffff  }
0x33: {  	s4 =	sand.u32 $0x300, s4;
	s1 =	sadd.s32 $0x13400, s1;
	v1 =	vadd.f32 v3, v1  }
0x34: {  	s31 =	sor.u32 s4, s1;
	v2 =	vshll.u32 v2, $0x8  }
0x35: {  	v16 =	vor.u32 v0, v2;
	v2 =	vshll.u32 v4, $0x8;
	[tilespmem:s31+$0x0] =	vst v1  }
0x36: {  	v15 =	vor.u32 v0, v2;
	v1 =	vshll.u32 v6, $0x8;
	v3 =	vld.idx.msk [tilespmem:v9+s9+$0x0], $0xffff  }
0x37: {  	v2 =	vor.u32 v0, v1;
	v1 =	vshll.u32 v5, $0x8;
	v4 =	vld.idx.msk [tilespmem:v10+s9+$0x0], $0xffff  }
0x38: {  	v5 =	vld.idx.msk [tilespmem:v8+s9+$0x0], $0xffff;
	v1 =	vor.u32 v0, v1  }
0x39: {  	v6 =	vld.idx.msk [tilespmem:v7+s9+$0x0], $0xffff  }
0x3a: {  	v11 =	vld.idx.msk [tilespmem:v16+s7+$0x0], $0xffff  }
0x3b: {  	v12 =	vld.idx.msk [tilespmem:v15+s7+$0x0], $0xffff  }
0x3c: {  	v13 =	vld.idx.msk [tilespmem:v2+s7+$0x0], $0xffff  }
0x3d: {  	v14 =	vld.idx.msk [tilespmem:v1+s7+$0x0], $0xffff  }
0x3e: {  	v3 =	vadd.f32 v4, v3;
	v4 =	vadd.f32 v6, v5;
	_ =	sdelay $0x1  }
0x3f: {  	v3 =	vadd.f32 v4, v3;
	_ =	sdelay $0x1  }
0x40: {  	v4 =	vadd.f32 v12, v11;
	[tilespmem:s31+$0x10] =	vst v3;
	v5 =	vadd.f32 v14, v13  }
0x41: {  	s8 =	simm.s32 $0x80;
	v3 =	vld.idx.msk [tilespmem:v9+s10+$0x0], $0xffff  }
0x42: {  	s4 =	sand.u32 $0x380, s8;
	v6 =	vld.idx.msk [tilespmem:v8+s10+$0x0], $0xffff;
	v4 =	vadd.f32 v5, v4  }
0x43: {  	s1 =	sor.u32 s4, s1;
	v5 =	vld.idx.msk [tilespmem:v10+s10+$0x0], $0xffff  }
0x44: {  	[tilespmem:s1+$0x0] =	vst v4;
	v4 =	vld.idx.msk [tilespmem:v7+s10+$0x0], $0xffff  }
0x45: {  	v11 =	vld.idx.msk [tilespmem:v16+s9+$0x0], $0xffff  }
0x46: {  	v12 =	vld.idx.msk [tilespmem:v15+s9+$0x0], $0xffff  }
0x47: {  	v13 =	vld.idx.msk [tilespmem:v2+s9+$0x0], $0xffff  }
0x48: {  	v14 =	vld.idx.msk [tilespmem:v1+s9+$0x0], $0xffff  }
0x49: {  	v3 =	vadd.f32 v5, v3;
	v4 =	vadd.f32 v4, v6;
	_ =	sdelay $0x1  }
0x4a: {  	v3 =	vadd.f32 v4, v3;
	_ =	sdelay $0x1  }
0x4b: {  	v5 =	vadd.f32 v14, v13;
	v4 =	vadd.f32 v12, v11;
	[tilespmem:s31+$0x20] =	vst v3  }
0x4c: {  	v3 =	vld.idx.msk [tilespmem:v9+s11+$0x0], $0xffff  }
0x4d: {  	v4 =	vadd.f32 v5, v4;
	v5 =	vld.idx.msk [tilespmem:v10+s11+$0x0], $0xffff  }
0x4e: {  	v6 =	vld.idx.msk [tilespmem:v8+s11+$0x0], $0xffff  }
0x4f: {  	[tilespmem:s1+$0x10] =	vst v4;
	v4 =	vld.idx.msk [tilespmem:v7+s11+$0x0], $0xffff  }
0x50: {  	v11 =	vld.idx.msk [tilespmem:v16+s10+$0x0], $0xffff  }
0x51: {  	v12 =	vld.idx.msk [tilespmem:v15+s10+$0x0], $0xffff  }
0x52: {  	v13 =	vld.idx.msk [tilespmem:v2+s10+$0x0], $0xffff  }
0x53: {  	v14 =	vld.idx.msk [tilespmem:v1+s10+$0x0], $0xffff  }
0x54: {  	v3 =	vadd.f32 v5, v3;
	v4 =	vadd.f32 v4, v6;
	_ =	sdelay $0x1  }
0x55: {  	v3 =	vadd.f32 v4, v3;
	_ =	sdelay $0x1  }
0x56: {  	v5 =	vadd.f32 v14, v13;
	v4 =	vadd.f32 v12, v11;
	[tilespmem:s31+$0x30] =	vst v3  }
0x57: {  	v3 =	vld.idx.msk [tilespmem:v9+s12+$0x0], $0xffff  }
0x58: {  	v4 =	vadd.f32 v5, v4;
	v5 =	vld.idx.msk [tilespmem:v10+s12+$0x0], $0xffff  }
0x59: {  	v6 =	vld.idx.msk [tilespmem:v8+s12+$0x0], $0xffff  }
0x5a: {  	[tilespmem:s1+$0x20] =	vst v4;
	v4 =	vld.idx.msk [tilespmem:v7+s12+$0x0], $0xffff  }
0x5b: {  	v11 =	vld.idx.msk [tilespmem:v16+s11+$0x0], $0xffff  }
0x5c: {  	v12 =	vld.idx.msk [tilespmem:v15+s11+$0x0], $0xffff  }
0x5d: {  	v13 =	vld.idx.msk [tilespmem:v2+s11+$0x0], $0xffff  }
0x5e: {  	v14 =	vld.idx.msk [tilespmem:v1+s11+$0x0], $0xffff  }
0x5f: {  	v3 =	vadd.f32 v5, v3;
	v4 =	vadd.f32 v4, v6;
	_ =	sdelay $0x1  }
0x60: {  	v3 =	vadd.f32 v4, v3;
	_ =	sdelay $0x1  }
0x61: {  	v5 =	vadd.f32 v14, v13;
	v4 =	vadd.f32 v12, v11;
	[tilespmem:s31+$0x40] =	vst v3  }
0x62: {  	v3 =	vld.idx.msk [tilespmem:v9+s13+$0x0], $0xffff  }
0x63: {  	v4 =	vadd.f32 v5, v4;
	v5 =	vld.idx.msk [tilespmem:v10+s13+$0x0], $0xffff  }
0x64: {  	v6 =	vld.idx.msk [tilespmem:v8+s13+$0x0], $0xffff  }
0x65: {  	[tilespmem:s1+$0x30] =	vst v4;
	v4 =	vld.idx.msk [tilespmem:v7+s13+$0x0], $0xffff  }
0x66: {  	v11 =	vld.idx.msk [tilespmem:v16+s12+$0x0], $0xffff  }
0x67: {  	v12 =	vld.idx.msk [tilespmem:v15+s12+$0x0], $0xffff  }
0x68: {  	v13 =	vld.idx.msk [tilespmem:v2+s12+$0x0], $0xffff  }
0x69: {  	v14 =	vld.idx.msk [tilespmem:v1+s12+$0x0], $0xffff  }
0x6a: {  	v3 =	vadd.f32 v5, v3;
	v4 =	vadd.f32 v4, v6;
	_ =	sdelay $0x1  }
0x6b: {  	v3 =	vadd.f32 v4, v3;
	_ =	sdelay $0x1  }
0x6c: {  	v5 =	vadd.f32 v14, v13;
	v4 =	vadd.f32 v12, v11;
	[tilespmem:s31+$0x50] =	vst v3  }
0x6d: {  	v3 =	vld.idx.msk [tilespmem:v9+s14+$0x0], $0xffff  }
0x6e: {  	v4 =	vadd.f32 v5, v4;
	v5 =	vld.idx.msk [tilespmem:v10+s14+$0x0], $0xffff  }
0x6f: {  	v6 =	vld.idx.msk [tilespmem:v8+s14+$0x0], $0xffff  }
0x70: {  	[tilespmem:s1+$0x40] =	vst v4;
	v4 =	vld.idx.msk [tilespmem:v7+s14+$0x0], $0xffff  }
0x71: {  	v11 =	vld.idx.msk [tilespmem:v16+s13+$0x0], $0xffff  }
0x72: {  	v12 =	vld.idx.msk [tilespmem:v15+s13+$0x0], $0xffff  }
0x73: {  	v13 =	vld.idx.msk [tilespmem:v2+s13+$0x0], $0xffff  }
0x74: {  	v14 =	vld.idx.msk [tilespmem:v1+s13+$0x0], $0xffff  }
0x75: {  	v3 =	vadd.f32 v5, v3;
	v4 =	vadd.f32 v4, v6;
	_ =	sdelay $0x1  }
0x76: {  	v3 =	vadd.f32 v4, v3;
	_ =	sdelay $0x1  }
0x77: {  	v5 =	vadd.f32 v14, v13;
	v4 =	vadd.f32 v12, v11;
	[tilespmem:s31+$0x60] =	vst v3  }
0x78: {  	v3 =	vld.idx.msk [tilespmem:v9+s15+$0x0], $0xffff  }
0x79: {  	v4 =	vadd.f32 v5, v4;
	v5 =	vld.idx.msk [tilespmem:v10+s15+$0x0], $0xffff  }
0x7a: {  	v6 =	vld.idx.msk [tilespmem:v8+s15+$0x0], $0xffff  }
0x7b: {  	[tilespmem:s1+$0x50] =	vst v4;
	v4 =	vld.idx.msk [tilespmem:v7+s15+$0x0], $0xffff  }
0x7c: {  	v11 =	vld.idx.msk [tilespmem:v16+s14+$0x0], $0xffff  }
0x7d: {  	v12 =	vld.idx.msk [tilespmem:v15+s14+$0x0], $0xffff  }
0x7e: {  	v13 =	vld.idx.msk [tilespmem:v2+s14+$0x0], $0xffff  }
0x7f: {  	v14 =	vld.idx.msk [tilespmem:v1+s14+$0x0], $0xffff  }
0x80: {  	v3 =	vadd.f32 v5, v3;
	v4 =	vadd.f32 v4, v6;
	_ =	sdelay $0x1  }
0x81: {  	v3 =	vadd.f32 v4, v3;
	_ =	sdelay $0x1  }
0x82: {  	v5 =	vadd.f32 v14, v13;
	v4 =	vadd.f32 v12, v11;
	[tilespmem:s31+$0x70] =	vst v3  }
0x83: {  	v3 =	vld.idx.msk [tilespmem:v9+s16+$0x0], $0xffff  }
0x84: {  	s24 =	sadd.s32 $0x8, s2;
	v4 =	vadd.f32 v5, v4;
	v5 =	vld.idx.msk [tilespmem:v10+s16+$0x0], $0xffff  }
0x85: {  	s2 =	sadd.s32 $0xFFFFFFFC, s24;
	v6 =	vld.idx.msk [tilespmem:v8+s16+$0x0], $0xffff  }
0x86: {  	v13 =	vmov s2;
	[tilespmem:s1+$0x60] =	vst v4;
	v4 =	vld.idx.msk [tilespmem:v7+s16+$0x0], $0xffff  }
0x87: {  	v11 =	vmov s24;
	v12 =	vld.idx.msk [tilespmem:v16+s15+$0x0], $0xffff  }
0x88: {  	v21 =	vor.u32 $0x3, v13;
	v14 =	vld.idx.msk [tilespmem:v15+s15+$0x0], $0xffff  }
0x89: {  	v17 =	vor.u32 $0x1, v13;
	v18 =	vld.idx.msk [tilespmem:v2+s15+$0x0], $0xffff  }
0x8a: {  	v19 =	vor.u32 $0x2, v13;
	v20 =	vld.idx.msk [tilespmem:v1+s15+$0x0], $0xffff  }
0x8b: {  	v3 =	vadd.f32 v5, v3;
	v5 =	vld.idx.msk [tilespmem:v13+s3+$0x0], $0xffff;
	v13 =	vor.u32 $0x1, v11  }
0x8c: {  	v22 =	vld.idx.msk [tilespmem:v11+s3+$0x0], $0xffff;
	v4 =	vadd.f32 v4, v6  }
0x8d: {  	v21 =	vld.idx.msk [tilespmem:v21+s3+$0x0], $0xffff  }
0x8e: {  	v6 =	vld.idx.msk [tilespmem:v17+s3+$0x0], $0xffff;
	v3 =	vadd.f32 v4, v3  }
0x8f: {  	v4 =	vld.idx.msk [tilespmem:v19+s3+$0x0], $0xffff  }
0x90: {  	v12 =	vadd.f32 v14, v12;
	v14 =	vadd.f32 v20, v18;
	[tilespmem:s31+$0x400] =	vst v3;
	v13 =	vld.idx.msk [tilespmem:v13+s3+$0x0], $0xffff  }
0x91: {  	v23 =	vld.idx.msk [tilespmem:v9+s17+$0x0], $0xffff  }
0x92: {  	v19 =	vor.u32 $0x2, v11;
	v12 =	vadd.f32 v14, v12;
	v3 =	vshll.u32 v22, $0x8;
	v22 =	vld.idx.msk [tilespmem:v10+s17+$0x0], $0xffff  }
0x93: {  	v11 =	vor.u32 $0x3, v11;
	v24 =	vld.idx.msk [tilespmem:v8+s17+$0x0], $0xffff  }
0x94: {  	v5 =	vshll.u32 v5, $0x8;
	v25 =	vld.idx.msk [tilespmem:v7+s17+$0x0], $0xffff;
	[tilespmem:s1+$0x70] =	vst v12  }
0x95: {  	v17 =	vor.u32 v0, v5;
	v5 =	vshll.u32 v6, $0x8;
	v14 =	vld.idx.msk [tilespmem:v16+s16+$0x0], $0xffff  }
0x96: {  	v18 =	vor.u32 v0, v5;
	v29 =	vld.idx.msk [tilespmem:v1+s16+$0x0], $0xffff;
	v4 =	vshll.u32 v4, $0x8  }
0x97: {  	v6 =	vld.idx.msk [tilespmem:v19+s3+$0x0], $0xffff;
	v19 =	vor.u32 v0, v4;
	v4 =	vshll.u32 v21, $0x8  }
0x98: {  	v11 =	vld.idx.msk [tilespmem:v11+s3+$0x0], $0xffff;
	v20 =	vor.u32 v0, v4  }
0x99: {  	v21 =	vld.idx.msk [tilespmem:v15+s16+$0x0], $0xffff;
	v4 =	vadd.f32 v22, v23;
	v5 =	vadd.f32 v25, v24  }
0x9a: {  	v22 =	vld.idx.msk [tilespmem:v17+s7+$0x0], $0xffff  }
0x9b: {  	v23 =	vld.idx.msk [tilespmem:v18+s7+$0x0], $0xffff;
	v5 =	vadd.f32 v5, v4  }
0x9c: {  	v4 =	vshll.u32 v13, $0x8;
	v13 =	vld.idx.msk [tilespmem:v19+s7+$0x0], $0xffff  }
0x9d: {  	v3 =	vor.u32 v0, v3;
	v6 =	vshll.u32 v6, $0x8;
	v61 =	vld.idx.msk [tilespmem:v20+s7+$0x0], $0xffff;
	[tilespmem:s31+$0x410] =	vst v5  }
0x9e: {  	v4 =	vor.u32 v0, v4;
	v5 =	vor.u32 v0, v6;
	v6 =	vshll.u32 v11, $0x8;
	v11 =	vld.idx.msk [tilespmem:v9+s18+$0x0], $0xffff  }
0x9f: {  	v62 =	vld.idx.msk [tilespmem:v10+s18+$0x0], $0xffff  }
0xa0: {  	v6 =	vor.u32 v0, v6;
	v26 =	vld.idx.msk [tilespmem:v8+s18+$0x0], $0xffff  }
0xa1: {  	v27 =	vld.idx.msk [tilespmem:v7+s18+$0x0], $0xffff  }
0xa2: {  	s25 =	simm.s32 $0x200;
	v12 =	vld.idx.msk [tilespmem:v3+s7+$0x0], $0xffff;
	v22 =	vadd.f32 v23, v22;
	v13 =	vadd.f32 v61, v13  }
0xa3: {  	s6 =	simm.s32 $0x100;
	s2 =	sand.u32 $0x3800, s25;
	v28 =	vld.idx.msk [tilespmem:v4+s7+$0x0], $0xffff  }
0xa4: {  	s6 =	sand.u32 $0x300, s6;
	s2 =	sadd.s32 $0x13400, s2;
	v23 =	vld.idx.msk [tilespmem:v5+s7+$0x0], $0xffff;
	v13 =	vadd.f32 v13, v22  }
0xa5: {  	s8 =	sor.u32 s6, s2;
	v63 =	vld.idx.msk [tilespmem:v6+s7+$0x0], $0xffff  }
0xa6: {  	v11 =	vadd.f32 v62, v11;
	v22 =	vld.idx.msk [tilespmem:v2+s16+$0x0], $0xffff;
	[tilespmem:s8+$0x0] =	vst v13;
	v13 =	vadd.f32 v27, v26  }
0xa7: {  	v30 =	vld.idx.msk [tilespmem:v17+s9+$0x0], $0xffff  }
0xa8: {  	v31 =	vld.idx.msk [tilespmem:v18+s9+$0x0], $0xffff;
	v11 =	vadd.f32 v13, v11  }
0xa9: {  	v32 =	vld.idx.msk [tilespmem:v20+s9+$0x0], $0xffff  }
0xaa: {  	v12 =	vadd.f32 v28, v12;
	v13 =	vld.idx.msk [tilespmem:v19+s9+$0x0], $0xffff;
	v23 =	vadd.f32 v63, v23;
	[tilespmem:s31+$0x420] =	vst v11  }
0xab: {  	s26 =	simm.s32 $0x180;
	v11 =	vld.idx.msk [tilespmem:v9+s19+$0x0], $0xffff  }
0xac: {  	s6 =	sand.u32 $0x380, s26;
	v12 =	vadd.f32 v23, v12;
	v23 =	vld.idx.msk [tilespmem:v10+s19+$0x0], $0xffff  }
0xad: {  	s2 =	sor.u32 s6, s2;
	v14 =	vadd.f32 v21, v14;
	v21 =	vadd.f32 v29, v22;
	v22 =	vld.idx.msk [tilespmem:v8+s19+$0x0], $0xffff  }
0xae: {  	[tilespmem:s2+$0x0] =	vst v12;
	v12 =	vld.idx.msk [tilespmem:v7+s19+$0x0], $0xffff  }
0xaf: {  	v14 =	vadd.f32 v21, v14;
	v21 =	vld.idx.msk [tilespmem:v3+s9+$0x0], $0xffff  }
0xb0: {  	v33 =	vld.idx.msk [tilespmem:v4+s9+$0x0], $0xffff  }
0xb1: {  	v34 =	vld.idx.msk [tilespmem:v5+s9+$0x0], $0xffff  }
0xb2: {  	v25 =	vadd.f32 v31, v30;
	v13 =	vadd.f32 v32, v13;
	[tilespmem:s1+$0x400] =	vst v14;
	v14 =	vld.idx.msk [tilespmem:v6+s9+$0x0], $0xffff  }
0xb3: {  	v35 =	vld.idx.msk [tilespmem:v16+s17+$0x0], $0xffff  }
0xb4: {  	v40 =	vld.idx.msk [tilespmem:v2+s17+$0x0], $0xffff;
	v13 =	vadd.f32 v13, v25  }
0xb5: {  	v42 =	vld.idx.msk [tilespmem:v1+s17+$0x0], $0xffff  }
0xb6: {  	v11 =	vadd.f32 v23, v11;
	[tilespmem:s8+$0x10] =	vst v13;
	v12 =	vadd.f32 v12, v22;
	v13 =	vld.idx.msk [tilespmem:v15+s17+$0x0], $0xffff  }
0xb7: {  	v22 =	vld.idx.msk [tilespmem:v17+s10+$0x0], $0xffff  }
0xb8: {  	v23 =	vld.idx.msk [tilespmem:v18+s10+$0x0], $0xffff;
	v11 =	vadd.f32 v12, v11  }
0xb9: {  	v36 =	vld.idx.msk [tilespmem:v20+s10+$0x0], $0xffff  }
0xba: {  	v21 =	vadd.f32 v33, v21;
	v14 =	vadd.f32 v14, v34;
	v12 =	vld.idx.msk [tilespmem:v19+s10+$0x0], $0xffff;
	[tilespmem:s31+$0x430] =	vst v11  }
0xbb: {  	v11 =	vld.idx.msk [tilespmem:v9+s20+$0x0], $0xffff  }
0xbc: {  	v14 =	vadd.f32 v14, v21;
	v21 =	vld.idx.msk [tilespmem:v10+s20+$0x0], $0xffff  }
0xbd: {  	v37 =	vld.idx.msk [tilespmem:v8+s20+$0x0], $0xffff  }
0xbe: {  	v45 =	vadd.f32 v42, v40;
	[tilespmem:s2+$0x10] =	vst v14;
	v14 =	vld.idx.msk [tilespmem:v7+s20+$0x0], $0xffff;
	v13 =	vadd.f32 v13, v35  }
0xbf: {  	v38 =	vld.idx.msk [tilespmem:v3+s10+$0x0], $0xffff;
	v22 =	vadd.f32 v23, v22;
	v12 =	vadd.f32 v36, v12  }
0xc0: {  	v23 =	vld.idx.msk [tilespmem:v4+s10+$0x0], $0xffff;
	v13 =	vadd.f32 v45, v13  }
0xc1: {  	v39 =	vld.idx.msk [tilespmem:v5+s10+$0x0], $0xffff;
	v12 =	vadd.f32 v12, v22  }
0xc2: {  	v22 =	vld.idx.msk [tilespmem:v6+s10+$0x0], $0xffff;
	[tilespmem:s1+$0x410] =	vst v13  }
0xc3: {  	v47 =	vld.idx.msk [tilespmem:v16+s18+$0x0], $0xffff;
	[tilespmem:s8+$0x20] =	vst v12  }
0xc4: {  	v11 =	vadd.f32 v21, v11;
	v12 =	vadd.f32 v14, v37;
	v14 =	vld.idx.msk [tilespmem:v17+s11+$0x0], $0xffff  }
0xc5: {  	v21 =	vld.idx.msk [tilespmem:v18+s11+$0x0], $0xffff  }
0xc6: {  	v41 =	vld.idx.msk [tilespmem:v20+s11+$0x0], $0xffff;
	v11 =	vadd.f32 v12, v11  }
0xc7: {  	v12 =	vld.idx.msk [tilespmem:v19+s11+$0x0], $0xffff  }
0xc8: {  	v52 =	vld.idx.msk [tilespmem:v15+s18+$0x0], $0xffff;
	v23 =	vadd.f32 v23, v38;
	v22 =	vadd.f32 v22, v39;
	[tilespmem:s31+$0x440] =	vst v11  }
0xc9: {  	v11 =	vld.idx.msk [tilespmem:v9+s21+$0x0], $0xffff  }
0xca: {  	v22 =	vadd.f32 v22, v23;
	v23 =	vld.idx.msk [tilespmem:v10+s21+$0x0], $0xffff  }
0xcb: {  	v43 =	vld.idx.msk [tilespmem:v8+s21+$0x0], $0xffff  }
0xcc: {  	v14 =	vadd.f32 v21, v14;
	[tilespmem:s2+$0x20] =	vst v22;
	v22 =	vld.idx.msk [tilespmem:v7+s21+$0x0], $0xffff;
	v12 =	vadd.f32 v41, v12  }
0xcd: {  	v21 =	vld.idx.msk [tilespmem:v3+s11+$0x0], $0xffff  }
0xce: {  	v44 =	vld.idx.msk [tilespmem:v4+s11+$0x0], $0xffff;
	v12 =	vadd.f32 v12, v14  }
0xcf: {  	v46 =	vld.idx.msk [tilespmem:v6+s11+$0x0], $0xffff  }
0xd0: {  	v14 =	vld.idx.msk [tilespmem:v5+s11+$0x0], $0xffff;
	[tilespmem:s8+$0x30] =	vst v12  }
0xd1: {  	v11 =	vadd.f32 v23, v11;
	v12 =	vadd.f32 v22, v43;
	v22 =	vld.idx.msk [tilespmem:v17+s12+$0x0], $0xffff  }
0xd2: {  	v23 =	vld.idx.msk [tilespmem:v18+s12+$0x0], $0xffff  }
0xd3: {  	v13 =	vld.idx.msk [tilespmem:v20+s12+$0x0], $0xffff;
	v11 =	vadd.f32 v12, v11  }
0xd4: {  	v12 =	vld.idx.msk [tilespmem:v19+s12+$0x0], $0xffff  }
0xd5: {  	v53 =	vld.idx.msk [tilespmem:v2+s18+$0x0], $0xffff;
	v21 =	vadd.f32 v44, v21;
	v14 =	vadd.f32 v46, v14;
	[tilespmem:s31+$0x450] =	vst v11  }
0xd6: {  	v11 =	vld.idx.msk [tilespmem:v9+s22+$0x0], $0xffff  }
0xd7: {  	v14 =	vadd.f32 v14, v21;
	v21 =	vld.idx.msk [tilespmem:v10+s22+$0x0], $0xffff  }
0xd8: {  	v48 =	vld.idx.msk [tilespmem:v8+s22+$0x0], $0xffff  }
0xd9: {  	v22 =	vadd.f32 v23, v22;
	[tilespmem:s2+$0x30] =	vst v14;
	v14 =	vld.idx.msk [tilespmem:v7+s22+$0x0], $0xffff;
	v12 =	vadd.f32 v13, v12  }
0xda: {  	v13 =	vld.idx.msk [tilespmem:v3+s12+$0x0], $0xffff  }
0xdb: {  	s24 =	sadd.s32 $0x8, s24;
	v23 =	vld.idx.msk [tilespmem:v4+s12+$0x0], $0xffff;
	v12 =	vadd.f32 v12, v22  }
0xdc: {  	s4 =	sadd.s32 $0xFFFFFFFC, s24;
	v49 =	vld.idx.msk [tilespmem:v6+s12+$0x0], $0xffff  }
0xdd: {  	v62 =	vmov s4;
	v22 =	vld.idx.msk [tilespmem:v5+s12+$0x0], $0xffff;
	[tilespmem:s8+$0x40] =	vst v12  }
0xde: {  	v40 =	vor.u32 $0x1, v62;
	v12 =	vld.idx.msk [tilespmem:v17+s13+$0x0], $0xffff  }
0xdf: {  	v33 =	vor.u32 $0x3, v62;
	v50 =	vld.idx.msk [tilespmem:v18+s13+$0x0], $0xffff  }
0xe0: {  	v11 =	vadd.f32 v21, v11;
	v14 =	vadd.f32 v14, v48;
	v51 =	vld.idx.msk [tilespmem:v19+s13+$0x0], $0xffff  }
0xe1: {  	v13 =	vadd.f32 v23, v13;
	v23 =	vld.idx.msk [tilespmem:v20+s13+$0x0], $0xffff  }
0xe2: {  	v54 =	vld.idx.msk [tilespmem:v1+s18+$0x0], $0xffff;
	v11 =	vadd.f32 v14, v11;
	v14 =	vadd.f32 v49, v22  }
0xe3: {  	v41 =	vld.idx.msk [tilespmem:v40+s3+$0x0], $0xffff  }
0xe4: {  	v43 =	vld.idx.msk [tilespmem:v33+s3+$0x0], $0xffff;
	[tilespmem:s31+$0x460] =	vst v11;
	v11 =	vadd.f32 v14, v13  }
0xe5: {  	v21 =	vld.idx.msk [tilespmem:v9+s23+$0x0], $0xffff  }
0xe6: {  	v22 =	vld.idx.msk [tilespmem:v10+s23+$0x0], $0xffff;
	v9 =	vadd.f32 v50, v12;
	v10 =	vadd.f32 v23, v51;
	[tilespmem:s2+$0x40] =	vst v11  }
0xe7: {  	v11 =	vld.idx.msk [tilespmem:v3+s13+$0x0], $0xffff  }
0xe8: {  	v12 =	vld.idx.msk [tilespmem:v4+s13+$0x0], $0xffff;
	v9 =	vadd.f32 v10, v9  }
0xe9: {  	v10 =	vld.idx.msk [tilespmem:v5+s13+$0x0], $0xffff  }
0xea: {  	v13 =	vadd.f32 v52, v47;
	v14 =	vadd.f32 v54, v53;
	v23 =	vld.idx.msk [tilespmem:v6+s13+$0x0], $0xffff;
	[tilespmem:s8+$0x50] =	vst v9  }
0xeb: {  	v9 =	vld.idx.msk [tilespmem:v17+s14+$0x0], $0xffff  }
0xec: {  	v13 =	vadd.f32 v14, v13;
	v14 =	vld.idx.msk [tilespmem:v18+s14+$0x0], $0xffff  }
0xed: {  	v55 =	vld.idx.msk [tilespmem:v19+s14+$0x0], $0xffff  }
0xee: {  	[tilespmem:s1+$0x420] =	vst v13;
	v13 =	vld.idx.msk [tilespmem:v20+s14+$0x0], $0xffff  }
0xef: {  	v56 =	vld.idx.msk [tilespmem:v16+s19+$0x0], $0xffff;
	v11 =	vadd.f32 v12, v11;
	v10 =	vadd.f32 v23, v10  }
0xf0: {  	v57 =	vld.idx.msk [tilespmem:v2+s19+$0x0], $0xffff  }
0xf1: {  	v12 =	vld.idx.msk [tilespmem:v15+s19+$0x0], $0xffff;
	v10 =	vadd.f32 v10, v11  }
0xf2: {  	v11 =	vld.idx.msk [tilespmem:v1+s19+$0x0], $0xffff  }
0xf3: {  	v23 =	vld.idx.msk [tilespmem:v8+s23+$0x0], $0xffff;
	v8 =	vadd.f32 v14, v9;
	v9 =	vadd.f32 v13, v55;
	[tilespmem:s2+$0x50] =	vst v10  }
0xf4: {  	v10 =	vld.idx.msk [tilespmem:v3+s14+$0x0], $0xffff  }
0xf5: {  	v13 =	vld.idx.msk [tilespmem:v4+s14+$0x0], $0xffff;
	v8 =	vadd.f32 v9, v8  }
0xf6: {  	v9 =	vld.idx.msk [tilespmem:v5+s14+$0x0], $0xffff  }
0xf7: {  	v12 =	vadd.f32 v12, v56;
	v14 =	vld.idx.msk [tilespmem:v6+s14+$0x0], $0xffff;
	v11 =	vadd.f32 v11, v57;
	[tilespmem:s8+$0x60] =	vst v8  }
0xf8: {  	v8 =	vld.idx.msk [tilespmem:v17+s15+$0x0], $0xffff  }
0xf9: {  	v58 =	vld.idx.msk [tilespmem:v19+s15+$0x0], $0xffff;
	v11 =	vadd.f32 v11, v12  }
0xfa: {  	v12 =	vld.idx.msk [tilespmem:v18+s15+$0x0], $0xffff  }
0xfb: {  	[tilespmem:s1+$0x430] =	vst v11;
	v11 =	vld.idx.msk [tilespmem:v20+s15+$0x0], $0xffff  }
0xfc: {  	v10 =	vadd.f32 v13, v10;
	v9 =	vadd.f32 v14, v9;
	v13 =	vld.idx.msk [tilespmem:v16+s20+$0x0], $0xffff  }
0xfd: {  	v14 =	vld.idx.msk [tilespmem:v15+s20+$0x0], $0xffff  }
0xfe: {  	v9 =	vadd.f32 v9, v10;
	v10 =	vld.idx.msk [tilespmem:v2+s20+$0x0], $0xffff  }
0xff: {  	v59 =	vld.idx.msk [tilespmem:v1+s20+$0x0], $0xffff  }
0x100: {  	v24 =	vld.idx.msk [tilespmem:v7+s23+$0x0], $0xffff;
	[tilespmem:s2+$0x60] =	vst v9;
	v7 =	vadd.f32 v12, v8;
	v8 =	vadd.f32 v11, v58  }
0x101: {  	v9 =	vld.idx.msk [tilespmem:v3+s15+$0x0], $0xffff  }
0x102: {  	v12 =	vld.idx.msk [tilespmem:v6+s15+$0x0], $0xffff;
	v7 =	vadd.f32 v8, v7  }
0x103: {  	v11 =	vld.idx.msk [tilespmem:v4+s15+$0x0], $0xffff  }
0x104: {  	v13 =	vadd.f32 v14, v13;
	v8 =	vld.idx.msk [tilespmem:v5+s15+$0x0], $0xffff;
	[tilespmem:s8+$0x70] =	vst v7;
	v7 =	vadd.f32 v59, v10  }
0x105: {  	v10 =	vld.idx.msk [tilespmem:v17+s16+$0x0], $0xffff  }
0x106: {  	v14 =	vld.idx.msk [tilespmem:v18+s16+$0x0], $0xffff;
	v7 =	vadd.f32 v7, v13  }
0x107: {  	v60 =	vld.idx.msk [tilespmem:v20+s16+$0x0], $0xffff  }
0x108: {  	v13 =	vld.idx.msk [tilespmem:v19+s16+$0x0], $0xffff;
	[tilespmem:s1+$0x440] =	vst v7  }
0x109: {  	v9 =	vadd.f32 v11, v9;
	v8 =	vadd.f32 v12, v8;
	v61 =	vld.idx.msk [tilespmem:v16+s21+$0x0], $0xffff  }
0x10a: {  	v63 =	vld.idx.msk [tilespmem:v15+s21+$0x0], $0xffff  }
0x10b: {  	v30 =	vld.idx.msk [tilespmem:v2+s21+$0x0], $0xffff;
	v12 =	vadd.f32 v8, v9  }
0x10c: {  	v7 =	vmov s24;
	v32 =	vld.idx.msk [tilespmem:v1+s21+$0x0], $0xffff  }
0x10d: {  	v31 =	vor.u32 $0x2, v62;
	v10 =	vadd.f32 v14, v10;
	v14 =	vld.idx.msk [tilespmem:v62+s3+$0x0], $0xffff;
	[tilespmem:s2+$0x70] =	vst v12  }
0x10e: {  	v49 =	vld.idx.msk [tilespmem:v3+s16+$0x0], $0xffff  }
0x10f: {  	v42 =	vor.u32 $0x1, v7;
	v51 =	vld.idx.msk [tilespmem:v4+s16+$0x0], $0xffff  }
0x110: {  	v13 =	vadd.f32 v60, v13;
	v62 =	vld.idx.msk [tilespmem:v6+s16+$0x0], $0xffff  }
0x111: {  	v34 =	vld.idx.msk [tilespmem:v7+s3+$0x0], $0xffff  }
0x112: {  	v10 =	vadd.f32 v13, v10;
	v13 =	vld.idx.msk [tilespmem:v31+s3+$0x0], $0xffff  }
0x113: {  	v26 =	vadd.f32 v63, v61;
	v61 =	vld.idx.msk [tilespmem:v5+s16+$0x0], $0xffff  }
0x114: {  	v9 =	vshll.u32 v41, $0x8;
	[tilespmem:s8+$0x400] =	vst v10;
	v10 =	vor.u32 $0x2, v7;
	v11 =	vshll.u32 v14, $0x8;
	v14 =	vld.idx.msk [tilespmem:v42+s3+$0x0], $0xffff  }
0x115: {  	v9 =	vor.u32 v0, v9;
	v44 =	vld.idx.msk [tilespmem:v17+s17+$0x0], $0xffff  }
0x116: {  	v35 =	vld.idx.msk [tilespmem:v19+s17+$0x0], $0xffff;
	v8 =	vor.u32 v0, v11  }
0x117: {  	v56 =	vadd.f32 v32, v30;
	v36 =	vld.idx.msk [tilespmem:v20+s17+$0x0], $0xffff  }
0x118: {  	v45 =	vor.u32 $0x3, v7;
	v46 =	vld.idx.msk [tilespmem:v18+s17+$0x0], $0xffff;
	v7 =	vshll.u32 v34, $0x8  }
0x119: {  	v26 =	vadd.f32 v56, v26;
	v7 =	vor.u32 v0, v7;
	v47 =	vld.idx.msk [tilespmem:v10+s3+$0x0], $0xffff;
	v10 =	vshll.u32 v13, $0x8  }
0x11a: {  	v53 =	vld.idx.msk [tilespmem:v9+s7+$0x0], $0xffff;
	v11 =	vor.u32 v0, v10  }
0x11b: {  	v29 =	vadd.f32 v51, v49;
	[tilespmem:s1+$0x450] =	vst v26;
	v26 =	vadd.f32 v62, v61;
	v10 =	vshll.u32 v43, $0x8;
	v52 =	vld.idx.msk [tilespmem:v8+s7+$0x0], $0xffff  }
0x11c: {  	v50 =	vadd.f32 v36, v35;
	v12 =	vor.u32 v0, v10  }
0x11d: {  	v13 =	vld.idx.msk [tilespmem:v45+s3+$0x0], $0xffff;
	v26 =	vadd.f32 v26, v29;
	v10 =	vadd.f32 v46, v44  }
0x11e: {  	v48 =	vld.idx.msk [tilespmem:v7+s7+$0x0], $0xffff  }
0x11f: {  	[tilespmem:s2+$0x400] =	vst v26;
	v31 =	vadd.f32 v50, v10;
	v54 =	vld.idx.msk [tilespmem:v11+s7+$0x0], $0xffff  }
0x120: {  	v10 =	vshll.u32 v14, $0x8;
	v58 =	vadd.f32 v53, v52;
	v53 =	vld.idx.msk [tilespmem:v3+s17+$0x0], $0xffff  }
0x121: {  	v10 =	vor.u32 v0, v10;
	v14 =	vshll.u32 v47, $0x8;
	[tilespmem:s8+$0x410] =	vst v31;
	v55 =	vld.idx.msk [tilespmem:v12+s7+$0x0], $0xffff  }
0x122: {  	v13 =	vshll.u32 v13, $0x8;
	v14 =	vor.u32 v0, v14;
	v31 =	vld.idx.msk [tilespmem:v17+s18+$0x0], $0xffff  }
0x123: {  	v13 =	vor.u32 v0, v13;
	v37 =	vld.idx.msk [tilespmem:v18+s18+$0x0], $0xffff  }
0x124: {  	v38 =	vld.idx.msk [tilespmem:v19+s18+$0x0], $0xffff  }
0x125: {  	v39 =	vld.idx.msk [tilespmem:v20+s18+$0x0], $0xffff  }
0x126: {  	s26 =	simm.s32 $0x400;
	v57 =	vld.idx.msk [tilespmem:v10+s7+$0x0], $0xffff;
	v25 =	vadd.f32 v55, v54  }
0x127: {  	s25 =	simm.s32 $0x200;
	s5 =	sand.u32 $0x3800, s26;
	v59 =	vld.idx.msk [tilespmem:v14+s7+$0x0], $0xffff  }
0x128: {  	s6 =	sand.u32 $0x300, s25;
	s25 =	sadd.s32 $0x13400, s5;
	v60 =	vld.idx.msk [tilespmem:v13+s7+$0x0], $0xffff;
	v25 =	vadd.f32 v25, v58  }
0x129: {  	s4 =	sor.u32 s6, s25;
	v55 =	vld.idx.msk [tilespmem:v4+s17+$0x0], $0xffff  }
0x12a: {  	v31 =	vadd.f32 v37, v31;
	v63 =	vadd.f32 v39, v38;
	[tilespmem:s4+$0x0] =	vst v25;
	v25 =	vld.idx.msk [tilespmem:v16+s22+$0x0], $0xffff  }
0x12b: {  	v40 =	vld.idx.msk [tilespmem:v8+s9+$0x0], $0xffff  }
0x12c: {  	v31 =	vadd.f32 v63, v31;
	v41 =	vld.idx.msk [tilespmem:v9+s9+$0x0], $0xffff  }
0x12d: {  	v42 =	vld.idx.msk [tilespmem:v11+s9+$0x0], $0xffff  }
0x12e: {  	v27 =	vadd.f32 v57, v48;
	v28 =	vadd.f32 v60, v59;
	[tilespmem:s8+$0x420] =	vst v31;
	v43 =	vld.idx.msk [tilespmem:v12+s9+$0x0], $0xffff  }
0x12f: {  	s28 =	simm.s32 $0x280;
	v31 =	vld.idx.msk [tilespmem:v17+s19+$0x0], $0xffff  }
0x130: {  	s5 =	sand.u32 $0x380, s28;
	v44 =	vld.idx.msk [tilespmem:v18+s19+$0x0], $0xffff;
	v27 =	vadd.f32 v28, v27  }
0x131: {  	s6 =	sor.u32 s5, s25;
	v45 =	vld.idx.msk [tilespmem:v19+s19+$0x0], $0xffff  }
0x132: {  	v46 =	vld.idx.msk [tilespmem:v20+s19+$0x0], $0xffff;
	[tilespmem:s6+$0x0] =	vst v27  }
0x133: {  	v47 =	vld.idx.msk [tilespmem:v7+s9+$0x0], $0xffff  }
0x134: {  	v49 =	vld.idx.msk [tilespmem:v10+s9+$0x0], $0xffff;
	v48 =	vadd.f32 v41, v40;
	v30 =	vadd.f32 v43, v42  }
0x135: {  	v50 =	vld.idx.msk [tilespmem:v14+s9+$0x0], $0xffff  }
0x136: {  	v52 =	vld.idx.msk [tilespmem:v13+s9+$0x0], $0xffff;
	v51 =	vadd.f32 v30, v48  }
0x137: {  	v43 =	vld.idx.msk [tilespmem:v5+s17+$0x0], $0xffff  }
0x138: {  	v54 =	vadd.f32 v44, v31;
	v27 =	vadd.f32 v46, v45;
	v45 =	vld.idx.msk [tilespmem:v6+s17+$0x0], $0xffff;
	[tilespmem:s4+$0x10] =	vst v51  }
0x139: {  	v56 =	vld.idx.msk [tilespmem:v8+s10+$0x0], $0xffff  }
0x13a: {  	v26 =	vadd.f32 v27, v54;
	v57 =	vld.idx.msk [tilespmem:v9+s10+$0x0], $0xffff  }
0x13b: {  	v58 =	vld.idx.msk [tilespmem:v11+s10+$0x0], $0xffff  }
0x13c: {  	v29 =	vadd.f32 v49, v47;
	v30 =	vadd.f32 v52, v50;
	[tilespmem:s8+$0x430] =	vst v26;
	v59 =	vld.idx.msk [tilespmem:v12+s10+$0x0], $0xffff  }
0x13d: {  	v26 =	vld.idx.msk [tilespmem:v17+s20+$0x0], $0xffff  }
0x13e: {  	v60 =	vld.idx.msk [tilespmem:v18+s20+$0x0], $0xffff;
	v29 =	vadd.f32 v30, v29  }
0x13f: {  	v61 =	vld.idx.msk [tilespmem:v19+s20+$0x0], $0xffff  }
0x140: {  	v28 =	vadd.f32 v55, v53;
	v62 =	vld.idx.msk [tilespmem:v20+s20+$0x0], $0xffff;
	[tilespmem:s6+$0x10] =	vst v29;
	v29 =	vadd.f32 v45, v43  }
0x141: {  	v63 =	vld.idx.msk [tilespmem:v7+s10+$0x0], $0xffff;
	v31 =	vadd.f32 v57, v56  }
0x142: {  	v40 =	vld.idx.msk [tilespmem:v10+s10+$0x0], $0xffff;
	v27 =	vadd.f32 v59, v58;
	v28 =	vadd.f32 v29, v28  }
0x143: {  	v41 =	vld.idx.msk [tilespmem:v14+s10+$0x0], $0xffff  }
0x144: {  	v42 =	vld.idx.msk [tilespmem:v13+s10+$0x0], $0xffff;
	v27 =	vadd.f32 v27, v31;
	[tilespmem:s2+$0x410] =	vst v28  }
0x145: {  	v57 =	vld.idx.msk [tilespmem:v3+s18+$0x0], $0xffff  }
0x146: {  	v26 =	vadd.f32 v60, v26;
	v44 =	vadd.f32 v62, v61;
	v59 =	vld.idx.msk [tilespmem:v4+s18+$0x0], $0xffff;
	[tilespmem:s4+$0x20] =	vst v27  }
0x147: {  	v46 =	vld.idx.msk [tilespmem:v8+s11+$0x0], $0xffff  }
0x148: {  	v26 =	vadd.f32 v44, v26;
	v47 =	vld.idx.msk [tilespmem:v9+s11+$0x0], $0xffff  }
0x149: {  	v48 =	vld.idx.msk [tilespmem:v11+s11+$0x0], $0xffff  }
0x14a: {  	v32 =	vadd.f32 v40, v63;
	v31 =	vadd.f32 v42, v41;
	[tilespmem:s8+$0x440] =	vst v26;
	v49 =	vld.idx.msk [tilespmem:v12+s11+$0x0], $0xffff  }
0x14b: {  	v26 =	vld.idx.msk [tilespmem:v17+s21+$0x0], $0xffff  }
0x14c: {  	v50 =	vld.idx.msk [tilespmem:v18+s21+$0x0], $0xffff;
	v31 =	vadd.f32 v31, v32  }
0x14d: {  	v51 =	vld.idx.msk [tilespmem:v19+s21+$0x0], $0xffff  }
0x14e: {  	v52 =	vld.idx.msk [tilespmem:v20+s21+$0x0], $0xffff;
	[tilespmem:s6+$0x20] =	vst v31  }
0x14f: {  	v53 =	vld.idx.msk [tilespmem:v7+s11+$0x0], $0xffff  }
0x150: {  	v54 =	vld.idx.msk [tilespmem:v10+s11+$0x0], $0xffff;
	v30 =	vadd.f32 v47, v46;
	v27 =	vadd.f32 v49, v48  }
0x151: {  	v55 =	vld.idx.msk [tilespmem:v14+s11+$0x0], $0xffff  }
0x152: {  	v56 =	vld.idx.msk [tilespmem:v13+s11+$0x0], $0xffff;
	v27 =	vadd.f32 v27, v30  }
0x153: {  	v47 =	vld.idx.msk [tilespmem:v5+s18+$0x0], $0xffff  }
0x154: {  	v26 =	vadd.f32 v50, v26;
	v58 =	vadd.f32 v52, v51;
	v49 =	vld.idx.msk [tilespmem:v6+s18+$0x0], $0xffff;
	[tilespmem:s4+$0x30] =	vst v27  }
0x155: {  	v60 =	vld.idx.msk [tilespmem:v8+s12+$0x0], $0xffff  }
0x156: {  	v26 =	vadd.f32 v58, v26;
	v61 =	vld.idx.msk [tilespmem:v9+s12+$0x0], $0xffff  }
0x157: {  	v62 =	vld.idx.msk [tilespmem:v11+s12+$0x0], $0xffff  }
0x158: {  	v29 =	vadd.f32 v54, v53;
	v28 =	vadd.f32 v56, v55;
	[tilespmem:s8+$0x450] =	vst v26;
	v63 =	vld.idx.msk [tilespmem:v12+s12+$0x0], $0xffff  }
0x159: {  	v26 =	vld.idx.msk [tilespmem:v17+s22+$0x0], $0xffff  }
0x15a: {  	v40 =	vld.idx.msk [tilespmem:v18+s22+$0x0], $0xffff;
	v28 =	vadd.f32 v28, v29  }
0x15b: {  	v41 =	vld.idx.msk [tilespmem:v19+s22+$0x0], $0xffff  }
0x15c: {  	v30 =	vadd.f32 v59, v57;
	v42 =	vld.idx.msk [tilespmem:v20+s22+$0x0], $0xffff;
	[tilespmem:s6+$0x30] =	vst v28;
	v28 =	vadd.f32 v49, v47  }
0x15d: {  	v43 =	vld.idx.msk [tilespmem:v7+s12+$0x0], $0xffff;
	v32 =	vadd.f32 v61, v60  }
0x15e: {  	v44 =	vld.idx.msk [tilespmem:v10+s12+$0x0], $0xffff;
	v27 =	vadd.f32 v63, v62;
	v55 =	vadd.f32 v28, v30  }
0x15f: {  	v45 =	vld.idx.msk [tilespmem:v14+s12+$0x0], $0xffff  }
0x160: {  	v46 =	vld.idx.msk [tilespmem:v13+s12+$0x0], $0xffff;
	v27 =	vadd.f32 v27, v32;
	[tilespmem:s2+$0x420] =	vst v55  }
0x161: {  	v61 =	vld.idx.msk [tilespmem:v3+s19+$0x0], $0xffff  }
0x162: {  	v62 =	vld.idx.msk [tilespmem:v4+s19+$0x0], $0xffff;
	[tilespmem:s4+$0x40] =	vst v27  }
0x163: {  	v50 =	vld.idx.msk [tilespmem:v8+s13+$0x0], $0xffff  }
0x164: {  	v51 =	vld.idx.msk [tilespmem:v9+s13+$0x0], $0xffff  }
0x165: {  	v52 =	vld.idx.msk [tilespmem:v11+s13+$0x0], $0xffff  }
0x166: {  	v33 =	vadd.f32 v44, v43;
	v32 =	vadd.f32 v46, v45;
	v53 =	vld.idx.msk [tilespmem:v12+s13+$0x0], $0xffff  }
0x167: {  	v43 =	vld.idx.msk [tilespmem:v5+s19+$0x0], $0xffff  }
0x168: {  	v44 =	vld.idx.msk [tilespmem:v6+s19+$0x0], $0xffff;
	v54 =	vadd.f32 v32, v33  }
0x169: {  	v45 =	vld.idx.msk [tilespmem:v15+s22+$0x0], $0xffff  }
0x16a: {  	v26 =	vadd.f32 v40, v26;
	v48 =	vadd.f32 v42, v41;
	v46 =	vld.idx.msk [tilespmem:v2+s22+$0x0], $0xffff;
	[tilespmem:s6+$0x40] =	vst v54  }
0x16b: {  	v56 =	vld.idx.msk [tilespmem:v7+s13+$0x0], $0xffff;
	v29 =	vadd.f32 v51, v50;
	v27 =	vadd.f32 v53, v52  }
0x16c: {  	v26 =	vadd.f32 v48, v26;
	v57 =	vld.idx.msk [tilespmem:v10+s13+$0x0], $0xffff  }
0x16d: {  	v58 =	vld.idx.msk [tilespmem:v14+s13+$0x0], $0xffff;
	v59 =	vadd.f32 v27, v29  }
0x16e: {  	[tilespmem:s8+$0x460] =	vst v26;
	v60 =	vld.idx.msk [tilespmem:v13+s13+$0x0], $0xffff  }
0x16f: {  	v17 =	vld.idx.msk [tilespmem:v17+s23+$0x0], $0xffff;
	[tilespmem:s4+$0x50] =	vst v59  }
0x170: {  	v63 =	vld.idx.msk [tilespmem:v8+s14+$0x0], $0xffff  }
0x171: {  	v40 =	vld.idx.msk [tilespmem:v9+s14+$0x0], $0xffff  }
0x172: {  	v41 =	vld.idx.msk [tilespmem:v11+s14+$0x0], $0xffff  }
0x173: {  	v28 =	vadd.f32 v57, v56;
	v27 =	vadd.f32 v60, v58;
	v42 =	vld.idx.msk [tilespmem:v12+s14+$0x0], $0xffff  }
0x174: {  	v18 =	vld.idx.msk [tilespmem:v18+s23+$0x0], $0xffff  }
0x175: {  	v19 =	vld.idx.msk [tilespmem:v19+s23+$0x0], $0xffff;
	v27 =	vadd.f32 v27, v28  }
0x176: {  	v20 =	vld.idx.msk [tilespmem:v20+s23+$0x0], $0xffff  }
0x177: {  	v26 =	vadd.f32 v62, v61;
	v51 =	vld.idx.msk [tilespmem:v1+s22+$0x0], $0xffff;
	v28 =	vadd.f32 v44, v43;
	[tilespmem:s6+$0x50] =	vst v27  }
0x178: {  	v47 =	vld.idx.msk [tilespmem:v7+s14+$0x0], $0xffff;
	v32 =	vadd.f32 v40, v63;
	v30 =	vadd.f32 v42, v41  }
0x179: {  	v26 =	vadd.f32 v28, v26;
	v48 =	vld.idx.msk [tilespmem:v10+s14+$0x0], $0xffff  }
0x17a: {  	v49 =	vld.idx.msk [tilespmem:v14+s14+$0x0], $0xffff;
	v30 =	vadd.f32 v30, v32  }
0x17b: {  	v50 =	vld.idx.msk [tilespmem:v13+s14+$0x0], $0xffff;
	[tilespmem:s2+$0x430] =	vst v26  }
0x17c: {  	v55 =	vld.idx.msk [tilespmem:v3+s20+$0x0], $0xffff;
	[tilespmem:s4+$0x60] =	vst v30  }
0x17d: {  	v30 =	vld.idx.msk [tilespmem:v8+s15+$0x0], $0xffff  }
0x17e: {  	v52 =	vld.idx.msk [tilespmem:v9+s15+$0x0], $0xffff  }
0x17f: {  	v25 =	vadd.f32 v45, v25;
	v27 =	vadd.f32 v51, v46;
	v53 =	vld.idx.msk [tilespmem:v11+s15+$0x0], $0xffff  }
0x180: {  	v33 =	vadd.f32 v48, v47;
	v32 =	vadd.f32 v50, v49;
	v54 =	vld.idx.msk [tilespmem:v12+s15+$0x0], $0xffff  }
0x181: {  	v58 =	vadd.f32 v27, v25;
	v56 =	vld.idx.msk [tilespmem:v4+s20+$0x0], $0xffff  }
0x182: {  	v57 =	vld.idx.msk [tilespmem:v5+s20+$0x0], $0xffff;
	v32 =	vadd.f32 v32, v33  }
0x183: {  	v21 =	vadd.f32 v22, v21;
	v22 =	vld.idx.msk [tilespmem:v6+s20+$0x0], $0xffff;
	[tilespmem:s1+$0x460] =	vst v58  }
0x184: {  	v23 =	vadd.f32 v24, v23;
	v18 =	vadd.f32 v18, v17;
	v17 =	vld.idx.msk [tilespmem:v16+s23+$0x0], $0xffff;
	[tilespmem:s6+$0x60] =	vst v32  }
0x185: {  	v59 =	vld.idx.msk [tilespmem:v7+s15+$0x0], $0xffff;
	v60 =	vadd.f32 v52, v30;
	v26 =	vadd.f32 v54, v53  }
0x186: {  	v61 =	vld.idx.msk [tilespmem:v10+s15+$0x0], $0xffff  }
0x187: {  	v21 =	vadd.f32 v23, v21;
	v62 =	vld.idx.msk [tilespmem:v14+s15+$0x0], $0xffff;
	v23 =	vadd.f32 v26, v60  }
0x188: {  	v19 =	vadd.f32 v20, v19;
	v63 =	vld.idx.msk [tilespmem:v13+s15+$0x0], $0xffff  }
0x189: {  	v15 =	vld.idx.msk [tilespmem:v15+s23+$0x0], $0xffff;
	v20 =	vadd.f32 v56, v55;
	v22 =	vadd.f32 v22, v57;
	[tilespmem:s4+$0x70] =	vst v23  }
0x18a: {  	v19 =	vadd.f32 v19, v18;
	v16 =	vld.idx.msk [tilespmem:v8+s16+$0x0], $0xffff  }
0x18b: {  	[tilespmem:s31+$0x470] =	vst v21;
	v23 =	vadd.f32 v22, v20;
	v18 =	vld.idx.msk [tilespmem:v9+s16+$0x0], $0xffff  }
0x18c: {  	p0 =	por p2, p2;
	[tilespmem:s8+$0x470] =	vst v19;
	v19 =	vld.idx.msk [tilespmem:v11+s16+$0x0], $0xffff  }
0x18d: {  	s29 =	sadd.s32 $0x8, s24;
	s31 =	sshll.u32 s30, $0x1;
	s8 =	simm.s32 $0x4;
	v21 =	vadd.f32 v61, v59;
	v22 =	vadd.f32 v63, v62;
	v20 =	vld.idx.msk [tilespmem:v12+s16+$0x0], $0xffff;
	[tilespmem:s2+$0x440] =	vst v23  }
.LBB2_3:
0x18e: {  	s24 =	sadd.s32 $0xFFFFFFFC, s29;
	v23 =	vmov s29;
	v24 =	vld.idx.msk [tilespmem:v3+s21+$0x0], $0xffff  }
0x18f: {  	v25 =	vmov s24;
	v26 =	vor.u32 $0x1, v23;
	v27 =	vor.u32 $0x2, v23;
	v28 =	vld.idx.msk [tilespmem:v4+s21+$0x0], $0xffff  }
0x190: {  	v30 =	vor.u32 $0x3, v23;
	v21 =	vadd.f32 v22, v21;
	v29 =	vor.u32 $0x1, v25;
	v22 =	vld.idx.msk [tilespmem:v5+s21+$0x0], $0xffff  }
0x191: {  	v15 =	vadd.f32 v15, v17;
	v31 =	vor.u32 $0x2, v25;
	v32 =	vld.idx.msk [tilespmem:v6+s21+$0x0], $0xffff  }
0x192: {  	v33 =	vor.u32 $0x3, v25;
	[tilespmem:s6+$0x70] =	vst v21;
	v17 =	vld.idx.msk [tilespmem:v2+s23+$0x0], $0xffff;
	v2 =	vmov v5;
	v5 =	vmov v14  }
0x193: {  	v16 =	vadd.f32 v18, v16;
	v18 =	vadd.f32 v20, v19;
	v14 =	vld.idx.msk [tilespmem:v23+s3+$0x0], $0xffff  }
0x194: {  	v19 =	vld.idx.msk [tilespmem:v25+s3+$0x0], $0xffff  }
0x195: {  	v16 =	vadd.f32 v18, v16;
	v18 =	vadd.f32 v28, v24;
	v20 =	vld.idx.msk [tilespmem:v29+s3+$0x0], $0xffff  }
0x196: {  	v24 =	vld.idx.msk [tilespmem:v31+s3+$0x0], $0xffff  }
0x197: {  	v25 =	vld.idx.msk [tilespmem:v33+s3+$0x0], $0xffff;
	[tilespmem:s4+$0x400] =	vst v16;
	v16 =	vadd.f32 v32, v22  }
0x198: {  	v28 =	vld.idx.msk [tilespmem:v8+s17+$0x0], $0xffff  }
0x199: {  	v14 =	vshll.u32 v14, $0x8;
	v29 =	vld.idx.msk [tilespmem:v9+s17+$0x0], $0xffff;
	v18 =	vadd.f32 v16, v18  }
0x19a: {  	v16 =	vor.u32 v0, v14;
	v14 =	vld.idx.msk [tilespmem:v11+s17+$0x0], $0xffff  }
0x19b: {  	v31 =	vld.idx.msk [tilespmem:v12+s17+$0x0], $0xffff;
	[tilespmem:s2+$0x450] =	vst v18  }
0x19c: {  	v18 =	vshll.u32 v19, $0x8;
	v19 =	vld.idx.msk [tilespmem:v26+s3+$0x0], $0xffff  }
0x19d: {  	v23 =	vor.u32 v0, v18;
	v18 =	vshll.u32 v20, $0x8;
	v20 =	vld.idx.msk [tilespmem:v27+s3+$0x0], $0xffff  }
0x19e: {  	v21 =	vor.u32 v0, v18;
	v18 =	vshll.u32 v24, $0x8;
	v26 =	vld.idx.msk [tilespmem:v30+s3+$0x0], $0xffff  }
0x19f: {  	v24 =	vor.u32 v0, v18;
	v18 =	vshll.u32 v25, $0x8;
	v25 =	vld.idx.msk [tilespmem:v16+s7+$0x0], $0xffff  }
0x1a0: {  	v22 =	vor.u32 v0, v18;
	v27 =	vld.idx.msk [tilespmem:v7+s16+$0x0], $0xffff  }
0x1a1: {  	v28 =	vadd.f32 v29, v28;
	v14 =	vadd.f32 v31, v14;
	v29 =	vld.idx.msk [tilespmem:v10+s16+$0x0], $0xffff  }
0x1a2: {  	v18 =	vshll.u32 v19, $0x8;
	v30 =	vld.idx.msk [tilespmem:v23+s7+$0x0], $0xffff  }
0x1a3: {  	v18 =	vor.u32 v0, v18;
	v19 =	vshll.u32 v20, $0x8;
	v20 =	vadd.f32 v14, v28;
	v31 =	vld.idx.msk [tilespmem:v21+s7+$0x0], $0xffff  }
0x1a4: {  	v14 =	vor.u32 v0, v19;
	v19 =	vshll.u32 v26, $0x8;
	v28 =	vld.idx.msk [tilespmem:v24+s7+$0x0], $0xffff  }
0x1a5: {  	v19 =	vor.u32 v0, v19;
	v26 =	vld.idx.msk [tilespmem:v22+s7+$0x0], $0xffff;
	[tilespmem:s4+$0x410] =	vst v20  }
0x1a6: {  	v20 =	vld.idx.msk [tilespmem:v8+s18+$0x0], $0xffff  }
0x1a7: {  	v27 =	vadd.f32 v29, v27;
	v32 =	vld.idx.msk [tilespmem:v9+s18+$0x0], $0xffff  }
0x1a8: {  	v29 =	vld.idx.msk [tilespmem:v11+s18+$0x0], $0xffff  }
0x1a9: {  	v33 =	vld.idx.msk [tilespmem:v12+s18+$0x0], $0xffff  }
0x1aa: {  	v34 =	vld.idx.msk [tilespmem:v18+s7+$0x0], $0xffff  }
0x1ab: {  	s28 =	sadd.s32 $0x100, s28;
	s26 =	sadd.s32 $0x200, s26;
	v30 =	vadd.f32 v31, v30;
	v26 =	vadd.f32 v26, v28;
	v28 =	vld.idx.msk [tilespmem:v14+s7+$0x0], $0xffff  }
0x1ac: {  	s24 =	sand.u32 $0x3800, s26;
	s25 =	sadd.s32 $0xFFFFFF80, s28;
	s5 =	sand.u32 $0x380, s28;
	v31 =	vld.idx.msk [tilespmem:v19+s7+$0x0], $0xffff  }
0x1ad: {  	s25 =	sand.u32 $0x300, s25;
	s24 =	sadd.s32 $0x13400, s24;
	v26 =	vadd.f32 v26, v30;
	v30 =	vld.idx.msk [tilespmem:v5+s16+$0x0], $0xffff  }
0x1ae: {  	s25 =	sor.u32 s25, s24;
	s24 =	sor.u32 s5, s24;
	v35 =	vld.idx.msk [tilespmem:v13+s16+$0x0], $0xffff  }
0x1af: {  	v29 =	vadd.f32 v33, v29;
	[tilespmem:s25+$0x0] =	vst v26;
	v26 =	vadd.f32 v32, v20;
	v20 =	vld.idx.msk [tilespmem:v3+s22+$0x0], $0xffff  }
0x1b0: {  	v25 =	vadd.f32 v34, v25;
	v32 =	vld.idx.msk [tilespmem:v23+s9+$0x0], $0xffff  }
0x1b1: {  	v33 =	vld.idx.msk [tilespmem:v21+s9+$0x0], $0xffff;
	v26 =	vadd.f32 v29, v26  }
0x1b2: {  	v28 =	vadd.f32 v31, v28;
	v29 =	vld.idx.msk [tilespmem:v24+s9+$0x0], $0xffff  }
0x1b3: {  	v31 =	vld.idx.msk [tilespmem:v22+s9+$0x0], $0xffff;
	[tilespmem:s4+$0x420] =	vst v26  }
0x1b4: {  	v25 =	vadd.f32 v28, v25;
	v28 =	vadd.f32 v35, v30;
	v26 =	vld.idx.msk [tilespmem:v8+s19+$0x0], $0xffff  }
0x1b5: {  	v30 =	vld.idx.msk [tilespmem:v9+s19+$0x0], $0xffff  }
0x1b6: {  	v27 =	vadd.f32 v28, v27;
	[tilespmem:s24+$0x0] =	vst v25;
	v25 =	vld.idx.msk [tilespmem:v11+s19+$0x0], $0xffff  }
0x1b7: {  	v28 =	vld.idx.msk [tilespmem:v12+s19+$0x0], $0xffff  }
0x1b8: {  	v34 =	vld.idx.msk [tilespmem:v16+s9+$0x0], $0xffff;
	[tilespmem:s6+$0x400] =	vst v27  }
0x1b9: {  	v27 =	vadd.f32 v33, v32;
	v29 =	vadd.f32 v31, v29;
	v31 =	vld.idx.msk [tilespmem:v18+s9+$0x0], $0xffff  }
0x1ba: {  	v32 =	vld.idx.msk [tilespmem:v14+s9+$0x0], $0xffff  }
0x1bb: {  	v27 =	vadd.f32 v29, v27;
	v29 =	vld.idx.msk [tilespmem:v19+s9+$0x0], $0xffff  }
0x1bc: {  	v33 =	vld.idx.msk [tilespmem:v7+s17+$0x0], $0xffff  }
0x1bd: {  	v26 =	vadd.f32 v30, v26;
	v25 =	vadd.f32 v28, v25;
	[tilespmem:s25+$0x10] =	vst v27;
	v27 =	vld.idx.msk [tilespmem:v10+s17+$0x0], $0xffff  }
0x1be: {  	v28 =	vld.idx.msk [tilespmem:v23+s10+$0x0], $0xffff  }
0x1bf: {  	s8 =	sadd.s32 $0x2, s8;
	v31 =	vadd.f32 v31, v34;
	v25 =	vadd.f32 v25, v26;
	v30 =	vld.idx.msk [tilespmem:v21+s10+$0x0], $0xffff  }
0x1c0: {  	p2 =	slt.u32 s8, $0x3E;
	v26 =	vld.idx.msk [tilespmem:v24+s10+$0x0], $0xffff  }
0x1c1: {  	v29 =	vadd.f32 v29, v32;
	v34 =	vld.idx.msk [tilespmem:v22+s10+$0x0], $0xffff;
	[tilespmem:s4+$0x430] =	vst v25  }
0x1c2: {  	v25 =	vld.idx.msk [tilespmem:v8+s20+$0x0], $0xffff  }
0x1c3: {  	v29 =	vadd.f32 v29, v31;
	v27 =	vadd.f32 v27, v33;
	v31 =	vld.idx.msk [tilespmem:v9+s20+$0x0], $0xffff  }
0x1c4: {  	v32 =	vld.idx.msk [tilespmem:v11+s20+$0x0], $0xffff  }
0x1c5: {  	[tilespmem:s24+$0x10] =	vst v29;
	v29 =	vld.idx.msk [tilespmem:v12+s20+$0x0], $0xffff  }
0x1c6: {  	v33 =	vld.idx.msk [tilespmem:v16+s10+$0x0], $0xffff  }
0x1c7: {  	v28 =	vadd.f32 v30, v28;
	v26 =	vadd.f32 v34, v26;
	v30 =	vld.idx.msk [tilespmem:v18+s10+$0x0], $0xffff  }
0x1c8: {  	v34 =	vld.idx.msk [tilespmem:v14+s10+$0x0], $0xffff  }
0x1c9: {  	v26 =	vadd.f32 v26, v28;
	v28 =	vld.idx.msk [tilespmem:v19+s10+$0x0], $0xffff  }
0x1ca: {  	v35 =	vld.idx.msk [tilespmem:v5+s17+$0x0], $0xffff  }
0x1cb: {  	v25 =	vadd.f32 v31, v25;
	[tilespmem:s25+$0x20] =	vst v26;
	v26 =	vadd.f32 v29, v32;
	v29 =	vld.idx.msk [tilespmem:v13+s17+$0x0], $0xffff  }
0x1cc: {  	v31 =	vld.idx.msk [tilespmem:v23+s11+$0x0], $0xffff  }
0x1cd: {  	v30 =	vadd.f32 v30, v33;
	v32 =	vld.idx.msk [tilespmem:v21+s11+$0x0], $0xffff;
	v25 =	vadd.f32 v26, v25  }
0x1ce: {  	v26 =	vld.idx.msk [tilespmem:v24+s11+$0x0], $0xffff  }
0x1cf: {  	v28 =	vadd.f32 v28, v34;
	v33 =	vld.idx.msk [tilespmem:v22+s11+$0x0], $0xffff;
	[tilespmem:s4+$0x440] =	vst v25  }
0x1d0: {  	v25 =	vld.idx.msk [tilespmem:v8+s21+$0x0], $0xffff  }
0x1d1: {  	v28 =	vadd.f32 v28, v30;
	v29 =	vadd.f32 v29, v35;
	v30 =	vld.idx.msk [tilespmem:v9+s21+$0x0], $0xffff  }
0x1d2: {  	v34 =	vld.idx.msk [tilespmem:v11+s21+$0x0], $0xffff  }
0x1d3: {  	v27 =	vadd.f32 v29, v27;
	[tilespmem:s24+$0x20] =	vst v28;
	v28 =	vld.idx.msk [tilespmem:v12+s21+$0x0], $0xffff  }
0x1d4: {  	v29 =	vld.idx.msk [tilespmem:v16+s11+$0x0], $0xffff  }
0x1d5: {  	v31 =	vadd.f32 v32, v31;
	v26 =	vadd.f32 v33, v26;
	v32 =	vld.idx.msk [tilespmem:v18+s11+$0x0], $0xffff;
	[tilespmem:s6+$0x410] =	vst v27  }
0x1d6: {  	v27 =	vld.idx.msk [tilespmem:v14+s11+$0x0], $0xffff  }
0x1d7: {  	v26 =	vadd.f32 v26, v31;
	v31 =	vld.idx.msk [tilespmem:v19+s11+$0x0], $0xffff  }
0x1d8: {  	v33 =	vld.idx.msk [tilespmem:v7+s18+$0x0], $0xffff  }
0x1d9: {  	v25 =	vadd.f32 v30, v25;
	[tilespmem:s25+$0x30] =	vst v26;
	v26 =	vadd.f32 v28, v34;
	v28 =	vld.idx.msk [tilespmem:v10+s18+$0x0], $0xffff  }
0x1da: {  	v30 =	vld.idx.msk [tilespmem:v23+s12+$0x0], $0xffff  }
0x1db: {  	v29 =	vadd.f32 v32, v29;
	v34 =	vld.idx.msk [tilespmem:v21+s12+$0x0], $0xffff;
	v25 =	vadd.f32 v26, v25  }
0x1dc: {  	v26 =	vld.idx.msk [tilespmem:v24+s12+$0x0], $0xffff  }
0x1dd: {  	v27 =	vadd.f32 v31, v27;
	v32 =	vld.idx.msk [tilespmem:v22+s12+$0x0], $0xffff;
	[tilespmem:s4+$0x450] =	vst v25  }
0x1de: {  	v25 =	vld.idx.msk [tilespmem:v8+s22+$0x0], $0xffff  }
0x1df: {  	v27 =	vadd.f32 v27, v29;
	v28 =	vadd.f32 v28, v33;
	v29 =	vld.idx.msk [tilespmem:v9+s22+$0x0], $0xffff  }
0x1e0: {  	v31 =	vld.idx.msk [tilespmem:v11+s22+$0x0], $0xffff  }
0x1e1: {  	[tilespmem:s24+$0x30] =	vst v27;
	v27 =	vld.idx.msk [tilespmem:v12+s22+$0x0], $0xffff  }
0x1e2: {  	v33 =	vld.idx.msk [tilespmem:v16+s12+$0x0], $0xffff  }
0x1e3: {  	v30 =	vadd.f32 v34, v30;
	v26 =	vadd.f32 v32, v26;
	v32 =	vld.idx.msk [tilespmem:v18+s12+$0x0], $0xffff  }
0x1e4: {  	v34 =	vld.idx.msk [tilespmem:v14+s12+$0x0], $0xffff  }
0x1e5: {  	v26 =	vadd.f32 v26, v30;
	v30 =	vld.idx.msk [tilespmem:v19+s12+$0x0], $0xffff  }
0x1e6: {  	v35 =	vld.idx.msk [tilespmem:v5+s18+$0x0], $0xffff  }
0x1e7: {  	v25 =	vadd.f32 v29, v25;
	[tilespmem:s25+$0x40] =	vst v26;
	v26 =	vadd.f32 v27, v31;
	v27 =	vld.idx.msk [tilespmem:v13+s18+$0x0], $0xffff  }
0x1e8: {  	v29 =	vld.idx.msk [tilespmem:v23+s13+$0x0], $0xffff  }
0x1e9: {  	v32 =	vadd.f32 v32, v33;
	v31 =	vld.idx.msk [tilespmem:v21+s13+$0x0], $0xffff;
	v25 =	vadd.f32 v26, v25  }
0x1ea: {  	v26 =	vld.idx.msk [tilespmem:v24+s13+$0x0], $0xffff  }
0x1eb: {  	v30 =	vadd.f32 v30, v34;
	v33 =	vld.idx.msk [tilespmem:v22+s13+$0x0], $0xffff;
	[tilespmem:s4+$0x460] =	vst v25  }
0x1ec: {  	v25 =	vld.idx.msk [tilespmem:v8+s23+$0x0], $0xffff;
	v8 =	vmov v23  }
0x1ed: {  	v23 =	vadd.f32 v30, v32;
	v27 =	vadd.f32 v27, v35;
	v30 =	vld.idx.msk [tilespmem:v9+s23+$0x0], $0xffff;
	v9 =	vmov v21  }
0x1ee: {  	v21 =	vld.idx.msk [tilespmem:v11+s23+$0x0], $0xffff;
	v11 =	vmov v24  }
0x1ef: {  	v24 =	vadd.f32 v27, v28;
	[tilespmem:s24+$0x40] =	vst v23;
	v23 =	vld.idx.msk [tilespmem:v12+s23+$0x0], $0xffff;
	v12 =	vmov v22  }
0x1f0: {  	v22 =	vld.idx.msk [tilespmem:v16+s13+$0x0], $0xffff  }
0x1f1: {  	v27 =	vadd.f32 v31, v29;
	v26 =	vadd.f32 v33, v26;
	v28 =	vld.idx.msk [tilespmem:v18+s13+$0x0], $0xffff;
	[tilespmem:s6+$0x420] =	vst v24  }
0x1f2: {  	v24 =	vld.idx.msk [tilespmem:v14+s13+$0x0], $0xffff  }
0x1f3: {  	v26 =	vadd.f32 v26, v27;
	v27 =	vld.idx.msk [tilespmem:v19+s13+$0x0], $0xffff  }
0x1f4: {  	v29 =	vld.idx.msk [tilespmem:v7+s19+$0x0], $0xffff  }
0x1f5: {  	v25 =	vadd.f32 v30, v25;
	v21 =	vadd.f32 v23, v21;
	[tilespmem:s25+$0x50] =	vst v26;
	v23 =	vld.idx.msk [tilespmem:v10+s19+$0x0], $0xffff  }
0x1f6: {  	v26 =	vld.idx.msk [tilespmem:v8+s14+$0x0], $0xffff  }
0x1f7: {  	v22 =	vadd.f32 v28, v22;
	v21 =	vadd.f32 v21, v25;
	v30 =	vld.idx.msk [tilespmem:v9+s14+$0x0], $0xffff  }
0x1f8: {  	v25 =	vld.idx.msk [tilespmem:v11+s14+$0x0], $0xffff  }
0x1f9: {  	v24 =	vadd.f32 v27, v24;
	v28 =	vld.idx.msk [tilespmem:v12+s14+$0x0], $0xffff;
	[tilespmem:s4+$0x470] =	vst v21;
	s4 =	smov.u32 s25  }
0x1fa: {  	v21 =	vld.idx.msk [tilespmem:v5+s19+$0x0], $0xffff  }
0x1fb: {  	v22 =	vadd.f32 v24, v22;
	v23 =	vadd.f32 v23, v29;
	v24 =	vld.idx.msk [tilespmem:v13+s19+$0x0], $0xffff  }
0x1fc: {  	v27 =	vld.idx.msk [tilespmem:v4+s22+$0x0], $0xffff  }
0x1fd: {  	[tilespmem:s24+$0x50] =	vst v22;
	v22 =	vld.idx.msk [tilespmem:v2+s22+$0x0], $0xffff  }
0x1fe: {  	v29 =	vld.idx.msk [tilespmem:v16+s14+$0x0], $0xffff  }
0x1ff: {  	v26 =	vadd.f32 v30, v26;
	v25 =	vadd.f32 v28, v25;
	v28 =	vld.idx.msk [tilespmem:v18+s14+$0x0], $0xffff  }
0x200: {  	v30 =	vld.idx.msk [tilespmem:v14+s14+$0x0], $0xffff  }
0x201: {  	v25 =	vadd.f32 v25, v26;
	v21 =	vadd.f32 v24, v21;
	v26 =	vld.idx.msk [tilespmem:v19+s14+$0x0], $0xffff  }
0x202: {  	v20 =	vadd.f32 v27, v20;
	v24 =	vld.idx.msk [tilespmem:v6+s22+$0x0], $0xffff  }
0x203: {  	v21 =	vadd.f32 v21, v23;
	[tilespmem:s4+$0x60] =	vst v25;
	v23 =	vld.idx.msk [tilespmem:v1+s23+$0x0], $0xffff;
	v1 =	vmovc v6;
	v6 =	vmov v13;
	v13 =	vmov v19  }
0x204: {  	v19 =	vld.idx.msk [tilespmem:v8+s15+$0x0], $0xffff  }
0x205: {  	v27 =	vadd.f32 v28, v29;
	v25 =	vld.idx.msk [tilespmem:v9+s15+$0x0], $0xffff;
	[tilespmem:s6+$0x430] =	vst v21  }
0x206: {  	v21 =	vld.idx.msk [tilespmem:v11+s15+$0x0], $0xffff  }
0x207: {  	v26 =	vadd.f32 v26, v30;
	v28 =	vld.idx.msk [tilespmem:v12+s15+$0x0], $0xffff  }
0x208: {  	v22 =	vadd.f32 v24, v22;
	v29 =	vld.idx.msk [tilespmem:v7+s20+$0x0], $0xffff  }
0x209: {  	v24 =	vadd.f32 v26, v27;
	v17 =	vadd.f32 v23, v17;
	v26 =	vld.idx.msk [tilespmem:v10+s20+$0x0], $0xffff  }
0x20a: {  	v20 =	vadd.f32 v22, v20;
	v23 =	vld.idx.msk [tilespmem:v5+s20+$0x0], $0xffff  }
0x20b: {  	v15 =	vadd.f32 v17, v15;
	[tilespmem:s24+$0x60] =	vst v24;
	v22 =	vld.idx.msk [tilespmem:v6+s20+$0x0], $0xffff  }
0x20c: {  	v24 =	vld.idx.msk [tilespmem:v16+s15+$0x0], $0xffff;
	[tilespmem:s2+$0x460] =	vst v20  }
0x20d: {  	v17 =	vadd.f32 v25, v19;
	v19 =	vadd.f32 v28, v21;
	v20 =	vld.idx.msk [tilespmem:v18+s15+$0x0], $0xffff;
	[tilespmem:s1+$0x470] =	vst v15;
	s1 =	smov.u32 s2;
	s2 =	smov.u32 s6;
	s6 =	smov.u32 s24  }
0x20e: {  	v25 =	vld.idx.msk [tilespmem:v14+s15+$0x0], $0xffff  }
0x20f: {  	v15 =	vadd.f32 v19, v17;
	v19 =	vadd.f32 v26, v29;
	v27 =	vld.idx.msk [tilespmem:v13+s15+$0x0], $0xffff  }
0x210: {  	v17 =	vld.idx.msk [tilespmem:v3+s23+$0x0], $0xffff;
	v3 =	vmov v7;
	v7 =	vmov v16  }
.Ltmp0:
0x211: {  	v22 =	vadd.f32 v22, v23;
	[tilespmem:s4+$0x70] =	vst v15;
	v15 =	vld.idx.msk [tilespmem:v4+s23+$0x0], $0xffff;
	v4 =	vmov v10;
	v10 =	vmov v18;
	(pc) =	sbr.rel @p2 .LBB2_3-.Ltmp0, $4  }
0x212: {  	v16 =	vld.idx.msk [tilespmem:v8+s16+$0x0], $0xffff  }
0x213: {  	v21 =	vadd.f32 v20, v24;
	v23 =	vadd.f32 v22, v19;
	v18 =	vld.idx.msk [tilespmem:v9+s16+$0x0], $0xffff  }
0x214: {  	v19 =	vld.idx.msk [tilespmem:v11+s16+$0x0], $0xffff  }
0x215: {  	s29 =	sadd.s32 $0x8, s29;
	v22 =	vadd.f32 v27, v25;
	v20 =	vld.idx.msk [tilespmem:v12+s16+$0x0], $0xffff;
	[tilespmem:s2+$0x440] =	vst v23  }
0x216: {  	_ =	sdelay $0x3  }
0x217: {  	v23 =	vld.idx.msk [tilespmem:v3+s21+$0x0], $0xffff;
	v16 =	vadd.f32 v18, v16;
	v18 =	vadd.f32 v20, v19  }
0x218: {  	v2 =	vld.idx.msk [tilespmem:v2+s23+$0x0], $0xffff  }
0x219: {  	v19 =	vld.idx.msk [tilespmem:v4+s21+$0x0], $0xffff;
	v16 =	vadd.f32 v18, v16  }
0x21a: {  	v20 =	vadd.f32 v22, v21;
	v21 =	vld.idx.msk [tilespmem:v5+s21+$0x0], $0xffff  }
0x21b: {  	v18 =	vld.idx.msk [tilespmem:v6+s21+$0x0], $0xffff;
	[tilespmem:s4+$0x400] =	vst v16  }
0x21c: {  	[tilespmem:s6+$0x70] =	vst v20;
	v16 =	vld.idx.msk [tilespmem:v8+s17+$0x0], $0xffff  }
0x21d: {  	v20 =	vld.idx.msk [tilespmem:v7+s16+$0x0], $0xffff  }
0x21e: {  	v22 =	vld.idx.msk [tilespmem:v10+s16+$0x0], $0xffff  }
0x21f: {  	v24 =	vld.idx.msk [tilespmem:v14+s16+$0x0], $0xffff  }
0x220: {  	v25 =	vld.idx.msk [tilespmem:v13+s16+$0x0], $0xffff;
	_ =	sdelay $0x1  }
0x221: {  	v26 =	vld.idx.msk [tilespmem:v9+s17+$0x0], $0xffff  }
0x222: {  	v27 =	vld.idx.msk [tilespmem:v11+s17+$0x0], $0xffff  }
0x223: {  	v28 =	vld.idx.msk [tilespmem:v12+s17+$0x0], $0xffff  }
0x224: {  	v20 =	vadd.f32 v22, v20;
	v22 =	vadd.f32 v25, v24;
	_ =	sdelay $0x1  }
0x225: {  	v20 =	vadd.f32 v22, v20;
	_ =	sdelay $0x1  }
0x226: {  	v16 =	vadd.f32 v26, v16;
	v22 =	vadd.f32 v28, v27;
	[tilespmem:s6+$0x400] =	vst v20  }
0x227: {  	v20 =	vld.idx.msk [tilespmem:v7+s17+$0x0], $0xffff  }
0x228: {  	v16 =	vadd.f32 v22, v16;
	v22 =	vld.idx.msk [tilespmem:v10+s17+$0x0], $0xffff  }
0x229: {  	v33 =	vld.idx.msk [tilespmem:v14+s17+$0x0], $0xffff  }
0x22a: {  	[tilespmem:s4+$0x410] =	vst v16;
	v16 =	vld.idx.msk [tilespmem:v13+s17+$0x0], $0xffff  }
0x22b: {  	v34 =	vld.idx.msk [tilespmem:v8+s18+$0x0], $0xffff  }
0x22c: {  	v35 =	vld.idx.msk [tilespmem:v9+s18+$0x0], $0xffff  }
0x22d: {  	v36 =	vld.idx.msk [tilespmem:v11+s18+$0x0], $0xffff  }
0x22e: {  	v37 =	vld.idx.msk [tilespmem:v12+s18+$0x0], $0xffff  }
0x22f: {  	v20 =	vadd.f32 v22, v20;
	v16 =	vadd.f32 v16, v33;
	_ =	sdelay $0x1  }
0x230: {  	v16 =	vadd.f32 v16, v20;
	_ =	sdelay $0x1  }
0x231: {  	v22 =	vadd.f32 v37, v36;
	v20 =	vadd.f32 v35, v34;
	[tilespmem:s6+$0x410] =	vst v16  }
0x232: {  	v16 =	vld.idx.msk [tilespmem:v7+s18+$0x0], $0xffff  }
0x233: {  	v20 =	vadd.f32 v22, v20;
	v22 =	vld.idx.msk [tilespmem:v10+s18+$0x0], $0xffff  }
0x234: {  	v38 =	vld.idx.msk [tilespmem:v14+s18+$0x0], $0xffff  }
0x235: {  	[tilespmem:s4+$0x420] =	vst v20;
	v20 =	vld.idx.msk [tilespmem:v13+s18+$0x0], $0xffff  }
0x236: {  	v39 =	vld.idx.msk [tilespmem:v8+s19+$0x0], $0xffff  }
0x237: {  	v40 =	vld.idx.msk [tilespmem:v9+s19+$0x0], $0xffff  }
0x238: {  	v41 =	vld.idx.msk [tilespmem:v11+s19+$0x0], $0xffff  }
0x239: {  	v42 =	vld.idx.msk [tilespmem:v12+s19+$0x0], $0xffff  }
0x23a: {  	v16 =	vadd.f32 v22, v16;
	v20 =	vadd.f32 v20, v38;
	_ =	sdelay $0x1  }
0x23b: {  	v16 =	vadd.f32 v20, v16;
	_ =	sdelay $0x1  }
0x23c: {  	v22 =	vadd.f32 v42, v41;
	v20 =	vadd.f32 v40, v39;
	[tilespmem:s6+$0x420] =	vst v16  }
0x23d: {  	v16 =	vld.idx.msk [tilespmem:v7+s19+$0x0], $0xffff  }
0x23e: {  	v20 =	vadd.f32 v22, v20;
	v22 =	vld.idx.msk [tilespmem:v10+s19+$0x0], $0xffff  }
0x23f: {  	v43 =	vld.idx.msk [tilespmem:v14+s19+$0x0], $0xffff  }
0x240: {  	[tilespmem:s4+$0x430] =	vst v20;
	v20 =	vld.idx.msk [tilespmem:v13+s19+$0x0], $0xffff  }
0x241: {  	v44 =	vld.idx.msk [tilespmem:v8+s20+$0x0], $0xffff  }
0x242: {  	v45 =	vld.idx.msk [tilespmem:v9+s20+$0x0], $0xffff  }
0x243: {  	v46 =	vld.idx.msk [tilespmem:v11+s20+$0x0], $0xffff  }
0x244: {  	v47 =	vld.idx.msk [tilespmem:v12+s20+$0x0], $0xffff  }
0x245: {  	v16 =	vadd.f32 v22, v16;
	v20 =	vadd.f32 v20, v43;
	_ =	sdelay $0x1  }
0x246: {  	v16 =	vadd.f32 v20, v16;
	_ =	sdelay $0x1  }
0x247: {  	v22 =	vadd.f32 v47, v46;
	v20 =	vadd.f32 v45, v44;
	[tilespmem:s6+$0x430] =	vst v16  }
0x248: {  	v16 =	vld.idx.msk [tilespmem:v7+s20+$0x0], $0xffff  }
0x249: {  	v20 =	vadd.f32 v22, v20;
	v22 =	vld.idx.msk [tilespmem:v10+s20+$0x0], $0xffff  }
0x24a: {  	v48 =	vld.idx.msk [tilespmem:v14+s20+$0x0], $0xffff  }
0x24b: {  	[tilespmem:s4+$0x440] =	vst v20;
	v20 =	vld.idx.msk [tilespmem:v13+s20+$0x0], $0xffff  }
0x24c: {  	v49 =	vld.idx.msk [tilespmem:v8+s21+$0x0], $0xffff  }
0x24d: {  	v50 =	vld.idx.msk [tilespmem:v9+s21+$0x0], $0xffff  }
0x24e: {  	v51 =	vld.idx.msk [tilespmem:v11+s21+$0x0], $0xffff  }
0x24f: {  	v52 =	vld.idx.msk [tilespmem:v12+s21+$0x0], $0xffff  }
0x250: {  	v16 =	vadd.f32 v22, v16;
	v20 =	vadd.f32 v20, v48;
	_ =	sdelay $0x1  }
0x251: {  	v16 =	vadd.f32 v20, v16;
	_ =	sdelay $0x1  }
0x252: {  	v22 =	vadd.f32 v52, v51;
	v20 =	vadd.f32 v50, v49;
	[tilespmem:s6+$0x440] =	vst v16  }
0x253: {  	v16 =	vld.idx.msk [tilespmem:v7+s21+$0x0], $0xffff  }
0x254: {  	v20 =	vadd.f32 v22, v20;
	v22 =	vld.idx.msk [tilespmem:v10+s21+$0x0], $0xffff  }
0x255: {  	v53 =	vld.idx.msk [tilespmem:v14+s21+$0x0], $0xffff  }
0x256: {  	[tilespmem:s4+$0x450] =	vst v20;
	v20 =	vld.idx.msk [tilespmem:v13+s21+$0x0], $0xffff  }
0x257: {  	v19 =	vadd.f32 v19, v23;
	v18 =	vadd.f32 v18, v21;
	v21 =	vld.idx.msk [tilespmem:v8+s22+$0x0], $0xffff  }
0x258: {  	v23 =	vld.idx.msk [tilespmem:v9+s22+$0x0], $0xffff  }
0x259: {  	v18 =	vadd.f32 v18, v19;
	v19 =	vld.idx.msk [tilespmem:v11+s22+$0x0], $0xffff  }
0x25a: {  	v54 =	vld.idx.msk [tilespmem:v12+s22+$0x0], $0xffff  }
0x25b: {  	[tilespmem:s2+$0x450] =	vst v18;
	v16 =	vadd.f32 v22, v16;
	v18 =	vadd.f32 v20, v53  }
0x25c: {  	v22 =	vld.idx.msk [tilespmem:v4+s22+$0x0], $0xffff  }
0x25d: {  	v20 =	vld.idx.msk [tilespmem:v3+s22+$0x0], $0xffff;
	v16 =	vadd.f32 v18, v16  }
0x25e: {  	v21 =	vadd.f32 v23, v21;
	v23 =	vld.idx.msk [tilespmem:v6+s22+$0x0], $0xffff  }
0x25f: {  	v19 =	vadd.f32 v54, v19;
	v18 =	vld.idx.msk [tilespmem:v5+s22+$0x0], $0xffff;
	[tilespmem:s6+$0x450] =	vst v16  }
0x260: {  	v16 =	vld.idx.msk [tilespmem:v7+s22+$0x0], $0xffff  }
0x261: {  	v19 =	vadd.f32 v19, v21;
	v21 =	vld.idx.msk [tilespmem:v10+s22+$0x0], $0xffff  }
0x262: {  	v55 =	vld.idx.msk [tilespmem:v14+s22+$0x0], $0xffff  }
0x263: {  	[tilespmem:s4+$0x460] =	vst v19;
	v19 =	vld.idx.msk [tilespmem:v13+s22+$0x0], $0xffff  }
0x264: {  	v1 =	vld.idx.msk [tilespmem:v1+s23+$0x0], $0xffff;
	v20 =	vadd.f32 v22, v20;
	v18 =	vadd.f32 v23, v18  }
0x265: {  	v8 =	vld.idx.msk [tilespmem:v8+s23+$0x0], $0xffff  }
0x266: {  	v9 =	vld.idx.msk [tilespmem:v9+s23+$0x0], $0xffff;
	v18 =	vadd.f32 v18, v20  }
0x267: {  	v11 =	vld.idx.msk [tilespmem:v11+s23+$0x0], $0xffff  }
0x268: {  	v12 =	vld.idx.msk [tilespmem:v12+s23+$0x0], $0xffff;
	v16 =	vadd.f32 v21, v16;
	[tilespmem:s2+$0x460] =	vst v18;
	v18 =	vadd.f32 v19, v55  }
0x269: {  	v3 =	vld.idx.msk [tilespmem:v3+s23+$0x0], $0xffff  }
0x26a: {  	v4 =	vld.idx.msk [tilespmem:v4+s23+$0x0], $0xffff;
	v16 =	vadd.f32 v18, v16  }
0x26b: {  	v5 =	vld.idx.msk [tilespmem:v5+s23+$0x0], $0xffff  }
0x26c: {  	v6 =	vld.idx.msk [tilespmem:v6+s23+$0x0], $0xffff;
	[tilespmem:s6+$0x460] =	vst v16  }
0x26d: {  	v7 =	vld.idx.msk [tilespmem:v7+s23+$0x0], $0xffff  }
0x26e: {  	v10 =	vld.idx.msk [tilespmem:v10+s23+$0x0], $0xffff  }
0x26f: {  	v14 =	vld.idx.msk [tilespmem:v14+s23+$0x0], $0xffff  }
0x270: {  	v15 =	vadd.f32 v15, v17;
	v8 =	vadd.f32 v9, v8;
	v9 =	vld.idx.msk [tilespmem:v13+s23+$0x0], $0xffff  }
0x271: {  	v1 =	vadd.f32 v1, v2;
	v11 =	vadd.f32 v12, v11;
	_ =	sdelay $0x1  }
0x272: {  	v1 =	vadd.f32 v1, v15;
	v2 =	vadd.f32 v11, v8  }
0x273: {  	v3 =	vadd.f32 v4, v3;
	v4 =	vadd.f32 v6, v5  }
0x274: {  	v5 =	vadd.f32 v10, v7;
	v6 =	vadd.f32 v9, v14  }
0x275: {  	[tilespmem:s4+$0x470] =	vst v2;
	v2 =	vadd.f32 v4, v3  }
0x276: {  	[tilespmem:s1+$0x470] =	vst v1;
	v1 =	vadd.f32 v6, v5  }
0x277: {  	[tilespmem:s2+$0x470] =	vst v2  }
0x278: {  	[tilespmem:s6+$0x470] =	vst v1  }
0x279: {  	s8 =	sshll.u32 s30, $0xC;
	s24 =	sadd.s32 $0x104, s0;
	s25 =	rddreg [dreg:$0x4]  }
0x27a: {  	s30 =	simm.s32 $0x13400;
	s26 =	sadd.s32 $0xFFFFFFFC, s24;
	s0 =	sadd.s32 s8, s25  }
0x27b: {  	v1 =	vmov s26;
	[hbm4b:s0+s3] =	stream.linear.scatter [tilespmem:s30], [sflag:$0x1], $0x4000, $0x38;
	[tilespmem:$0x1B400] =	vst v63  }
0x27c: {  	v2 =	vor.u32 $0x1, v1;
	s0 =	simm.s32 @p1 $0x2  }
0x27d: {  	v3 =	vor.u32 $0x2, v1;
	_ =	swait.ge @p1 [sflag:s0], $0x4000  }
0x27e: {  	v4 =	vor.u32 $0x3, v1;
	[sflag:s0] =	ssyncset.done @p1 $0x0  }
0x27f: {  	[sflag:s0] =	ssyncadd.s32 @p1 $0xFFFFC000  }
0x280: {  	v1 =	vld.idx.msk [tilespmem:v1+s3+$0x0], $0xffff  }
0x281: {  	v2 =	vld.idx.msk [tilespmem:v2+s3+$0x0], $0xffff  }
0x282: {  	v3 =	vld.idx.msk [tilespmem:v3+s3+$0x0], $0xffff  }
0x283: {  	v4 =	vld.idx.msk [tilespmem:v4+s3+$0x0], $0xffff;
	_ =	sdelay $0x1  }
0x284: {  	v1 =	vshll.u32 v1, $0x8  }
0x285: {  	v9 =	vor.u32 v0, v1;
	v1 =	vshll.u32 v2, $0x8  }
0x286: {  	v10 =	vor.u32 v0, v1;
	v1 =	vshll.u32 v3, $0x8  }
0x287: {  	v8 =	vor.u32 v0, v1;
	v1 =	vshll.u32 v4, $0x8  }
0x288: {  	v7 =	vor.u32 v0, v1;
	_ =	sdelay $0x1  }
0x289: {  	v1 =	vld.idx.msk [tilespmem:v9+s7+$0x0], $0xffff  }
0x28a: {  	v2 =	vmov s24;
	v3 =	vld.idx.msk [tilespmem:v10+s7+$0x0], $0xffff  }
0x28b: {  	v4 =	vor.u32 $0x1, v2;
	v5 =	vld.idx.msk [tilespmem:v8+s7+$0x0], $0xffff  }
0x28c: {  	v6 =	vor.u32 $0x2, v2;
	v11 =	vld.idx.msk [tilespmem:v7+s7+$0x0], $0xffff  }
0x28d: {  	v12 =	vor.u32 $0x3, v2;
	_ =	sdelay $0x1  }
0x28e: {  	v2 =	vld.idx.msk [tilespmem:v2+s3+$0x0], $0xffff  }
0x28f: {  	v4 =	vld.idx.msk [tilespmem:v4+s3+$0x0], $0xffff  }
0x290: {  	s5 =	simm.s32 $0x0;
	v6 =	vld.idx.msk [tilespmem:v6+s3+$0x0], $0xffff;
	v1 =	vadd.f32 v3, v1;
	v3 =	vadd.f32 v11, v5  }
0x291: {  	s6 =	simm.s32 $0x0;
	s0 =	sand.u32 $0x3800, s5;
	v5 =	vld.idx.msk [tilespmem:v12+s3+$0x0], $0xffff  }
0x292: {  	s2 =	sand.u32 $0x300, s6;
	s0 =	sadd.s32 $0x17400, s0;
	v1 =	vadd.f32 v3, v1  }
0x293: {  	s6 =	sor.u32 s2, s0;
	v2 =	vshll.u32 v2, $0x8  }
0x294: {  	v16 =	vor.u32 v0, v2;
	v2 =	vshll.u32 v4, $0x8;
	[tilespmem:s6+$0x0] =	vst v1  }
0x295: {  	v15 =	vor.u32 v0, v2;
	v1 =	vshll.u32 v6, $0x8;
	v3 =	vld.idx.msk [tilespmem:v9+s9+$0x0], $0xffff  }
0x296: {  	v2 =	vor.u32 v0, v1;
	v1 =	vshll.u32 v5, $0x8;
	v4 =	vld.idx.msk [tilespmem:v10+s9+$0x0], $0xffff  }
0x297: {  	v5 =	vld.idx.msk [tilespmem:v8+s9+$0x0], $0xffff;
	v1 =	vor.u32 v0, v1  }
0x298: {  	v6 =	vld.idx.msk [tilespmem:v7+s9+$0x0], $0xffff  }
0x299: {  	v11 =	vld.idx.msk [tilespmem:v16+s7+$0x0], $0xffff  }
0x29a: {  	v12 =	vld.idx.msk [tilespmem:v15+s7+$0x0], $0xffff  }
0x29b: {  	v13 =	vld.idx.msk [tilespmem:v2+s7+$0x0], $0xffff  }
0x29c: {  	v14 =	vld.idx.msk [tilespmem:v1+s7+$0x0], $0xffff  }
0x29d: {  	v3 =	vadd.f32 v4, v3;
	v4 =	vadd.f32 v6, v5;
	_ =	sdelay $0x1  }
0x29e: {  	v3 =	vadd.f32 v4, v3;
	_ =	sdelay $0x1  }
0x29f: {  	v4 =	vadd.f32 v12, v11;
	[tilespmem:s6+$0x10] =	vst v3;
	v5 =	vadd.f32 v14, v13  }
0x2a0: {  	s8 =	simm.s32 $0x80;
	v3 =	vld.idx.msk [tilespmem:v9+s10+$0x0], $0xffff  }
0x2a1: {  	s2 =	sand.u32 $0x380, s8;
	v6 =	vld.idx.msk [tilespmem:v8+s10+$0x0], $0xffff;
	v4 =	vadd.f32 v5, v4  }
0x2a2: {  	s0 =	sor.u32 s2, s0;
	v5 =	vld.idx.msk [tilespmem:v10+s10+$0x0], $0xffff  }
0x2a3: {  	[tilespmem:s0+$0x0] =	vst v4;
	v4 =	vld.idx.msk [tilespmem:v7+s10+$0x0], $0xffff  }
0x2a4: {  	v11 =	vld.idx.msk [tilespmem:v16+s9+$0x0], $0xffff  }
0x2a5: {  	v12 =	vld.idx.msk [tilespmem:v15+s9+$0x0], $0xffff  }
0x2a6: {  	v13 =	vld.idx.msk [tilespmem:v2+s9+$0x0], $0xffff  }
0x2a7: {  	v14 =	vld.idx.msk [tilespmem:v1+s9+$0x0], $0xffff  }
0x2a8: {  	v3 =	vadd.f32 v5, v3;
	v4 =	vadd.f32 v4, v6;
	_ =	sdelay $0x1  }
0x2a9: {  	v3 =	vadd.f32 v4, v3;
	_ =	sdelay $0x1  }
0x2aa: {  	v5 =	vadd.f32 v14, v13;
	v4 =	vadd.f32 v12, v11;
	[tilespmem:s6+$0x20] =	vst v3  }
0x2ab: {  	v3 =	vld.idx.msk [tilespmem:v9+s11+$0x0], $0xffff  }
0x2ac: {  	v4 =	vadd.f32 v5, v4;
	v5 =	vld.idx.msk [tilespmem:v10+s11+$0x0], $0xffff  }
0x2ad: {  	v6 =	vld.idx.msk [tilespmem:v8+s11+$0x0], $0xffff  }
0x2ae: {  	[tilespmem:s0+$0x10] =	vst v4;
	v4 =	vld.idx.msk [tilespmem:v7+s11+$0x0], $0xffff  }
0x2af: {  	v11 =	vld.idx.msk [tilespmem:v16+s10+$0x0], $0xffff  }
0x2b0: {  	v12 =	vld.idx.msk [tilespmem:v15+s10+$0x0], $0xffff  }
0x2b1: {  	v13 =	vld.idx.msk [tilespmem:v2+s10+$0x0], $0xffff  }
0x2b2: {  	v14 =	vld.idx.msk [tilespmem:v1+s10+$0x0], $0xffff  }
0x2b3: {  	v3 =	vadd.f32 v5, v3;
	v4 =	vadd.f32 v4, v6;
	_ =	sdelay $0x1  }
0x2b4: {  	v3 =	vadd.f32 v4, v3;
	_ =	sdelay $0x1  }
0x2b5: {  	v5 =	vadd.f32 v14, v13;
	v4 =	vadd.f32 v12, v11;
	[tilespmem:s6+$0x30] =	vst v3  }
0x2b6: {  	v3 =	vld.idx.msk [tilespmem:v9+s12+$0x0], $0xffff  }
0x2b7: {  	v4 =	vadd.f32 v5, v4;
	v5 =	vld.idx.msk [tilespmem:v10+s12+$0x0], $0xffff  }
0x2b8: {  	v6 =	vld.idx.msk [tilespmem:v8+s12+$0x0], $0xffff  }
0x2b9: {  	[tilespmem:s0+$0x20] =	vst v4;
	v4 =	vld.idx.msk [tilespmem:v7+s12+$0x0], $0xffff  }
0x2ba: {  	v11 =	vld.idx.msk [tilespmem:v16+s11+$0x0], $0xffff  }
0x2bb: {  	v12 =	vld.idx.msk [tilespmem:v15+s11+$0x0], $0xffff  }
0x2bc: {  	v13 =	vld.idx.msk [tilespmem:v2+s11+$0x0], $0xffff  }
0x2bd: {  	v14 =	vld.idx.msk [tilespmem:v1+s11+$0x0], $0xffff  }
0x2be: {  	v3 =	vadd.f32 v5, v3;
	v4 =	vadd.f32 v4, v6;
	_ =	sdelay $0x1  }
0x2bf: {  	v3 =	vadd.f32 v4, v3;
	_ =	sdelay $0x1  }
0x2c0: {  	v5 =	vadd.f32 v14, v13;
	v4 =	vadd.f32 v12, v11;
	[tilespmem:s6+$0x40] =	vst v3  }
0x2c1: {  	v3 =	vld.idx.msk [tilespmem:v9+s13+$0x0], $0xffff  }
0x2c2: {  	v4 =	vadd.f32 v5, v4;
	v5 =	vld.idx.msk [tilespmem:v10+s13+$0x0], $0xffff  }
0x2c3: {  	v6 =	vld.idx.msk [tilespmem:v8+s13+$0x0], $0xffff  }
0x2c4: {  	[tilespmem:s0+$0x30] =	vst v4;
	v4 =	vld.idx.msk [tilespmem:v7+s13+$0x0], $0xffff  }
0x2c5: {  	v11 =	vld.idx.msk [tilespmem:v16+s12+$0x0], $0xffff  }
0x2c6: {  	v12 =	vld.idx.msk [tilespmem:v15+s12+$0x0], $0xffff  }
0x2c7: {  	v13 =	vld.idx.msk [tilespmem:v2+s12+$0x0], $0xffff  }
0x2c8: {  	v14 =	vld.idx.msk [tilespmem:v1+s12+$0x0], $0xffff  }
0x2c9: {  	v3 =	vadd.f32 v5, v3;
	v4 =	vadd.f32 v4, v6;
	_ =	sdelay $0x1  }
0x2ca: {  	v3 =	vadd.f32 v4, v3;
	_ =	sdelay $0x1  }
0x2cb: {  	v5 =	vadd.f32 v14, v13;
	v4 =	vadd.f32 v12, v11;
	[tilespmem:s6+$0x50] =	vst v3  }
0x2cc: {  	v3 =	vld.idx.msk [tilespmem:v9+s14+$0x0], $0xffff  }
0x2cd: {  	v4 =	vadd.f32 v5, v4;
	v5 =	vld.idx.msk [tilespmem:v10+s14+$0x0], $0xffff  }
0x2ce: {  	v6 =	vld.idx.msk [tilespmem:v8+s14+$0x0], $0xffff  }
0x2cf: {  	[tilespmem:s0+$0x40] =	vst v4;
	v4 =	vld.idx.msk [tilespmem:v7+s14+$0x0], $0xffff  }
0x2d0: {  	v11 =	vld.idx.msk [tilespmem:v16+s13+$0x0], $0xffff  }
0x2d1: {  	v12 =	vld.idx.msk [tilespmem:v15+s13+$0x0], $0xffff  }
0x2d2: {  	v13 =	vld.idx.msk [tilespmem:v2+s13+$0x0], $0xffff  }
0x2d3: {  	v14 =	vld.idx.msk [tilespmem:v1+s13+$0x0], $0xffff  }
0x2d4: {  	v3 =	vadd.f32 v5, v3;
	v4 =	vadd.f32 v4, v6;
	_ =	sdelay $0x1  }
0x2d5: {  	v3 =	vadd.f32 v4, v3;
	_ =	sdelay $0x1  }
0x2d6: {  	v5 =	vadd.f32 v14, v13;
	v4 =	vadd.f32 v12, v11;
	[tilespmem:s6+$0x60] =	vst v3  }
0x2d7: {  	v3 =	vld.idx.msk [tilespmem:v9+s15+$0x0], $0xffff  }
0x2d8: {  	v4 =	vadd.f32 v5, v4;
	v5 =	vld.idx.msk [tilespmem:v10+s15+$0x0], $0xffff  }
0x2d9: {  	v6 =	vld.idx.msk [tilespmem:v8+s15+$0x0], $0xffff  }
0x2da: {  	[tilespmem:s0+$0x50] =	vst v4;
	v4 =	vld.idx.msk [tilespmem:v7+s15+$0x0], $0xffff  }
0x2db: {  	v11 =	vld.idx.msk [tilespmem:v16+s14+$0x0], $0xffff  }
0x2dc: {  	v12 =	vld.idx.msk [tilespmem:v15+s14+$0x0], $0xffff  }
0x2dd: {  	v13 =	vld.idx.msk [tilespmem:v2+s14+$0x0], $0xffff  }
0x2de: {  	v14 =	vld.idx.msk [tilespmem:v1+s14+$0x0], $0xffff  }
0x2df: {  	v3 =	vadd.f32 v5, v3;
	v4 =	vadd.f32 v4, v6;
	_ =	sdelay $0x1  }
0x2e0: {  	v3 =	vadd.f32 v4, v3;
	_ =	sdelay $0x1  }
0x2e1: {  	v5 =	vadd.f32 v14, v13;
	v4 =	vadd.f32 v12, v11;
	[tilespmem:s6+$0x70] =	vst v3  }
0x2e2: {  	v3 =	vld.idx.msk [tilespmem:v9+s16+$0x0], $0xffff  }
0x2e3: {  	s24 =	sadd.s32 $0x8, s24;
	v4 =	vadd.f32 v5, v4;
	v5 =	vld.idx.msk [tilespmem:v10+s16+$0x0], $0xffff  }
0x2e4: {  	s1 =	sadd.s32 $0xFFFFFFFC, s24;
	v6 =	vld.idx.msk [tilespmem:v8+s16+$0x0], $0xffff  }
0x2e5: {  	v13 =	vmov s1;
	[tilespmem:s0+$0x60] =	vst v4;
	v4 =	vld.idx.msk [tilespmem:v7+s16+$0x0], $0xffff  }
0x2e6: {  	v11 =	vmov s24;
	v12 =	vld.idx.msk [tilespmem:v16+s15+$0x0], $0xffff  }
0x2e7: {  	v21 =	vor.u32 $0x3, v13;
	v14 =	vld.idx.msk [tilespmem:v15+s15+$0x0], $0xffff  }
0x2e8: {  	v17 =	vor.u32 $0x1, v13;
	v18 =	vld.idx.msk [tilespmem:v2+s15+$0x0], $0xffff  }
0x2e9: {  	v19 =	vor.u32 $0x2, v13;
	v20 =	vld.idx.msk [tilespmem:v1+s15+$0x0], $0xffff  }
0x2ea: {  	v3 =	vadd.f32 v5, v3;
	v5 =	vld.idx.msk [tilespmem:v13+s3+$0x0], $0xffff;
	v13 =	vor.u32 $0x1, v11  }
0x2eb: {  	v22 =	vld.idx.msk [tilespmem:v11+s3+$0x0], $0xffff;
	v4 =	vadd.f32 v4, v6  }
0x2ec: {  	v21 =	vld.idx.msk [tilespmem:v21+s3+$0x0], $0xffff  }
0x2ed: {  	v6 =	vld.idx.msk [tilespmem:v17+s3+$0x0], $0xffff;
	v3 =	vadd.f32 v4, v3  }
0x2ee: {  	v4 =	vld.idx.msk [tilespmem:v19+s3+$0x0], $0xffff  }
0x2ef: {  	v12 =	vadd.f32 v14, v12;
	v14 =	vadd.f32 v20, v18;
	[tilespmem:s6+$0x400] =	vst v3;
	v13 =	vld.idx.msk [tilespmem:v13+s3+$0x0], $0xffff  }
0x2f0: {  	v23 =	vld.idx.msk [tilespmem:v9+s17+$0x0], $0xffff  }
0x2f1: {  	v19 =	vor.u32 $0x2, v11;
	v12 =	vadd.f32 v14, v12;
	v3 =	vshll.u32 v22, $0x8;
	v22 =	vld.idx.msk [tilespmem:v10+s17+$0x0], $0xffff  }
0x2f2: {  	v11 =	vor.u32 $0x3, v11;
	v56 =	vld.idx.msk [tilespmem:v8+s17+$0x0], $0xffff  }
0x2f3: {  	v5 =	vshll.u32 v5, $0x8;
	v57 =	vld.idx.msk [tilespmem:v7+s17+$0x0], $0xffff;
	[tilespmem:s0+$0x70] =	vst v12  }
0x2f4: {  	v17 =	vor.u32 v0, v5;
	v5 =	vshll.u32 v6, $0x8;
	v14 =	vld.idx.msk [tilespmem:v16+s16+$0x0], $0xffff  }
0x2f5: {  	v18 =	vor.u32 v0, v5;
	v29 =	vld.idx.msk [tilespmem:v1+s16+$0x0], $0xffff;
	v4 =	vshll.u32 v4, $0x8  }
0x2f6: {  	v6 =	vld.idx.msk [tilespmem:v19+s3+$0x0], $0xffff;
	v19 =	vor.u32 v0, v4;
	v4 =	vshll.u32 v21, $0x8  }
0x2f7: {  	v11 =	vld.idx.msk [tilespmem:v11+s3+$0x0], $0xffff;
	v20 =	vor.u32 v0, v4  }
0x2f8: {  	v21 =	vld.idx.msk [tilespmem:v15+s16+$0x0], $0xffff;
	v4 =	vadd.f32 v22, v23;
	v5 =	vadd.f32 v57, v56  }
0x2f9: {  	v22 =	vld.idx.msk [tilespmem:v17+s7+$0x0], $0xffff  }
0x2fa: {  	v23 =	vld.idx.msk [tilespmem:v18+s7+$0x0], $0xffff;
	v5 =	vadd.f32 v5, v4  }
0x2fb: {  	v4 =	vshll.u32 v13, $0x8;
	v13 =	vld.idx.msk [tilespmem:v19+s7+$0x0], $0xffff  }
0x2fc: {  	v3 =	vor.u32 v0, v3;
	v6 =	vshll.u32 v6, $0x8;
	v58 =	vld.idx.msk [tilespmem:v20+s7+$0x0], $0xffff;
	[tilespmem:s6+$0x410] =	vst v5  }
0x2fd: {  	v4 =	vor.u32 v0, v4;
	v5 =	vor.u32 v0, v6;
	v6 =	vshll.u32 v11, $0x8;
	v11 =	vld.idx.msk [tilespmem:v9+s18+$0x0], $0xffff  }
0x2fe: {  	v59 =	vld.idx.msk [tilespmem:v10+s18+$0x0], $0xffff  }
0x2ff: {  	v6 =	vor.u32 v0, v6;
	v60 =	vld.idx.msk [tilespmem:v8+s18+$0x0], $0xffff  }
0x300: {  	v61 =	vld.idx.msk [tilespmem:v7+s18+$0x0], $0xffff  }
0x301: {  	s25 =	simm.s32 $0x200;
	v12 =	vld.idx.msk [tilespmem:v3+s7+$0x0], $0xffff;
	v22 =	vadd.f32 v23, v22;
	v13 =	vadd.f32 v58, v13  }
0x302: {  	s26 =	simm.s32 $0x100;
	s1 =	sand.u32 $0x3800, s25;
	v62 =	vld.idx.msk [tilespmem:v4+s7+$0x0], $0xffff  }
0x303: {  	s4 =	sand.u32 $0x300, s26;
	s1 =	sadd.s32 $0x17400, s1;
	v23 =	vld.idx.msk [tilespmem:v5+s7+$0x0], $0xffff;
	v13 =	vadd.f32 v13, v22  }
0x304: {  	s8 =	sor.u32 s4, s1;
	v63 =	vld.idx.msk [tilespmem:v6+s7+$0x0], $0xffff  }
0x305: {  	v11 =	vadd.f32 v59, v11;
	v22 =	vld.idx.msk [tilespmem:v2+s16+$0x0], $0xffff;
	[tilespmem:s8+$0x0] =	vst v13;
	v13 =	vadd.f32 v61, v60  }
0x306: {  	v30 =	vld.idx.msk [tilespmem:v17+s9+$0x0], $0xffff  }
0x307: {  	v31 =	vld.idx.msk [tilespmem:v18+s9+$0x0], $0xffff;
	v11 =	vadd.f32 v13, v11  }
0x308: {  	v32 =	vld.idx.msk [tilespmem:v20+s9+$0x0], $0xffff  }
0x309: {  	v12 =	vadd.f32 v62, v12;
	v13 =	vld.idx.msk [tilespmem:v19+s9+$0x0], $0xffff;
	v23 =	vadd.f32 v63, v23;
	[tilespmem:s6+$0x420] =	vst v11  }
0x30a: {  	s30 =	simm.s32 $0x180;
	v11 =	vld.idx.msk [tilespmem:v9+s19+$0x0], $0xffff  }
0x30b: {  	s4 =	sand.u32 $0x380, s30;
	v12 =	vadd.f32 v23, v12;
	v23 =	vld.idx.msk [tilespmem:v10+s19+$0x0], $0xffff  }
0x30c: {  	s1 =	sor.u32 s4, s1;
	v14 =	vadd.f32 v21, v14;
	v21 =	vadd.f32 v29, v22;
	v22 =	vld.idx.msk [tilespmem:v8+s19+$0x0], $0xffff  }
0x30d: {  	[tilespmem:s1+$0x0] =	vst v12;
	v12 =	vld.idx.msk [tilespmem:v7+s19+$0x0], $0xffff  }
0x30e: {  	v14 =	vadd.f32 v21, v14;
	v21 =	vld.idx.msk [tilespmem:v3+s9+$0x0], $0xffff  }
0x30f: {  	v33 =	vld.idx.msk [tilespmem:v4+s9+$0x0], $0xffff  }
0x310: {  	v34 =	vld.idx.msk [tilespmem:v5+s9+$0x0], $0xffff  }
0x311: {  	v25 =	vadd.f32 v31, v30;
	v13 =	vadd.f32 v32, v13;
	[tilespmem:s0+$0x400] =	vst v14;
	v14 =	vld.idx.msk [tilespmem:v6+s9+$0x0], $0xffff  }
0x312: {  	v35 =	vld.idx.msk [tilespmem:v16+s17+$0x0], $0xffff  }
0x313: {  	v40 =	vld.idx.msk [tilespmem:v2+s17+$0x0], $0xffff;
	v13 =	vadd.f32 v13, v25  }
0x314: {  	v42 =	vld.idx.msk [tilespmem:v1+s17+$0x0], $0xffff  }
0x315: {  	v11 =	vadd.f32 v23, v11;
	[tilespmem:s8+$0x10] =	vst v13;
	v12 =	vadd.f32 v12, v22;
	v13 =	vld.idx.msk [tilespmem:v15+s17+$0x0], $0xffff  }
0x316: {  	v22 =	vld.idx.msk [tilespmem:v17+s10+$0x0], $0xffff  }
0x317: {  	v23 =	vld.idx.msk [tilespmem:v18+s10+$0x0], $0xffff;
	v11 =	vadd.f32 v12, v11  }
0x318: {  	v36 =	vld.idx.msk [tilespmem:v20+s10+$0x0], $0xffff  }
0x319: {  	v21 =	vadd.f32 v33, v21;
	v14 =	vadd.f32 v14, v34;
	v12 =	vld.idx.msk [tilespmem:v19+s10+$0x0], $0xffff;
	[tilespmem:s6+$0x430] =	vst v11  }
0x31a: {  	v11 =	vld.idx.msk [tilespmem:v9+s20+$0x0], $0xffff  }
0x31b: {  	v14 =	vadd.f32 v14, v21;
	v21 =	vld.idx.msk [tilespmem:v10+s20+$0x0], $0xffff  }
0x31c: {  	v37 =	vld.idx.msk [tilespmem:v8+s20+$0x0], $0xffff  }
0x31d: {  	v45 =	vadd.f32 v42, v40;
	[tilespmem:s1+$0x10] =	vst v14;
	v14 =	vld.idx.msk [tilespmem:v7+s20+$0x0], $0xffff;
	v13 =	vadd.f32 v13, v35  }
0x31e: {  	v38 =	vld.idx.msk [tilespmem:v3+s10+$0x0], $0xffff;
	v22 =	vadd.f32 v23, v22;
	v12 =	vadd.f32 v36, v12  }
0x31f: {  	v23 =	vld.idx.msk [tilespmem:v4+s10+$0x0], $0xffff;
	v13 =	vadd.f32 v45, v13  }
0x320: {  	v39 =	vld.idx.msk [tilespmem:v5+s10+$0x0], $0xffff;
	v12 =	vadd.f32 v12, v22  }
0x321: {  	v22 =	vld.idx.msk [tilespmem:v6+s10+$0x0], $0xffff;
	[tilespmem:s0+$0x410] =	vst v13  }
0x322: {  	v47 =	vld.idx.msk [tilespmem:v16+s18+$0x0], $0xffff;
	[tilespmem:s8+$0x20] =	vst v12  }
0x323: {  	v11 =	vadd.f32 v21, v11;
	v12 =	vadd.f32 v14, v37;
	v14 =	vld.idx.msk [tilespmem:v17+s11+$0x0], $0xffff  }
0x324: {  	v21 =	vld.idx.msk [tilespmem:v18+s11+$0x0], $0xffff  }
0x325: {  	v41 =	vld.idx.msk [tilespmem:v20+s11+$0x0], $0xffff;
	v11 =	vadd.f32 v12, v11  }
0x326: {  	v12 =	vld.idx.msk [tilespmem:v19+s11+$0x0], $0xffff  }
0x327: {  	v52 =	vld.idx.msk [tilespmem:v15+s18+$0x0], $0xffff;
	v23 =	vadd.f32 v23, v38;
	v22 =	vadd.f32 v22, v39;
	[tilespmem:s6+$0x440] =	vst v11  }
0x328: {  	v11 =	vld.idx.msk [tilespmem:v9+s21+$0x0], $0xffff  }
0x329: {  	v22 =	vadd.f32 v22, v23;
	v23 =	vld.idx.msk [tilespmem:v10+s21+$0x0], $0xffff  }
0x32a: {  	v43 =	vld.idx.msk [tilespmem:v8+s21+$0x0], $0xffff  }
0x32b: {  	v14 =	vadd.f32 v21, v14;
	[tilespmem:s1+$0x20] =	vst v22;
	v22 =	vld.idx.msk [tilespmem:v7+s21+$0x0], $0xffff;
	v12 =	vadd.f32 v41, v12  }
0x32c: {  	v21 =	vld.idx.msk [tilespmem:v3+s11+$0x0], $0xffff  }
0x32d: {  	v44 =	vld.idx.msk [tilespmem:v4+s11+$0x0], $0xffff;
	v12 =	vadd.f32 v12, v14  }
0x32e: {  	v46 =	vld.idx.msk [tilespmem:v6+s11+$0x0], $0xffff  }
0x32f: {  	v14 =	vld.idx.msk [tilespmem:v5+s11+$0x0], $0xffff;
	[tilespmem:s8+$0x30] =	vst v12  }
0x330: {  	v11 =	vadd.f32 v23, v11;
	v12 =	vadd.f32 v22, v43;
	v22 =	vld.idx.msk [tilespmem:v17+s12+$0x0], $0xffff  }
0x331: {  	v23 =	vld.idx.msk [tilespmem:v18+s12+$0x0], $0xffff  }
0x332: {  	v13 =	vld.idx.msk [tilespmem:v20+s12+$0x0], $0xffff;
	v11 =	vadd.f32 v12, v11  }
0x333: {  	v12 =	vld.idx.msk [tilespmem:v19+s12+$0x0], $0xffff  }
0x334: {  	v53 =	vld.idx.msk [tilespmem:v2+s18+$0x0], $0xffff;
	v21 =	vadd.f32 v44, v21;
	v14 =	vadd.f32 v46, v14;
	[tilespmem:s6+$0x450] =	vst v11  }
0x335: {  	v11 =	vld.idx.msk [tilespmem:v9+s22+$0x0], $0xffff  }
0x336: {  	v14 =	vadd.f32 v14, v21;
	v21 =	vld.idx.msk [tilespmem:v10+s22+$0x0], $0xffff  }
0x337: {  	v48 =	vld.idx.msk [tilespmem:v8+s22+$0x0], $0xffff  }
0x338: {  	v22 =	vadd.f32 v23, v22;
	[tilespmem:s1+$0x30] =	vst v14;
	v14 =	vld.idx.msk [tilespmem:v7+s22+$0x0], $0xffff;
	v12 =	vadd.f32 v13, v12  }
0x339: {  	v13 =	vld.idx.msk [tilespmem:v3+s12+$0x0], $0xffff  }
0x33a: {  	s24 =	sadd.s32 $0x8, s24;
	v23 =	vld.idx.msk [tilespmem:v4+s12+$0x0], $0xffff;
	v12 =	vadd.f32 v12, v22  }
0x33b: {  	s2 =	sadd.s32 $0xFFFFFFFC, s24;
	v49 =	vld.idx.msk [tilespmem:v6+s12+$0x0], $0xffff  }
0x33c: {  	v62 =	vmov s2;
	v22 =	vld.idx.msk [tilespmem:v5+s12+$0x0], $0xffff;
	[tilespmem:s8+$0x40] =	vst v12  }
0x33d: {  	v40 =	vor.u32 $0x1, v62;
	v12 =	vld.idx.msk [tilespmem:v17+s13+$0x0], $0xffff  }
0x33e: {  	v33 =	vor.u32 $0x3, v62;
	v50 =	vld.idx.msk [tilespmem:v18+s13+$0x0], $0xffff  }
0x33f: {  	v11 =	vadd.f32 v21, v11;
	v14 =	vadd.f32 v14, v48;
	v51 =	vld.idx.msk [tilespmem:v19+s13+$0x0], $0xffff  }
0x340: {  	v13 =	vadd.f32 v23, v13;
	v23 =	vld.idx.msk [tilespmem:v20+s13+$0x0], $0xffff  }
0x341: {  	v54 =	vld.idx.msk [tilespmem:v1+s18+$0x0], $0xffff;
	v11 =	vadd.f32 v14, v11;
	v14 =	vadd.f32 v49, v22  }
0x342: {  	v41 =	vld.idx.msk [tilespmem:v40+s3+$0x0], $0xffff  }
0x343: {  	v43 =	vld.idx.msk [tilespmem:v33+s3+$0x0], $0xffff;
	[tilespmem:s6+$0x460] =	vst v11;
	v11 =	vadd.f32 v14, v13  }
0x344: {  	v21 =	vld.idx.msk [tilespmem:v9+s23+$0x0], $0xffff  }
0x345: {  	v22 =	vld.idx.msk [tilespmem:v10+s23+$0x0], $0xffff;
	v9 =	vadd.f32 v50, v12;
	v10 =	vadd.f32 v23, v51;
	[tilespmem:s1+$0x40] =	vst v11  }
0x346: {  	v11 =	vld.idx.msk [tilespmem:v3+s13+$0x0], $0xffff  }
0x347: {  	v12 =	vld.idx.msk [tilespmem:v4+s13+$0x0], $0xffff;
	v9 =	vadd.f32 v10, v9  }
0x348: {  	v10 =	vld.idx.msk [tilespmem:v5+s13+$0x0], $0xffff  }
0x349: {  	v13 =	vadd.f32 v52, v47;
	v14 =	vadd.f32 v54, v53;
	v23 =	vld.idx.msk [tilespmem:v6+s13+$0x0], $0xffff;
	[tilespmem:s8+$0x50] =	vst v9  }
0x34a: {  	v9 =	vld.idx.msk [tilespmem:v17+s14+$0x0], $0xffff  }
0x34b: {  	v13 =	vadd.f32 v14, v13;
	v14 =	vld.idx.msk [tilespmem:v18+s14+$0x0], $0xffff  }
0x34c: {  	v55 =	vld.idx.msk [tilespmem:v19+s14+$0x0], $0xffff  }
0x34d: {  	[tilespmem:s0+$0x420] =	vst v13;
	v13 =	vld.idx.msk [tilespmem:v20+s14+$0x0], $0xffff  }
0x34e: {  	v56 =	vld.idx.msk [tilespmem:v16+s19+$0x0], $0xffff;
	v11 =	vadd.f32 v12, v11;
	v10 =	vadd.f32 v23, v10  }
0x34f: {  	v57 =	vld.idx.msk [tilespmem:v2+s19+$0x0], $0xffff  }
0x350: {  	v12 =	vld.idx.msk [tilespmem:v15+s19+$0x0], $0xffff;
	v10 =	vadd.f32 v10, v11  }
0x351: {  	v11 =	vld.idx.msk [tilespmem:v1+s19+$0x0], $0xffff  }
0x352: {  	v23 =	vld.idx.msk [tilespmem:v8+s23+$0x0], $0xffff;
	v8 =	vadd.f32 v14, v9;
	v9 =	vadd.f32 v13, v55;
	[tilespmem:s1+$0x50] =	vst v10  }
0x353: {  	v10 =	vld.idx.msk [tilespmem:v3+s14+$0x0], $0xffff  }
0x354: {  	v13 =	vld.idx.msk [tilespmem:v4+s14+$0x0], $0xffff;
	v8 =	vadd.f32 v9, v8  }
0x355: {  	v9 =	vld.idx.msk [tilespmem:v5+s14+$0x0], $0xffff  }
0x356: {  	v12 =	vadd.f32 v12, v56;
	v14 =	vld.idx.msk [tilespmem:v6+s14+$0x0], $0xffff;
	v11 =	vadd.f32 v11, v57;
	[tilespmem:s8+$0x60] =	vst v8  }
0x357: {  	v8 =	vld.idx.msk [tilespmem:v17+s15+$0x0], $0xffff  }
0x358: {  	v58 =	vld.idx.msk [tilespmem:v19+s15+$0x0], $0xffff;
	v11 =	vadd.f32 v11, v12  }
0x359: {  	v12 =	vld.idx.msk [tilespmem:v18+s15+$0x0], $0xffff  }
0x35a: {  	[tilespmem:s0+$0x430] =	vst v11;
	v11 =	vld.idx.msk [tilespmem:v20+s15+$0x0], $0xffff  }
0x35b: {  	v10 =	vadd.f32 v13, v10;
	v9 =	vadd.f32 v14, v9;
	v13 =	vld.idx.msk [tilespmem:v16+s20+$0x0], $0xffff  }
0x35c: {  	v14 =	vld.idx.msk [tilespmem:v15+s20+$0x0], $0xffff  }
0x35d: {  	v9 =	vadd.f32 v9, v10;
	v10 =	vld.idx.msk [tilespmem:v2+s20+$0x0], $0xffff  }
0x35e: {  	v59 =	vld.idx.msk [tilespmem:v1+s20+$0x0], $0xffff  }
0x35f: {  	v24 =	vld.idx.msk [tilespmem:v7+s23+$0x0], $0xffff;
	[tilespmem:s1+$0x60] =	vst v9;
	v7 =	vadd.f32 v12, v8;
	v8 =	vadd.f32 v11, v58  }
0x360: {  	v9 =	vld.idx.msk [tilespmem:v3+s15+$0x0], $0xffff  }
0x361: {  	v12 =	vld.idx.msk [tilespmem:v6+s15+$0x0], $0xffff;
	v7 =	vadd.f32 v8, v7  }
0x362: {  	v11 =	vld.idx.msk [tilespmem:v4+s15+$0x0], $0xffff  }
0x363: {  	v13 =	vadd.f32 v14, v13;
	v8 =	vld.idx.msk [tilespmem:v5+s15+$0x0], $0xffff;
	[tilespmem:s8+$0x70] =	vst v7;
	v7 =	vadd.f32 v59, v10  }
0x364: {  	v10 =	vld.idx.msk [tilespmem:v17+s16+$0x0], $0xffff  }
0x365: {  	v14 =	vld.idx.msk [tilespmem:v18+s16+$0x0], $0xffff;
	v7 =	vadd.f32 v7, v13  }
0x366: {  	v60 =	vld.idx.msk [tilespmem:v20+s16+$0x0], $0xffff  }
0x367: {  	v13 =	vld.idx.msk [tilespmem:v19+s16+$0x0], $0xffff;
	[tilespmem:s0+$0x440] =	vst v7  }
0x368: {  	v9 =	vadd.f32 v11, v9;
	v8 =	vadd.f32 v12, v8;
	v61 =	vld.idx.msk [tilespmem:v16+s21+$0x0], $0xffff  }
0x369: {  	v63 =	vld.idx.msk [tilespmem:v15+s21+$0x0], $0xffff  }
0x36a: {  	v30 =	vld.idx.msk [tilespmem:v2+s21+$0x0], $0xffff;
	v12 =	vadd.f32 v8, v9  }
0x36b: {  	v7 =	vmov s24;
	v32 =	vld.idx.msk [tilespmem:v1+s21+$0x0], $0xffff  }
0x36c: {  	v31 =	vor.u32 $0x2, v62;
	v10 =	vadd.f32 v14, v10;
	v14 =	vld.idx.msk [tilespmem:v62+s3+$0x0], $0xffff;
	[tilespmem:s1+$0x70] =	vst v12  }
0x36d: {  	v49 =	vld.idx.msk [tilespmem:v3+s16+$0x0], $0xffff  }
0x36e: {  	v42 =	vor.u32 $0x1, v7;
	v51 =	vld.idx.msk [tilespmem:v4+s16+$0x0], $0xffff  }
0x36f: {  	v13 =	vadd.f32 v60, v13;
	v62 =	vld.idx.msk [tilespmem:v6+s16+$0x0], $0xffff  }
0x370: {  	v34 =	vld.idx.msk [tilespmem:v7+s3+$0x0], $0xffff  }
0x371: {  	v10 =	vadd.f32 v13, v10;
	v13 =	vld.idx.msk [tilespmem:v31+s3+$0x0], $0xffff  }
0x372: {  	v26 =	vadd.f32 v63, v61;
	v61 =	vld.idx.msk [tilespmem:v5+s16+$0x0], $0xffff  }
0x373: {  	v9 =	vshll.u32 v41, $0x8;
	[tilespmem:s8+$0x400] =	vst v10;
	v10 =	vor.u32 $0x2, v7;
	v11 =	vshll.u32 v14, $0x8;
	v14 =	vld.idx.msk [tilespmem:v42+s3+$0x0], $0xffff  }
0x374: {  	v9 =	vor.u32 v0, v9;
	v44 =	vld.idx.msk [tilespmem:v17+s17+$0x0], $0xffff  }
0x375: {  	v35 =	vld.idx.msk [tilespmem:v19+s17+$0x0], $0xffff;
	v8 =	vor.u32 v0, v11  }
0x376: {  	v56 =	vadd.f32 v32, v30;
	v36 =	vld.idx.msk [tilespmem:v20+s17+$0x0], $0xffff  }
0x377: {  	v45 =	vor.u32 $0x3, v7;
	v46 =	vld.idx.msk [tilespmem:v18+s17+$0x0], $0xffff;
	v7 =	vshll.u32 v34, $0x8  }
0x378: {  	v26 =	vadd.f32 v56, v26;
	v7 =	vor.u32 v0, v7;
	v47 =	vld.idx.msk [tilespmem:v10+s3+$0x0], $0xffff;
	v10 =	vshll.u32 v13, $0x8  }
0x379: {  	v53 =	vld.idx.msk [tilespmem:v9+s7+$0x0], $0xffff;
	v11 =	vor.u32 v0, v10  }
0x37a: {  	v29 =	vadd.f32 v51, v49;
	[tilespmem:s0+$0x450] =	vst v26;
	v26 =	vadd.f32 v62, v61;
	v10 =	vshll.u32 v43, $0x8;
	v52 =	vld.idx.msk [tilespmem:v8+s7+$0x0], $0xffff  }
0x37b: {  	v50 =	vadd.f32 v36, v35;
	v12 =	vor.u32 v0, v10  }
0x37c: {  	v13 =	vld.idx.msk [tilespmem:v45+s3+$0x0], $0xffff;
	v26 =	vadd.f32 v26, v29;
	v10 =	vadd.f32 v46, v44  }
0x37d: {  	v48 =	vld.idx.msk [tilespmem:v7+s7+$0x0], $0xffff  }
0x37e: {  	[tilespmem:s1+$0x400] =	vst v26;
	v31 =	vadd.f32 v50, v10;
	v54 =	vld.idx.msk [tilespmem:v11+s7+$0x0], $0xffff  }
0x37f: {  	v10 =	vshll.u32 v14, $0x8;
	v58 =	vadd.f32 v53, v52;
	v53 =	vld.idx.msk [tilespmem:v3+s17+$0x0], $0xffff  }
0x380: {  	v10 =	vor.u32 v0, v10;
	v14 =	vshll.u32 v47, $0x8;
	[tilespmem:s8+$0x410] =	vst v31;
	v55 =	vld.idx.msk [tilespmem:v12+s7+$0x0], $0xffff  }
0x381: {  	v13 =	vshll.u32 v13, $0x8;
	v14 =	vor.u32 v0, v14;
	v31 =	vld.idx.msk [tilespmem:v17+s18+$0x0], $0xffff  }
0x382: {  	v13 =	vor.u32 v0, v13;
	v37 =	vld.idx.msk [tilespmem:v18+s18+$0x0], $0xffff  }
0x383: {  	v38 =	vld.idx.msk [tilespmem:v19+s18+$0x0], $0xffff  }
0x384: {  	v39 =	vld.idx.msk [tilespmem:v20+s18+$0x0], $0xffff  }
0x385: {  	s26 =	simm.s32 $0x400;
	v57 =	vld.idx.msk [tilespmem:v10+s7+$0x0], $0xffff;
	v25 =	vadd.f32 v55, v54  }
0x386: {  	s5 =	sand.u32 $0x3800, s26;
	s25 =	simm.s32 $0x200;
	v59 =	vld.idx.msk [tilespmem:v14+s7+$0x0], $0xffff  }
0x387: {  	s5 =	sadd.s32 $0x17400, s5;
	s4 =	sand.u32 $0x300, s25;
	v60 =	vld.idx.msk [tilespmem:v13+s7+$0x0], $0xffff;
	v25 =	vadd.f32 v25, v58  }
0x388: {  	s2 =	sor.u32 s4, s5;
	v55 =	vld.idx.msk [tilespmem:v4+s17+$0x0], $0xffff  }
0x389: {  	v31 =	vadd.f32 v37, v31;
	v63 =	vadd.f32 v39, v38;
	[tilespmem:s2+$0x0] =	vst v25;
	v25 =	vld.idx.msk [tilespmem:v16+s22+$0x0], $0xffff  }
0x38a: {  	v40 =	vld.idx.msk [tilespmem:v8+s9+$0x0], $0xffff  }
0x38b: {  	v31 =	vadd.f32 v63, v31;
	v41 =	vld.idx.msk [tilespmem:v9+s9+$0x0], $0xffff  }
0x38c: {  	v42 =	vld.idx.msk [tilespmem:v11+s9+$0x0], $0xffff  }
0x38d: {  	v27 =	vadd.f32 v57, v48;
	v28 =	vadd.f32 v60, v59;
	[tilespmem:s8+$0x420] =	vst v31;
	v43 =	vld.idx.msk [tilespmem:v12+s9+$0x0], $0xffff  }
0x38e: {  	s28 =	simm.s32 $0x280;
	v31 =	vld.idx.msk [tilespmem:v17+s19+$0x0], $0xffff  }
0x38f: {  	s30 =	sand.u32 $0x380, s28;
	v44 =	vld.idx.msk [tilespmem:v18+s19+$0x0], $0xffff;
	v27 =	vadd.f32 v28, v27  }
0x390: {  	s4 =	sor.u32 s30, s5;
	v45 =	vld.idx.msk [tilespmem:v19+s19+$0x0], $0xffff  }
0x391: {  	v46 =	vld.idx.msk [tilespmem:v20+s19+$0x0], $0xffff;
	[tilespmem:s4+$0x0] =	vst v27  }
0x392: {  	v47 =	vld.idx.msk [tilespmem:v7+s9+$0x0], $0xffff  }
0x393: {  	v49 =	vld.idx.msk [tilespmem:v10+s9+$0x0], $0xffff;
	v48 =	vadd.f32 v41, v40;
	v30 =	vadd.f32 v43, v42  }
0x394: {  	v50 =	vld.idx.msk [tilespmem:v14+s9+$0x0], $0xffff  }
0x395: {  	v52 =	vld.idx.msk [tilespmem:v13+s9+$0x0], $0xffff;
	v51 =	vadd.f32 v30, v48  }
0x396: {  	v43 =	vld.idx.msk [tilespmem:v5+s17+$0x0], $0xffff  }
0x397: {  	v54 =	vadd.f32 v44, v31;
	v27 =	vadd.f32 v46, v45;
	v45 =	vld.idx.msk [tilespmem:v6+s17+$0x0], $0xffff;
	[tilespmem:s2+$0x10] =	vst v51  }
0x398: {  	v56 =	vld.idx.msk [tilespmem:v8+s10+$0x0], $0xffff  }
0x399: {  	v26 =	vadd.f32 v27, v54;
	v57 =	vld.idx.msk [tilespmem:v9+s10+$0x0], $0xffff  }
0x39a: {  	v58 =	vld.idx.msk [tilespmem:v11+s10+$0x0], $0xffff  }
0x39b: {  	v29 =	vadd.f32 v49, v47;
	v30 =	vadd.f32 v52, v50;
	[tilespmem:s8+$0x430] =	vst v26;
	v59 =	vld.idx.msk [tilespmem:v12+s10+$0x0], $0xffff  }
0x39c: {  	v26 =	vld.idx.msk [tilespmem:v17+s20+$0x0], $0xffff  }
0x39d: {  	v60 =	vld.idx.msk [tilespmem:v18+s20+$0x0], $0xffff;
	v29 =	vadd.f32 v30, v29  }
0x39e: {  	v61 =	vld.idx.msk [tilespmem:v19+s20+$0x0], $0xffff  }
0x39f: {  	v28 =	vadd.f32 v55, v53;
	v62 =	vld.idx.msk [tilespmem:v20+s20+$0x0], $0xffff;
	[tilespmem:s4+$0x10] =	vst v29;
	v29 =	vadd.f32 v45, v43  }
0x3a0: {  	v63 =	vld.idx.msk [tilespmem:v7+s10+$0x0], $0xffff;
	v31 =	vadd.f32 v57, v56  }
0x3a1: {  	v40 =	vld.idx.msk [tilespmem:v10+s10+$0x0], $0xffff;
	v27 =	vadd.f32 v59, v58;
	v28 =	vadd.f32 v29, v28  }
0x3a2: {  	v41 =	vld.idx.msk [tilespmem:v14+s10+$0x0], $0xffff  }
0x3a3: {  	v42 =	vld.idx.msk [tilespmem:v13+s10+$0x0], $0xffff;
	v27 =	vadd.f32 v27, v31;
	[tilespmem:s1+$0x410] =	vst v28  }
0x3a4: {  	v57 =	vld.idx.msk [tilespmem:v3+s18+$0x0], $0xffff  }
0x3a5: {  	v26 =	vadd.f32 v60, v26;
	v44 =	vadd.f32 v62, v61;
	v59 =	vld.idx.msk [tilespmem:v4+s18+$0x0], $0xffff;
	[tilespmem:s2+$0x20] =	vst v27  }
0x3a6: {  	v46 =	vld.idx.msk [tilespmem:v8+s11+$0x0], $0xffff  }
0x3a7: {  	v26 =	vadd.f32 v44, v26;
	v47 =	vld.idx.msk [tilespmem:v9+s11+$0x0], $0xffff  }
0x3a8: {  	v48 =	vld.idx.msk [tilespmem:v11+s11+$0x0], $0xffff  }
0x3a9: {  	v32 =	vadd.f32 v40, v63;
	v31 =	vadd.f32 v42, v41;
	[tilespmem:s8+$0x440] =	vst v26;
	v49 =	vld.idx.msk [tilespmem:v12+s11+$0x0], $0xffff  }
0x3aa: {  	v26 =	vld.idx.msk [tilespmem:v17+s21+$0x0], $0xffff  }
0x3ab: {  	v50 =	vld.idx.msk [tilespmem:v18+s21+$0x0], $0xffff;
	v31 =	vadd.f32 v31, v32  }
0x3ac: {  	v51 =	vld.idx.msk [tilespmem:v19+s21+$0x0], $0xffff  }
0x3ad: {  	v52 =	vld.idx.msk [tilespmem:v20+s21+$0x0], $0xffff;
	[tilespmem:s4+$0x20] =	vst v31  }
0x3ae: {  	v53 =	vld.idx.msk [tilespmem:v7+s11+$0x0], $0xffff  }
0x3af: {  	v54 =	vld.idx.msk [tilespmem:v10+s11+$0x0], $0xffff;
	v30 =	vadd.f32 v47, v46;
	v27 =	vadd.f32 v49, v48  }
0x3b0: {  	v55 =	vld.idx.msk [tilespmem:v14+s11+$0x0], $0xffff  }
0x3b1: {  	v56 =	vld.idx.msk [tilespmem:v13+s11+$0x0], $0xffff;
	v27 =	vadd.f32 v27, v30  }
0x3b2: {  	v47 =	vld.idx.msk [tilespmem:v5+s18+$0x0], $0xffff  }
0x3b3: {  	v26 =	vadd.f32 v50, v26;
	v58 =	vadd.f32 v52, v51;
	v49 =	vld.idx.msk [tilespmem:v6+s18+$0x0], $0xffff;
	[tilespmem:s2+$0x30] =	vst v27  }
0x3b4: {  	v60 =	vld.idx.msk [tilespmem:v8+s12+$0x0], $0xffff  }
0x3b5: {  	v26 =	vadd.f32 v58, v26;
	v61 =	vld.idx.msk [tilespmem:v9+s12+$0x0], $0xffff  }
0x3b6: {  	v62 =	vld.idx.msk [tilespmem:v11+s12+$0x0], $0xffff  }
0x3b7: {  	v29 =	vadd.f32 v54, v53;
	v28 =	vadd.f32 v56, v55;
	[tilespmem:s8+$0x450] =	vst v26;
	v63 =	vld.idx.msk [tilespmem:v12+s12+$0x0], $0xffff  }
0x3b8: {  	v26 =	vld.idx.msk [tilespmem:v17+s22+$0x0], $0xffff  }
0x3b9: {  	v40 =	vld.idx.msk [tilespmem:v18+s22+$0x0], $0xffff;
	v28 =	vadd.f32 v28, v29  }
0x3ba: {  	v41 =	vld.idx.msk [tilespmem:v19+s22+$0x0], $0xffff  }
0x3bb: {  	v30 =	vadd.f32 v59, v57;
	v42 =	vld.idx.msk [tilespmem:v20+s22+$0x0], $0xffff;
	[tilespmem:s4+$0x30] =	vst v28;
	v28 =	vadd.f32 v49, v47  }
0x3bc: {  	v43 =	vld.idx.msk [tilespmem:v7+s12+$0x0], $0xffff;
	v32 =	vadd.f32 v61, v60  }
0x3bd: {  	v44 =	vld.idx.msk [tilespmem:v10+s12+$0x0], $0xffff;
	v27 =	vadd.f32 v63, v62;
	v55 =	vadd.f32 v28, v30  }
0x3be: {  	v45 =	vld.idx.msk [tilespmem:v14+s12+$0x0], $0xffff  }
0x3bf: {  	v46 =	vld.idx.msk [tilespmem:v13+s12+$0x0], $0xffff;
	v27 =	vadd.f32 v27, v32;
	[tilespmem:s1+$0x420] =	vst v55  }
0x3c0: {  	v61 =	vld.idx.msk [tilespmem:v3+s19+$0x0], $0xffff  }
0x3c1: {  	v62 =	vld.idx.msk [tilespmem:v4+s19+$0x0], $0xffff;
	[tilespmem:s2+$0x40] =	vst v27  }
0x3c2: {  	v50 =	vld.idx.msk [tilespmem:v8+s13+$0x0], $0xffff  }
0x3c3: {  	v51 =	vld.idx.msk [tilespmem:v9+s13+$0x0], $0xffff  }
0x3c4: {  	v52 =	vld.idx.msk [tilespmem:v11+s13+$0x0], $0xffff  }
0x3c5: {  	v33 =	vadd.f32 v44, v43;
	v32 =	vadd.f32 v46, v45;
	v53 =	vld.idx.msk [tilespmem:v12+s13+$0x0], $0xffff  }
0x3c6: {  	v43 =	vld.idx.msk [tilespmem:v5+s19+$0x0], $0xffff  }
0x3c7: {  	v44 =	vld.idx.msk [tilespmem:v6+s19+$0x0], $0xffff;
	v54 =	vadd.f32 v32, v33  }
0x3c8: {  	v45 =	vld.idx.msk [tilespmem:v15+s22+$0x0], $0xffff  }
0x3c9: {  	v26 =	vadd.f32 v40, v26;
	v48 =	vadd.f32 v42, v41;
	v46 =	vld.idx.msk [tilespmem:v2+s22+$0x0], $0xffff;
	[tilespmem:s4+$0x40] =	vst v54  }
0x3ca: {  	v56 =	vld.idx.msk [tilespmem:v7+s13+$0x0], $0xffff;
	v29 =	vadd.f32 v51, v50;
	v27 =	vadd.f32 v53, v52  }
0x3cb: {  	v26 =	vadd.f32 v48, v26;
	v57 =	vld.idx.msk [tilespmem:v10+s13+$0x0], $0xffff  }
0x3cc: {  	v58 =	vld.idx.msk [tilespmem:v14+s13+$0x0], $0xffff;
	v59 =	vadd.f32 v27, v29  }
0x3cd: {  	[tilespmem:s8+$0x460] =	vst v26;
	v60 =	vld.idx.msk [tilespmem:v13+s13+$0x0], $0xffff  }
0x3ce: {  	v17 =	vld.idx.msk [tilespmem:v17+s23+$0x0], $0xffff;
	[tilespmem:s2+$0x50] =	vst v59  }
0x3cf: {  	v63 =	vld.idx.msk [tilespmem:v8+s14+$0x0], $0xffff  }
0x3d0: {  	v40 =	vld.idx.msk [tilespmem:v9+s14+$0x0], $0xffff  }
0x3d1: {  	v41 =	vld.idx.msk [tilespmem:v11+s14+$0x0], $0xffff  }
0x3d2: {  	v28 =	vadd.f32 v57, v56;
	v27 =	vadd.f32 v60, v58;
	v42 =	vld.idx.msk [tilespmem:v12+s14+$0x0], $0xffff  }
0x3d3: {  	v18 =	vld.idx.msk [tilespmem:v18+s23+$0x0], $0xffff  }
0x3d4: {  	v19 =	vld.idx.msk [tilespmem:v19+s23+$0x0], $0xffff;
	v27 =	vadd.f32 v27, v28  }
0x3d5: {  	v20 =	vld.idx.msk [tilespmem:v20+s23+$0x0], $0xffff  }
0x3d6: {  	v26 =	vadd.f32 v62, v61;
	v51 =	vld.idx.msk [tilespmem:v1+s22+$0x0], $0xffff;
	v28 =	vadd.f32 v44, v43;
	[tilespmem:s4+$0x50] =	vst v27  }
0x3d7: {  	v47 =	vld.idx.msk [tilespmem:v7+s14+$0x0], $0xffff;
	v32 =	vadd.f32 v40, v63;
	v30 =	vadd.f32 v42, v41  }
0x3d8: {  	v26 =	vadd.f32 v28, v26;
	v48 =	vld.idx.msk [tilespmem:v10+s14+$0x0], $0xffff  }
0x3d9: {  	v49 =	vld.idx.msk [tilespmem:v14+s14+$0x0], $0xffff;
	v30 =	vadd.f32 v30, v32  }
0x3da: {  	v50 =	vld.idx.msk [tilespmem:v13+s14+$0x0], $0xffff;
	[tilespmem:s1+$0x430] =	vst v26  }
0x3db: {  	v55 =	vld.idx.msk [tilespmem:v3+s20+$0x0], $0xffff;
	[tilespmem:s2+$0x60] =	vst v30  }
0x3dc: {  	v30 =	vld.idx.msk [tilespmem:v8+s15+$0x0], $0xffff  }
0x3dd: {  	v52 =	vld.idx.msk [tilespmem:v9+s15+$0x0], $0xffff  }
0x3de: {  	v25 =	vadd.f32 v45, v25;
	v27 =	vadd.f32 v51, v46;
	v53 =	vld.idx.msk [tilespmem:v11+s15+$0x0], $0xffff  }
0x3df: {  	v33 =	vadd.f32 v48, v47;
	v32 =	vadd.f32 v50, v49;
	v54 =	vld.idx.msk [tilespmem:v12+s15+$0x0], $0xffff  }
0x3e0: {  	v58 =	vadd.f32 v27, v25;
	v56 =	vld.idx.msk [tilespmem:v4+s20+$0x0], $0xffff  }
0x3e1: {  	v57 =	vld.idx.msk [tilespmem:v5+s20+$0x0], $0xffff;
	v32 =	vadd.f32 v32, v33  }
0x3e2: {  	v21 =	vadd.f32 v22, v21;
	v22 =	vld.idx.msk [tilespmem:v6+s20+$0x0], $0xffff;
	[tilespmem:s0+$0x460] =	vst v58  }
0x3e3: {  	v23 =	vadd.f32 v24, v23;
	v18 =	vadd.f32 v18, v17;
	v17 =	vld.idx.msk [tilespmem:v16+s23+$0x0], $0xffff;
	[tilespmem:s4+$0x60] =	vst v32  }
0x3e4: {  	v59 =	vld.idx.msk [tilespmem:v7+s15+$0x0], $0xffff;
	v60 =	vadd.f32 v52, v30;
	v26 =	vadd.f32 v54, v53  }
0x3e5: {  	v61 =	vld.idx.msk [tilespmem:v10+s15+$0x0], $0xffff  }
0x3e6: {  	v21 =	vadd.f32 v23, v21;
	v62 =	vld.idx.msk [tilespmem:v14+s15+$0x0], $0xffff;
	v23 =	vadd.f32 v26, v60  }
0x3e7: {  	v19 =	vadd.f32 v20, v19;
	v63 =	vld.idx.msk [tilespmem:v13+s15+$0x0], $0xffff  }
0x3e8: {  	v15 =	vld.idx.msk [tilespmem:v15+s23+$0x0], $0xffff;
	v20 =	vadd.f32 v56, v55;
	v22 =	vadd.f32 v22, v57;
	[tilespmem:s2+$0x70] =	vst v23  }
0x3e9: {  	v19 =	vadd.f32 v19, v18;
	v16 =	vld.idx.msk [tilespmem:v8+s16+$0x0], $0xffff  }
0x3ea: {  	[tilespmem:s6+$0x470] =	vst v21;
	v23 =	vadd.f32 v22, v20;
	v18 =	vld.idx.msk [tilespmem:v9+s16+$0x0], $0xffff  }
0x3eb: {  	[tilespmem:s8+$0x470] =	vst v19;
	v19 =	vld.idx.msk [tilespmem:v11+s16+$0x0], $0xffff  }
0x3ec: {  	s29 =	sadd.s32 $0x8, s24;
	s6 =	sor.u32 $0x1, s31;
	s8 =	simm.s32 $0x4;
	v21 =	vadd.f32 v61, v59;
	v22 =	vadd.f32 v63, v62;
	v20 =	vld.idx.msk [tilespmem:v12+s16+$0x0], $0xffff;
	[tilespmem:s1+$0x440] =	vst v23  }
.LBB2_5:
0x3ed: {  	s5 =	sadd.s32 $0xFFFFFFFC, s29;
	v23 =	vmov s29;
	v24 =	vld.idx.msk [tilespmem:v3+s21+$0x0], $0xffff  }
0x3ee: {  	v25 =	vmov s5;
	v26 =	vor.u32 $0x1, v23;
	v27 =	vor.u32 $0x2, v23;
	v28 =	vld.idx.msk [tilespmem:v4+s21+$0x0], $0xffff  }
0x3ef: {  	v30 =	vor.u32 $0x3, v23;
	v21 =	vadd.f32 v22, v21;
	v29 =	vor.u32 $0x1, v25;
	v22 =	vld.idx.msk [tilespmem:v5+s21+$0x0], $0xffff  }
0x3f0: {  	v15 =	vadd.f32 v15, v17;
	v31 =	vor.u32 $0x2, v25;
	v32 =	vld.idx.msk [tilespmem:v6+s21+$0x0], $0xffff  }
0x3f1: {  	v33 =	vor.u32 $0x3, v25;
	[tilespmem:s4+$0x70] =	vst v21;
	v17 =	vld.idx.msk [tilespmem:v2+s23+$0x0], $0xffff;
	v2 =	vmov v5;
	v5 =	vmov v14  }
0x3f2: {  	v16 =	vadd.f32 v18, v16;
	v18 =	vadd.f32 v20, v19;
	v14 =	vld.idx.msk [tilespmem:v23+s3+$0x0], $0xffff  }
0x3f3: {  	v19 =	vld.idx.msk [tilespmem:v25+s3+$0x0], $0xffff  }
0x3f4: {  	v16 =	vadd.f32 v18, v16;
	v18 =	vadd.f32 v28, v24;
	v20 =	vld.idx.msk [tilespmem:v29+s3+$0x0], $0xffff  }
0x3f5: {  	v24 =	vld.idx.msk [tilespmem:v31+s3+$0x0], $0xffff  }
0x3f6: {  	v25 =	vld.idx.msk [tilespmem:v33+s3+$0x0], $0xffff;
	[tilespmem:s2+$0x400] =	vst v16;
	v16 =	vadd.f32 v32, v22  }
0x3f7: {  	v28 =	vld.idx.msk [tilespmem:v8+s17+$0x0], $0xffff  }
0x3f8: {  	v14 =	vshll.u32 v14, $0x8;
	v29 =	vld.idx.msk [tilespmem:v9+s17+$0x0], $0xffff;
	v18 =	vadd.f32 v16, v18  }
0x3f9: {  	v16 =	vor.u32 v0, v14;
	v14 =	vld.idx.msk [tilespmem:v11+s17+$0x0], $0xffff  }
0x3fa: {  	v31 =	vld.idx.msk [tilespmem:v12+s17+$0x0], $0xffff;
	[tilespmem:s1+$0x450] =	vst v18  }
0x3fb: {  	v18 =	vshll.u32 v19, $0x8;
	v19 =	vld.idx.msk [tilespmem:v26+s3+$0x0], $0xffff  }
0x3fc: {  	v23 =	vor.u32 v0, v18;
	v18 =	vshll.u32 v20, $0x8;
	v20 =	vld.idx.msk [tilespmem:v27+s3+$0x0], $0xffff  }
0x3fd: {  	v21 =	vor.u32 v0, v18;
	v18 =	vshll.u32 v24, $0x8;
	v26 =	vld.idx.msk [tilespmem:v30+s3+$0x0], $0xffff  }
0x3fe: {  	v24 =	vor.u32 v0, v18;
	v18 =	vshll.u32 v25, $0x8;
	v25 =	vld.idx.msk [tilespmem:v16+s7+$0x0], $0xffff  }
0x3ff: {  	v22 =	vor.u32 v0, v18;
	v27 =	vld.idx.msk [tilespmem:v7+s16+$0x0], $0xffff  }
0x400: {  	v28 =	vadd.f32 v29, v28;
	v14 =	vadd.f32 v31, v14;
	v29 =	vld.idx.msk [tilespmem:v10+s16+$0x0], $0xffff  }
0x401: {  	v18 =	vshll.u32 v19, $0x8;
	v30 =	vld.idx.msk [tilespmem:v23+s7+$0x0], $0xffff  }
0x402: {  	v18 =	vor.u32 v0, v18;
	v19 =	vshll.u32 v20, $0x8;
	v20 =	vadd.f32 v14, v28;
	v31 =	vld.idx.msk [tilespmem:v21+s7+$0x0], $0xffff  }
0x403: {  	v14 =	vor.u32 v0, v19;
	v19 =	vshll.u32 v26, $0x8;
	v28 =	vld.idx.msk [tilespmem:v24+s7+$0x0], $0xffff  }
0x404: {  	v19 =	vor.u32 v0, v19;
	v26 =	vld.idx.msk [tilespmem:v22+s7+$0x0], $0xffff;
	[tilespmem:s2+$0x410] =	vst v20  }
0x405: {  	v20 =	vld.idx.msk [tilespmem:v8+s18+$0x0], $0xffff  }
0x406: {  	v27 =	vadd.f32 v29, v27;
	v32 =	vld.idx.msk [tilespmem:v9+s18+$0x0], $0xffff  }
0x407: {  	v29 =	vld.idx.msk [tilespmem:v11+s18+$0x0], $0xffff  }
0x408: {  	v33 =	vld.idx.msk [tilespmem:v12+s18+$0x0], $0xffff  }
0x409: {  	v34 =	vld.idx.msk [tilespmem:v18+s7+$0x0], $0xffff  }
0x40a: {  	s28 =	sadd.s32 $0x100, s28;
	s26 =	sadd.s32 $0x200, s26;
	v30 =	vadd.f32 v31, v30;
	v26 =	vadd.f32 v26, v28;
	v28 =	vld.idx.msk [tilespmem:v14+s7+$0x0], $0xffff  }
0x40b: {  	s5 =	sand.u32 $0x3800, s26;
	s24 =	sadd.s32 $0xFFFFFF80, s28;
	s30 =	sand.u32 $0x380, s28;
	v31 =	vld.idx.msk [tilespmem:v19+s7+$0x0], $0xffff  }
0x40c: {  	s24 =	sand.u32 $0x300, s24;
	s5 =	sadd.s32 $0x17400, s5;
	v26 =	vadd.f32 v26, v30;
	v30 =	vld.idx.msk [tilespmem:v5+s16+$0x0], $0xffff  }
0x40d: {  	s25 =	sor.u32 s24, s5;
	s24 =	sor.u32 s30, s5;
	v35 =	vld.idx.msk [tilespmem:v13+s16+$0x0], $0xffff  }
0x40e: {  	v29 =	vadd.f32 v33, v29;
	[tilespmem:s25+$0x0] =	vst v26;
	v26 =	vadd.f32 v32, v20;
	v20 =	vld.idx.msk [tilespmem:v3+s22+$0x0], $0xffff  }
0x40f: {  	v25 =	vadd.f32 v34, v25;
	v32 =	vld.idx.msk [tilespmem:v23+s9+$0x0], $0xffff  }
0x410: {  	v33 =	vld.idx.msk [tilespmem:v21+s9+$0x0], $0xffff;
	v26 =	vadd.f32 v29, v26  }
0x411: {  	v28 =	vadd.f32 v31, v28;
	v29 =	vld.idx.msk [tilespmem:v24+s9+$0x0], $0xffff  }
0x412: {  	v31 =	vld.idx.msk [tilespmem:v22+s9+$0x0], $0xffff;
	[tilespmem:s2+$0x420] =	vst v26  }
0x413: {  	v25 =	vadd.f32 v28, v25;
	v28 =	vadd.f32 v35, v30;
	v26 =	vld.idx.msk [tilespmem:v8+s19+$0x0], $0xffff  }
0x414: {  	v30 =	vld.idx.msk [tilespmem:v9+s19+$0x0], $0xffff  }
0x415: {  	v27 =	vadd.f32 v28, v27;
	[tilespmem:s24+$0x0] =	vst v25;
	v25 =	vld.idx.msk [tilespmem:v11+s19+$0x0], $0xffff  }
0x416: {  	v28 =	vld.idx.msk [tilespmem:v12+s19+$0x0], $0xffff  }
0x417: {  	v34 =	vld.idx.msk [tilespmem:v16+s9+$0x0], $0xffff;
	[tilespmem:s4+$0x400] =	vst v27  }
0x418: {  	v27 =	vadd.f32 v33, v32;
	v29 =	vadd.f32 v31, v29;
	v31 =	vld.idx.msk [tilespmem:v18+s9+$0x0], $0xffff  }
0x419: {  	v32 =	vld.idx.msk [tilespmem:v14+s9+$0x0], $0xffff  }
0x41a: {  	v27 =	vadd.f32 v29, v27;
	v29 =	vld.idx.msk [tilespmem:v19+s9+$0x0], $0xffff  }
0x41b: {  	v33 =	vld.idx.msk [tilespmem:v7+s17+$0x0], $0xffff  }
0x41c: {  	v26 =	vadd.f32 v30, v26;
	v25 =	vadd.f32 v28, v25;
	[tilespmem:s25+$0x10] =	vst v27;
	v27 =	vld.idx.msk [tilespmem:v10+s17+$0x0], $0xffff  }
0x41d: {  	v28 =	vld.idx.msk [tilespmem:v23+s10+$0x0], $0xffff  }
0x41e: {  	s8 =	sadd.s32 $0x2, s8;
	v31 =	vadd.f32 v31, v34;
	v25 =	vadd.f32 v25, v26;
	v30 =	vld.idx.msk [tilespmem:v21+s10+$0x0], $0xffff  }
0x41f: {  	p1 =	slt.u32 s8, $0x3E;
	v26 =	vld.idx.msk [tilespmem:v24+s10+$0x0], $0xffff  }
0x420: {  	v29 =	vadd.f32 v29, v32;
	v34 =	vld.idx.msk [tilespmem:v22+s10+$0x0], $0xffff;
	[tilespmem:s2+$0x430] =	vst v25  }
0x421: {  	v25 =	vld.idx.msk [tilespmem:v8+s20+$0x0], $0xffff  }
0x422: {  	v29 =	vadd.f32 v29, v31;
	v27 =	vadd.f32 v27, v33;
	v31 =	vld.idx.msk [tilespmem:v9+s20+$0x0], $0xffff  }
0x423: {  	v32 =	vld.idx.msk [tilespmem:v11+s20+$0x0], $0xffff  }
0x424: {  	[tilespmem:s24+$0x10] =	vst v29;
	v29 =	vld.idx.msk [tilespmem:v12+s20+$0x0], $0xffff  }
0x425: {  	v33 =	vld.idx.msk [tilespmem:v16+s10+$0x0], $0xffff  }
0x426: {  	v28 =	vadd.f32 v30, v28;
	v26 =	vadd.f32 v34, v26;
	v30 =	vld.idx.msk [tilespmem:v18+s10+$0x0], $0xffff  }
0x427: {  	v34 =	vld.idx.msk [tilespmem:v14+s10+$0x0], $0xffff  }
0x428: {  	v26 =	vadd.f32 v26, v28;
	v28 =	vld.idx.msk [tilespmem:v19+s10+$0x0], $0xffff  }
0x429: {  	v35 =	vld.idx.msk [tilespmem:v5+s17+$0x0], $0xffff  }
0x42a: {  	v25 =	vadd.f32 v31, v25;
	[tilespmem:s25+$0x20] =	vst v26;
	v26 =	vadd.f32 v29, v32;
	v29 =	vld.idx.msk [tilespmem:v13+s17+$0x0], $0xffff  }
0x42b: {  	v31 =	vld.idx.msk [tilespmem:v23+s11+$0x0], $0xffff  }
0x42c: {  	v30 =	vadd.f32 v30, v33;
	v32 =	vld.idx.msk [tilespmem:v21+s11+$0x0], $0xffff;
	v25 =	vadd.f32 v26, v25  }
0x42d: {  	v26 =	vld.idx.msk [tilespmem:v24+s11+$0x0], $0xffff  }
0x42e: {  	v28 =	vadd.f32 v28, v34;
	v33 =	vld.idx.msk [tilespmem:v22+s11+$0x0], $0xffff;
	[tilespmem:s2+$0x440] =	vst v25  }
0x42f: {  	v25 =	vld.idx.msk [tilespmem:v8+s21+$0x0], $0xffff  }
0x430: {  	v28 =	vadd.f32 v28, v30;
	v29 =	vadd.f32 v29, v35;
	v30 =	vld.idx.msk [tilespmem:v9+s21+$0x0], $0xffff  }
0x431: {  	v34 =	vld.idx.msk [tilespmem:v11+s21+$0x0], $0xffff  }
0x432: {  	v27 =	vadd.f32 v29, v27;
	[tilespmem:s24+$0x20] =	vst v28;
	v28 =	vld.idx.msk [tilespmem:v12+s21+$0x0], $0xffff  }
0x433: {  	v29 =	vld.idx.msk [tilespmem:v16+s11+$0x0], $0xffff  }
0x434: {  	v31 =	vadd.f32 v32, v31;
	v26 =	vadd.f32 v33, v26;
	v32 =	vld.idx.msk [tilespmem:v18+s11+$0x0], $0xffff;
	[tilespmem:s4+$0x410] =	vst v27  }
0x435: {  	v27 =	vld.idx.msk [tilespmem:v14+s11+$0x0], $0xffff  }
0x436: {  	v26 =	vadd.f32 v26, v31;
	v31 =	vld.idx.msk [tilespmem:v19+s11+$0x0], $0xffff  }
0x437: {  	v33 =	vld.idx.msk [tilespmem:v7+s18+$0x0], $0xffff  }
0x438: {  	v25 =	vadd.f32 v30, v25;
	[tilespmem:s25+$0x30] =	vst v26;
	v26 =	vadd.f32 v28, v34;
	v28 =	vld.idx.msk [tilespmem:v10+s18+$0x0], $0xffff  }
0x439: {  	v30 =	vld.idx.msk [tilespmem:v23+s12+$0x0], $0xffff  }
0x43a: {  	v29 =	vadd.f32 v32, v29;
	v34 =	vld.idx.msk [tilespmem:v21+s12+$0x0], $0xffff;
	v25 =	vadd.f32 v26, v25  }
0x43b: {  	v26 =	vld.idx.msk [tilespmem:v24+s12+$0x0], $0xffff  }
0x43c: {  	v27 =	vadd.f32 v31, v27;
	v32 =	vld.idx.msk [tilespmem:v22+s12+$0x0], $0xffff;
	[tilespmem:s2+$0x450] =	vst v25  }
0x43d: {  	v25 =	vld.idx.msk [tilespmem:v8+s22+$0x0], $0xffff  }
0x43e: {  	v27 =	vadd.f32 v27, v29;
	v28 =	vadd.f32 v28, v33;
	v29 =	vld.idx.msk [tilespmem:v9+s22+$0x0], $0xffff  }
0x43f: {  	v31 =	vld.idx.msk [tilespmem:v11+s22+$0x0], $0xffff  }
0x440: {  	[tilespmem:s24+$0x30] =	vst v27;
	v27 =	vld.idx.msk [tilespmem:v12+s22+$0x0], $0xffff  }
0x441: {  	v33 =	vld.idx.msk [tilespmem:v16+s12+$0x0], $0xffff  }
0x442: {  	v30 =	vadd.f32 v34, v30;
	v26 =	vadd.f32 v32, v26;
	v32 =	vld.idx.msk [tilespmem:v18+s12+$0x0], $0xffff  }
0x443: {  	v34 =	vld.idx.msk [tilespmem:v14+s12+$0x0], $0xffff  }
0x444: {  	v26 =	vadd.f32 v26, v30;
	v30 =	vld.idx.msk [tilespmem:v19+s12+$0x0], $0xffff  }
0x445: {  	v35 =	vld.idx.msk [tilespmem:v5+s18+$0x0], $0xffff  }
0x446: {  	v25 =	vadd.f32 v29, v25;
	[tilespmem:s25+$0x40] =	vst v26;
	v26 =	vadd.f32 v27, v31;
	v27 =	vld.idx.msk [tilespmem:v13+s18+$0x0], $0xffff  }
0x447: {  	v29 =	vld.idx.msk [tilespmem:v23+s13+$0x0], $0xffff  }
0x448: {  	v32 =	vadd.f32 v32, v33;
	v31 =	vld.idx.msk [tilespmem:v21+s13+$0x0], $0xffff;
	v25 =	vadd.f32 v26, v25  }
0x449: {  	v26 =	vld.idx.msk [tilespmem:v24+s13+$0x0], $0xffff  }
0x44a: {  	v30 =	vadd.f32 v30, v34;
	v33 =	vld.idx.msk [tilespmem:v22+s13+$0x0], $0xffff;
	[tilespmem:s2+$0x460] =	vst v25  }
0x44b: {  	v25 =	vld.idx.msk [tilespmem:v8+s23+$0x0], $0xffff;
	v8 =	vmov v23  }
0x44c: {  	v23 =	vadd.f32 v30, v32;
	v27 =	vadd.f32 v27, v35;
	v30 =	vld.idx.msk [tilespmem:v9+s23+$0x0], $0xffff;
	v9 =	vmov v21  }
0x44d: {  	v21 =	vld.idx.msk [tilespmem:v11+s23+$0x0], $0xffff;
	v11 =	vmov v24  }
0x44e: {  	v24 =	vadd.f32 v27, v28;
	[tilespmem:s24+$0x40] =	vst v23;
	v23 =	vld.idx.msk [tilespmem:v12+s23+$0x0], $0xffff;
	v12 =	vmov v22  }
0x44f: {  	v22 =	vld.idx.msk [tilespmem:v16+s13+$0x0], $0xffff  }
0x450: {  	v27 =	vadd.f32 v31, v29;
	v26 =	vadd.f32 v33, v26;
	v28 =	vld.idx.msk [tilespmem:v18+s13+$0x0], $0xffff;
	[tilespmem:s4+$0x420] =	vst v24  }
0x451: {  	v24 =	vld.idx.msk [tilespmem:v14+s13+$0x0], $0xffff  }
0x452: {  	v26 =	vadd.f32 v26, v27;
	v27 =	vld.idx.msk [tilespmem:v19+s13+$0x0], $0xffff  }
0x453: {  	v29 =	vld.idx.msk [tilespmem:v7+s19+$0x0], $0xffff  }
0x454: {  	v25 =	vadd.f32 v30, v25;
	v21 =	vadd.f32 v23, v21;
	[tilespmem:s25+$0x50] =	vst v26;
	v23 =	vld.idx.msk [tilespmem:v10+s19+$0x0], $0xffff  }
0x455: {  	v26 =	vld.idx.msk [tilespmem:v8+s14+$0x0], $0xffff  }
0x456: {  	v22 =	vadd.f32 v28, v22;
	v21 =	vadd.f32 v21, v25;
	v30 =	vld.idx.msk [tilespmem:v9+s14+$0x0], $0xffff  }
0x457: {  	v25 =	vld.idx.msk [tilespmem:v11+s14+$0x0], $0xffff  }
0x458: {  	v24 =	vadd.f32 v27, v24;
	v28 =	vld.idx.msk [tilespmem:v12+s14+$0x0], $0xffff;
	[tilespmem:s2+$0x470] =	vst v21;
	s2 =	smov.u32 s25  }
0x459: {  	v21 =	vld.idx.msk [tilespmem:v5+s19+$0x0], $0xffff  }
0x45a: {  	v22 =	vadd.f32 v24, v22;
	v23 =	vadd.f32 v23, v29;
	v24 =	vld.idx.msk [tilespmem:v13+s19+$0x0], $0xffff  }
0x45b: {  	v27 =	vld.idx.msk [tilespmem:v4+s22+$0x0], $0xffff  }
0x45c: {  	[tilespmem:s24+$0x50] =	vst v22;
	v22 =	vld.idx.msk [tilespmem:v2+s22+$0x0], $0xffff  }
0x45d: {  	v29 =	vld.idx.msk [tilespmem:v16+s14+$0x0], $0xffff  }
0x45e: {  	v26 =	vadd.f32 v30, v26;
	v25 =	vadd.f32 v28, v25;
	v28 =	vld.idx.msk [tilespmem:v18+s14+$0x0], $0xffff  }
0x45f: {  	v30 =	vld.idx.msk [tilespmem:v14+s14+$0x0], $0xffff  }
0x460: {  	v25 =	vadd.f32 v25, v26;
	v21 =	vadd.f32 v24, v21;
	v26 =	vld.idx.msk [tilespmem:v19+s14+$0x0], $0xffff  }
0x461: {  	v20 =	vadd.f32 v27, v20;
	v24 =	vld.idx.msk [tilespmem:v6+s22+$0x0], $0xffff  }
0x462: {  	v21 =	vadd.f32 v21, v23;
	[tilespmem:s2+$0x60] =	vst v25;
	v23 =	vld.idx.msk [tilespmem:v1+s23+$0x0], $0xffff;
	v1 =	vmovc v6;
	v6 =	vmov v13;
	v13 =	vmov v19  }
0x463: {  	v19 =	vld.idx.msk [tilespmem:v8+s15+$0x0], $0xffff  }
0x464: {  	v27 =	vadd.f32 v28, v29;
	v25 =	vld.idx.msk [tilespmem:v9+s15+$0x0], $0xffff;
	[tilespmem:s4+$0x430] =	vst v21  }
0x465: {  	v21 =	vld.idx.msk [tilespmem:v11+s15+$0x0], $0xffff  }
0x466: {  	v26 =	vadd.f32 v26, v30;
	v28 =	vld.idx.msk [tilespmem:v12+s15+$0x0], $0xffff  }
0x467: {  	v22 =	vadd.f32 v24, v22;
	v29 =	vld.idx.msk [tilespmem:v7+s20+$0x0], $0xffff  }
0x468: {  	v24 =	vadd.f32 v26, v27;
	v17 =	vadd.f32 v23, v17;
	v26 =	vld.idx.msk [tilespmem:v10+s20+$0x0], $0xffff  }
0x469: {  	v20 =	vadd.f32 v22, v20;
	v23 =	vld.idx.msk [tilespmem:v5+s20+$0x0], $0xffff  }
0x46a: {  	v15 =	vadd.f32 v17, v15;
	[tilespmem:s24+$0x60] =	vst v24;
	v22 =	vld.idx.msk [tilespmem:v6+s20+$0x0], $0xffff  }
0x46b: {  	v24 =	vld.idx.msk [tilespmem:v16+s15+$0x0], $0xffff;
	[tilespmem:s1+$0x460] =	vst v20  }
0x46c: {  	v17 =	vadd.f32 v25, v19;
	v19 =	vadd.f32 v28, v21;
	v20 =	vld.idx.msk [tilespmem:v18+s15+$0x0], $0xffff;
	[tilespmem:s0+$0x470] =	vst v15;
	s0 =	smov.u32 s1;
	s1 =	smov.u32 s4;
	s4 =	smov.u32 s24  }
0x46d: {  	v25 =	vld.idx.msk [tilespmem:v14+s15+$0x0], $0xffff  }
0x46e: {  	v15 =	vadd.f32 v19, v17;
	v19 =	vadd.f32 v26, v29;
	v27 =	vld.idx.msk [tilespmem:v13+s15+$0x0], $0xffff  }
0x46f: {  	v17 =	vld.idx.msk [tilespmem:v3+s23+$0x0], $0xffff;
	v3 =	vmov v7;
	v7 =	vmov v16  }
.Ltmp1:
0x470: {  	v22 =	vadd.f32 v22, v23;
	[tilespmem:s2+$0x70] =	vst v15;
	v15 =	vld.idx.msk [tilespmem:v4+s23+$0x0], $0xffff;
	v4 =	vmov v10;
	v10 =	vmov v18;
	(pc) =	sbr.rel @p1 .LBB2_5-.Ltmp1, $4  }
0x471: {  	v16 =	vld.idx.msk [tilespmem:v8+s16+$0x0], $0xffff  }
0x472: {  	v21 =	vadd.f32 v20, v24;
	v23 =	vadd.f32 v22, v19;
	v18 =	vld.idx.msk [tilespmem:v9+s16+$0x0], $0xffff  }
0x473: {  	v19 =	vld.idx.msk [tilespmem:v11+s16+$0x0], $0xffff  }
0x474: {  	s29 =	sadd.s32 $0x8, s29;
	v22 =	vadd.f32 v27, v25;
	v20 =	vld.idx.msk [tilespmem:v12+s16+$0x0], $0xffff;
	[tilespmem:s1+$0x440] =	vst v23  }
0x475: {  	_ = 	snop  }
0x476: {  	v21 =	vadd.f32 v22, v21;
	_ =	sdelay $0x1  }
0x477: {  	[tilespmem:s4+$0x70] =	vst v21  }
0x478: {  	v60 =	vld.idx.msk [tilespmem:v7+s16+$0x0], $0xffff  }
0x479: {  	v61 =	vld.idx.msk [tilespmem:v10+s16+$0x0], $0xffff  }
0x47a: {  	v62 =	vld.idx.msk [tilespmem:v14+s16+$0x0], $0xffff  }
0x47b: {  	v63 =	vld.idx.msk [tilespmem:v13+s16+$0x0], $0xffff  }
0x47c: {  	v16 =	vadd.f32 v18, v16;
	v59 =	vadd.f32 v20, v19;
	_ =	sdelay $0x1  }
0x47d: {  	v16 =	vadd.f32 v59, v16;
	_ =	sdelay $0x1  }
0x47e: {  	[tilespmem:s2+$0x400] =	vst v16;
	v18 =	vadd.f32 v61, v60;
	v16 =	vadd.f32 v63, v62  }
0x47f: {  	v28 =	vld.idx.msk [tilespmem:v8+s17+$0x0], $0xffff  }
0x480: {  	v29 =	vld.idx.msk [tilespmem:v9+s17+$0x0], $0xffff;
	v16 =	vadd.f32 v16, v18  }
0x481: {  	v23 =	vld.idx.msk [tilespmem:v11+s17+$0x0], $0xffff  }
0x482: {  	v24 =	vld.idx.msk [tilespmem:v12+s17+$0x0], $0xffff;
	[tilespmem:s4+$0x400] =	vst v16  }
0x483: {  	v16 =	vld.idx.msk [tilespmem:v7+s17+$0x0], $0xffff  }
0x484: {  	v32 =	vld.idx.msk [tilespmem:v10+s17+$0x0], $0xffff  }
0x485: {  	v33 =	vld.idx.msk [tilespmem:v14+s17+$0x0], $0xffff  }
0x486: {  	v34 =	vld.idx.msk [tilespmem:v13+s17+$0x0], $0xffff  }
0x487: {  	v30 =	vadd.f32 v29, v28;
	v31 =	vadd.f32 v24, v23;
	_ =	sdelay $0x1  }
0x488: {  	v18 =	vadd.f32 v31, v30;
	_ =	sdelay $0x1  }
0x489: {  	[tilespmem:s2+$0x410] =	vst v18;
	v16 =	vadd.f32 v32, v16;
	v18 =	vadd.f32 v34, v33  }
0x48a: {  	v35 =	vld.idx.msk [tilespmem:v8+s18+$0x0], $0xffff  }
0x48b: {  	v36 =	vld.idx.msk [tilespmem:v9+s18+$0x0], $0xffff;
	v16 =	vadd.f32 v18, v16  }
0x48c: {  	v37 =	vld.idx.msk [tilespmem:v11+s18+$0x0], $0xffff  }
0x48d: {  	v38 =	vld.idx.msk [tilespmem:v12+s18+$0x0], $0xffff;
	[tilespmem:s4+$0x410] =	vst v16  }
0x48e: {  	v16 =	vld.idx.msk [tilespmem:v7+s18+$0x0], $0xffff  }
0x48f: {  	v41 =	vld.idx.msk [tilespmem:v10+s18+$0x0], $0xffff  }
0x490: {  	v42 =	vld.idx.msk [tilespmem:v14+s18+$0x0], $0xffff  }
0x491: {  	v43 =	vld.idx.msk [tilespmem:v13+s18+$0x0], $0xffff  }
0x492: {  	v39 =	vadd.f32 v36, v35;
	v40 =	vadd.f32 v38, v37;
	_ =	sdelay $0x1  }
0x493: {  	v18 =	vadd.f32 v40, v39;
	_ =	sdelay $0x1  }
0x494: {  	[tilespmem:s2+$0x420] =	vst v18;
	v16 =	vadd.f32 v41, v16;
	v18 =	vadd.f32 v43, v42  }
0x495: {  	v44 =	vld.idx.msk [tilespmem:v8+s19+$0x0], $0xffff  }
0x496: {  	v45 =	vld.idx.msk [tilespmem:v9+s19+$0x0], $0xffff;
	v16 =	vadd.f32 v18, v16  }
0x497: {  	v46 =	vld.idx.msk [tilespmem:v11+s19+$0x0], $0xffff  }
0x498: {  	v47 =	vld.idx.msk [tilespmem:v12+s19+$0x0], $0xffff;
	[tilespmem:s4+$0x420] =	vst v16  }
0x499: {  	v16 =	vld.idx.msk [tilespmem:v7+s19+$0x0], $0xffff  }
0x49a: {  	v50 =	vld.idx.msk [tilespmem:v10+s19+$0x0], $0xffff  }
0x49b: {  	v51 =	vld.idx.msk [tilespmem:v14+s19+$0x0], $0xffff  }
0x49c: {  	v52 =	vld.idx.msk [tilespmem:v13+s19+$0x0], $0xffff  }
0x49d: {  	v48 =	vadd.f32 v45, v44;
	v49 =	vadd.f32 v47, v46;
	_ =	sdelay $0x1  }
0x49e: {  	v18 =	vadd.f32 v49, v48;
	_ =	sdelay $0x1  }
0x49f: {  	[tilespmem:s2+$0x430] =	vst v18;
	v16 =	vadd.f32 v50, v16;
	v18 =	vadd.f32 v52, v51  }
0x4a0: {  	v53 =	vld.idx.msk [tilespmem:v8+s20+$0x0], $0xffff  }
0x4a1: {  	v54 =	vld.idx.msk [tilespmem:v9+s20+$0x0], $0xffff;
	v16 =	vadd.f32 v18, v16  }
0x4a2: {  	v55 =	vld.idx.msk [tilespmem:v11+s20+$0x0], $0xffff  }
0x4a3: {  	v56 =	vld.idx.msk [tilespmem:v12+s20+$0x0], $0xffff;
	[tilespmem:s4+$0x430] =	vst v16  }
0x4a4: {  	v16 =	vld.idx.msk [tilespmem:v7+s20+$0x0], $0xffff  }
0x4a5: {  	v59 =	vld.idx.msk [tilespmem:v10+s20+$0x0], $0xffff  }
0x4a6: {  	v60 =	vld.idx.msk [tilespmem:v14+s20+$0x0], $0xffff  }
0x4a7: {  	v61 =	vld.idx.msk [tilespmem:v13+s20+$0x0], $0xffff  }
0x4a8: {  	v57 =	vadd.f32 v54, v53;
	v58 =	vadd.f32 v56, v55  }
0x4a9: {  	v25 =	vld.idx.msk [tilespmem:v6+s21+$0x0], $0xffff  }
0x4aa: {  	v30 =	vld.idx.msk [tilespmem:v3+s21+$0x0], $0xffff;
	v18 =	vadd.f32 v58, v57  }
0x4ab: {  	v31 =	vld.idx.msk [tilespmem:v4+s21+$0x0], $0xffff  }
0x4ac: {  	v32 =	vld.idx.msk [tilespmem:v5+s21+$0x0], $0xffff;
	[tilespmem:s2+$0x440] =	vst v18;
	v16 =	vadd.f32 v59, v16;
	v18 =	vadd.f32 v61, v60  }
0x4ad: {  	v62 =	vld.idx.msk [tilespmem:v8+s21+$0x0], $0xffff  }
0x4ae: {  	v63 =	vld.idx.msk [tilespmem:v9+s21+$0x0], $0xffff;
	v16 =	vadd.f32 v18, v16  }
0x4af: {  	v28 =	vld.idx.msk [tilespmem:v11+s21+$0x0], $0xffff  }
0x4b0: {  	v29 =	vld.idx.msk [tilespmem:v12+s21+$0x0], $0xffff;
	[tilespmem:s4+$0x440] =	vst v16  }
0x4b1: {  	v19 =	vadd.f32 v31, v30;
	v18 =	vadd.f32 v25, v32;
	v16 =	vld.idx.msk [tilespmem:v7+s21+$0x0], $0xffff  }
0x4b2: {  	v34 =	vld.idx.msk [tilespmem:v10+s21+$0x0], $0xffff  }
0x4b3: {  	v18 =	vadd.f32 v18, v19;
	v35 =	vld.idx.msk [tilespmem:v14+s21+$0x0], $0xffff  }
0x4b4: {  	v36 =	vld.idx.msk [tilespmem:v13+s21+$0x0], $0xffff  }
0x4b5: {  	v2 =	vld.idx.msk [tilespmem:v2+s23+$0x0], $0xffff;
	v21 =	vadd.f32 v63, v62;
	v33 =	vadd.f32 v29, v28;
	[tilespmem:s1+$0x450] =	vst v18  }
0x4b6: {  	v42 =	vld.idx.msk [tilespmem:v3+s22+$0x0], $0xffff  }
0x4b7: {  	v21 =	vadd.f32 v33, v21;
	v43 =	vld.idx.msk [tilespmem:v4+s22+$0x0], $0xffff  }
0x4b8: {  	v44 =	vld.idx.msk [tilespmem:v5+s22+$0x0], $0xffff  }
0x4b9: {  	v45 =	vld.idx.msk [tilespmem:v6+s22+$0x0], $0xffff;
	[tilespmem:s2+$0x450] =	vst v21;
	v16 =	vadd.f32 v34, v16;
	v41 =	vadd.f32 v36, v35  }
0x4ba: {  	v37 =	vld.idx.msk [tilespmem:v8+s22+$0x0], $0xffff  }
0x4bb: {  	v38 =	vld.idx.msk [tilespmem:v9+s22+$0x0], $0xffff;
	v16 =	vadd.f32 v41, v16  }
0x4bc: {  	v39 =	vld.idx.msk [tilespmem:v11+s22+$0x0], $0xffff  }
0x4bd: {  	v40 =	vld.idx.msk [tilespmem:v12+s22+$0x0], $0xffff;
	[tilespmem:s4+$0x450] =	vst v16  }
0x4be: {  	v21 =	vadd.f32 v43, v42;
	v18 =	vadd.f32 v45, v44;
	v16 =	vld.idx.msk [tilespmem:v7+s22+$0x0], $0xffff  }
0x4bf: {  	v46 =	vld.idx.msk [tilespmem:v10+s22+$0x0], $0xffff  }
0x4c0: {  	v18 =	vadd.f32 v18, v21;
	v47 =	vld.idx.msk [tilespmem:v14+s22+$0x0], $0xffff  }
0x4c1: {  	v48 =	vld.idx.msk [tilespmem:v13+s22+$0x0], $0xffff  }
0x4c2: {  	v1 =	vld.idx.msk [tilespmem:v1+s23+$0x0], $0xffff;
	v20 =	vadd.f32 v38, v37;
	v19 =	vadd.f32 v40, v39;
	[tilespmem:s1+$0x460] =	vst v18  }
0x4c3: {  	v3 =	vld.idx.msk [tilespmem:v3+s23+$0x0], $0xffff  }
0x4c4: {  	v19 =	vadd.f32 v19, v20;
	v54 =	vld.idx.msk [tilespmem:v4+s23+$0x0], $0xffff  }
0x4c5: {  	v55 =	vld.idx.msk [tilespmem:v5+s23+$0x0], $0xffff  }
0x4c6: {  	v56 =	vld.idx.msk [tilespmem:v6+s23+$0x0], $0xffff;
	[tilespmem:s2+$0x460] =	vst v19;
	v16 =	vadd.f32 v46, v16;
	v53 =	vadd.f32 v48, v47  }
0x4c7: {  	v49 =	vld.idx.msk [tilespmem:v8+s23+$0x0], $0xffff  }
0x4c8: {  	v50 =	vld.idx.msk [tilespmem:v9+s23+$0x0], $0xffff;
	v16 =	vadd.f32 v53, v16  }
0x4c9: {  	v51 =	vld.idx.msk [tilespmem:v11+s23+$0x0], $0xffff  }
0x4ca: {  	v52 =	vld.idx.msk [tilespmem:v12+s23+$0x0], $0xffff;
	[tilespmem:s4+$0x460] =	vst v16  }
0x4cb: {  	v57 =	vld.idx.msk [tilespmem:v7+s23+$0x0], $0xffff  }
0x4cc: {  	v58 =	vld.idx.msk [tilespmem:v10+s23+$0x0], $0xffff  }
0x4cd: {  	v59 =	vld.idx.msk [tilespmem:v14+s23+$0x0], $0xffff  }
0x4ce: {  	v60 =	vld.idx.msk [tilespmem:v13+s23+$0x0], $0xffff  }
0x4cf: {  	v15 =	vadd.f32 v15, v17;
	v1 =	vadd.f32 v1, v2  }
0x4d0: {  	v8 =	vadd.f32 v50, v49;
	v11 =	vadd.f32 v52, v51  }
0x4d1: {  	v1 =	vadd.f32 v1, v15;
	v3 =	vadd.f32 v54, v3  }
0x4d2: {  	v61 =	vadd.f32 v56, v55;
	v2 =	vadd.f32 v11, v8  }
0x4d3: {  	v62 =	vadd.f32 v58, v57;
	v63 =	vadd.f32 v60, v59  }
0x4d4: {  	[tilespmem:s2+$0x470] =	vst v2;
	v2 =	vadd.f32 v61, v3  }
0x4d5: {  	[tilespmem:s0+$0x470] =	vst v1;
	v1 =	vadd.f32 v63, v62  }
.Ltmp2:
0x4d6: {  	[tilespmem:s1+$0x470] =	vst v2;
	(pc) =	sbr.rel @p0 .LBB2_2-.Ltmp2, $4  }
0x4d7: {  	s29 =	sshll.u32 s6, $0xB;
	[tilespmem:s4+$0x470] =	vst v1  }
0x4d8: {  	s31 =	simm.s32 $0x17400;
	s30 =	simm.s32 $0x1;
	s1 =	rddreg [dreg:$0x4]  }
0x4d9: {  	p2 =	por $0x0, $0x0;
	p1 =	por $0x1, $0x1;
	s0 =	sadd.s32 s29, s1  }
0x4da: {  	[hbm4b:s0+s3] =	stream.linear.scatter [tilespmem:s31], [sflag:$0x2], $0x4000, $0x38;
	[tilespmem:$0x1B400] =	vst v63  }
0x4db: {  	s0 =	simm.s32 $0x1  }
0x4dc: {  	_ =	swait.ge [sflag:s0], $0x4000  }
0x4dd: {  	[sflag:s0] =	ssyncset.done $0x0  }
0x4de: {  	s1 =	simm.s32 $0x2;
	[sflag:s0] =	ssyncadd.s32 $0xFFFFC000  }
0x4df: {  	_ =	swait.ge [sflag:s1], $0x4000  }
0x4e0: {  	s2 =	rddreg [dreg:$0x6]  }
0x4e1: {  	s31 =	rddreg [dreg:$0x5];
	s2 =	sadd.s32 $0x1, s2  }
0x4e2: {  	p0 =	sne.s32 s2, s31  }
.Ltmp3:
0x4e3: {  	_ = 	snop;
	(pc) =	sbr.rel @p0 .LBB2_1-.Ltmp3, $3  }
0x4e4: {  	_ =	sdelay $0x1  }
0x4e5: {  	[sflag:s1] =	ssyncset.done $0x0  }
0x4e6: {  	[sflag:s1] =	ssyncadd.s32 $0xFFFFC000  }
0x4e7: {  	_ =	sfence.sel $0x180000  }
0x4e8: {  	[bflag:$0x0] =	sbarrier.arrive $0xFFFF  }
0x4e9: {  	_ =	strace $0x90000047  }
0x4ea: {  	s0 =	stileid.u32;
	[bflag:$0x2] =	sbarrier.arrive $0xFFFF  }
0x4eb: {  	p0 =	sne.s32 s0, $0x0;
	s0 =	rddreg [dreg:$0x2]  }
0x4ec: {  	s0 =	sadd.s32 @!p0 $0x100000, s0  }
0x4ed: {  	[sflag:s0] =	ssyncadd.tile.s32 @!p0 $0x1;
	_ =	shalt  }
.Lfunc_end2:
_tile_overlayer_lowered:
.L_overlay_start_2:
0x4ee: {  	(tag) =	ssettag $0x2  }
0x4ef: {  	s0 =	rddreg [dreg:$0x0];
	s2 =	stileid.u32  }
0x4f0: {  	s1 =	rddreg [dreg:$0x1];
	p0 =	sne.s32 s2, $0x0  }
0x4f1: {  	s3 =	rddreg [dreg:$0x2];
	[bflag:$0x3] =	sbarrier.arrive $0xFFFF;
	s2 =	simm.s32 @!p0 $0x1C03  }
0x4f2: {  	[timem:s3], [sflag:s2] =	dma.local @!p0 [hbm:s0], s1  }
0x4f3: {  	s0 =	simm.s32 @!p0 $0x3  }
0x4f4: {  	_ =	swait.ge @!p0 [sflag:s0], s1  }
0x4f5: {  	s1 =	ssub.s32 @!p0 $0x0, s1;
	[sflag:s0] =	ssyncset.done @!p0 $0x0  }
0x4f6: {  	[sflag:s0] =	ssyncadd.s32 @!p0 s1  }
0x4f7: {  	[bflag:$0x3] =	sbarrier.arrive $0xFFFF  }
0x4f8: {  	_ =	shalt  }

</sc_bundles>
